<compile_context>
chip_gen: v7x
topology: tpu7x:2x2x1
jax: 0.10.2.dev20260603
libtpu: 0.0.44.dev20260713+nightly
codegen_flags: <defaults>
</compile_context>

<pallas_src>
import functools

import jax
import jax.numpy as jnp
from jax import lax
from jax.experimental import pallas as pl
from jax.experimental.pallas import tpu as pltpu
from jax.experimental.pallas import tpu_sc as plsc

L = 16
NBATCH = 4
HW = 224 * 224
NPIX = NBATCH * HW
TPB = 8
CHUNK = HW // TPB
NBIN = 256
OPT = NBIN // TPB


def _sc_body(x_hbm, wtt_hbm, bias_hbm, out_hbm,
             xbuf, xibuf, hist16, hist256, htile, wbuf, bbuf, val32,
             valtab, outbuf, sem_x, sem_x2, sem_w, sem_b, histsh, valsh):
    c = lax.axis_index("c")
    s = lax.axis_index("s")
    batch_local = s // TPB
    t = s % TPB
    batch = c * 2 + batch_local
    off = pl.multiple_of(batch * HW + t * CHUNK, 64)
    obase = pl.multiple_of(t * OPT, 32)

    HALF = CHUNK // 2
    cp_x = pltpu.async_copy(x_hbm.at[pl.ds(off, HALF)],
                            xbuf.at[pl.ds(0, HALF)], sem_x)
    cp_x2 = pltpu.async_copy(x_hbm.at[pl.ds(off + HALF, HALF)],
                             xbuf.at[pl.ds(HALF, HALF)], sem_x2)

    zeros = jnp.zeros((L,), jnp.float32)
    ones = jnp.ones((L,), jnp.float32)
    lane = lax.iota(jnp.int32, L)

    @plsc.parallel_loop(0, L * NBIN, L, unroll=8)
    def zero_body(i):
        hist16[pl.ds(i, L)] = zeros

    def p1_body(i):
        v = xbuf[pl.ds(i, L)]
        xi = jnp.clip((v * 255.0).astype(jnp.int32), 0, 255)
        xibuf[pl.ds(i, L)] = xi
        plsc.addupdate_scatter(hist16, [lane * NBIN + xi], ones)

    cp_x.wait()
    cp_w = pltpu.async_copy(wtt_hbm.at[t], wbuf, sem_w)
    cp_b = pltpu.async_copy(bias_hbm.at[pl.ds(obase, OPT)], bbuf, sem_b)
    plsc.parallel_loop(0, HALF, L, unroll=8)(p1_body)
    cp_x2.wait()
    plsc.parallel_loop(HALF, CHUNK, L, unroll=8)(p1_body)

    for k in range(NBIN // L):
        acc = hist16[pl.ds(k * L, L)]
        for ln in range(1, L):
            acc = acc + hist16[pl.ds(ln * NBIN + k * L, L)]
        hist256[pl.ds(k * L, L)] = acc

    pltpu.sync_copy(hist256, histsh.at[s])
    plsc.subcore_barrier()

    cps = [pltpu.async_copy(histsh.at[batch_local * TPB + r],
                            htile.at[pl.ds(r * NBIN, NBIN)], sem_b)
           for r in range(TPB)]
    for cp in cps:
        cp.wait()
    inv = jnp.float32(1.0 / HW)
    for k in range(NBIN // L):
        acc = htile[pl.ds(k * L, L)]
        for r in range(1, TPB):
            acc = acc + htile[pl.ds(r * NBIN + k * L, L)]
        hist256[pl.ds(k * L, L)] = acc * inv

    lane_f = lane.astype(jnp.float32)
    cp_w.wait()
    cp_b.wait()
    for k in range(OPT // L):
        def mm(jc, acc):
            hv = hist256[pl.ds(jc * L, L)]
            for jj in range(L):
                acc = acc + hv[jj] * wbuf[pl.ds((jc * L + jj) * OPT + k * L, L)]
            return acc
        z = lax.fori_loop(0, NBIN // L, mm, bbuf[pl.ds(k * L, L)])
        gate = jnp.exp(z) > 0.0
        cvals = ((obase + k * L).astype(jnp.float32) + lane_f) * (1.0 / 255.0)
        val32[pl.ds(k * L, L)] = jnp.where(gate, cvals, 0.0)
    pltpu.sync_copy(val32, valsh.at[batch_local, pl.ds(obase, OPT)])
    plsc.subcore_barrier()

    pltpu.sync_copy(valsh.at[batch_local], valtab)

    @plsc.parallel_loop(0, CHUNK, L, unroll=8)
    def p4(i):
        xi = xibuf[pl.ds(i, L)]
        outbuf[pl.ds(i, L)] = plsc.load_gather(valtab, [xi])

    pltpu.sync_copy(outbuf, out_hbm.at[pl.ds(off, CHUNK)])


_sc_call = functools.partial(
    pl.kernel,
    mesh=plsc.VectorSubcoreMesh(core_axis_name="c", subcore_axis_name="s"),
    out_type=jax.ShapeDtypeStruct((NPIX,), jnp.float32),
    compiler_params=pltpu.CompilerParams(
        needs_layout_passes=False,
        disable_bounds_checks=True,
        disable_semaphore_checks=True,
        skip_device_barrier=True,
    ),
    scratch_types=[
        pltpu.VMEM((CHUNK,), jnp.float32),
        pltpu.VMEM((CHUNK,), jnp.int32),
        pltpu.VMEM((L * NBIN,), jnp.float32),
        pltpu.VMEM((NBIN,), jnp.float32),
        pltpu.VMEM((TPB * NBIN,), jnp.float32),
        pltpu.VMEM((NBIN * OPT,), jnp.float32),
        pltpu.VMEM((OPT,), jnp.float32),
        pltpu.VMEM((OPT,), jnp.float32),
        pltpu.VMEM((NBIN,), jnp.float32),
        pltpu.VMEM((CHUNK,), jnp.float32),
        pltpu.SemaphoreType.DMA,
        pltpu.SemaphoreType.DMA,
        pltpu.SemaphoreType.DMA,
        pltpu.SemaphoreType.DMA,
        pltpu.VMEM_SHARED((16, NBIN), jnp.float32),
        pltpu.VMEM_SHARED((2, NBIN), jnp.float32),
    ],
)(_sc_body)


@jax.jit
def kernel(x, W, b):
    bsz, ch, h, w = x.shape
    xflat = x.reshape(NPIX)
    wtt = W.reshape(TPB, OPT, NBIN).transpose(0, 2, 1).reshape(TPB, NBIN * OPT)
    out = _sc_call(xflat, wtt, b)
    return out.reshape(bsz, ch, h, w)

# --- scband reference (transcript-rebuilt; emitter-appended) ---
"""Pipeline reference for scband-out-conv-37898791420065 (READ-ONLY COPY).

The authoritative reference and input builder live on the scoring server;
editing this copy changes nothing except your own understanding.
"""

import jax, jax.numpy as jnp
import numpy as np


def setup_inputs(seed: int = 0) -> dict:
    key = jax.random.key(seed)
    k1, k2, k3 = jax.random.split(key, 3)
    # x in [0,1) so the module takes the is_int=0 path (x.max() <= 1)
    x = jax.random.uniform(k1, (4, 1, 224, 224), dtype=jnp.float32)
    # nn.Linear(256, 256) parameters
    W = jax.random.normal(k2, (256, 256), dtype=jnp.float32) * (1.0 / np.sqrt(256.0))
    b = jax.random.normal(k3, (256,), dtype=jnp.float32) * 0.01
    return {"x": x, "W": W, "b": b}


def reference(x, W, b):
    bsz, c, h, w = x.shape
    # is_int = 0 path: x.max() <= 1 -> x *= 255; x = x.long() (truncation)
    xi = jnp.clip((x * 255.0).astype(jnp.int32), 0, 255)  # [b,1,h,w]
    # one-hot scatter: x_onehot.scatter_(2, x.unsqueeze(2), 1) -> a = squeeze(1) : [b,256,h,w]
    a = jnp.zeros((bsz, 256, h, w), dtype=jnp.float32)
    bi = jnp.arange(bsz)[:, None, None]
    hi = jnp.arange(h)[None, :, None]
    wi = jnp.arange(w)[None, None, :]
    a = a.at[bi, xi[:, 0], hi, wi].set(1.0)
    # AdaptiveAvgPool2d(1) over (h,w) -> per-bin histogram fractions [b,256]
    y = jnp.mean(a, axis=(2, 3))
    # Linear(256,256) + sigmoid
    y = jax.nn.sigmoid(y @ W.T + b)
    # channel-wise (bin-wise) attention
    a = a * y[:, :, None, None]
    # x = argmax over bin dim, back to [b,1,h,w], float
    out = jnp.argmax(a, axis=1)[:, None, :, :].astype(jnp.float32)
    # is_int == 0 -> return x / 255
    return out / 255.0

if __name__ == "__main__":
    import jax
    _d = setup_inputs()
    print(jax.jit(kernel)(*tuple(_d.values())))

</pallas_src>

<mosaic_0001>
#map = affine_map<(d0, d1) -> (0)>
#map1 = affine_map<(d0, d1) -> (0, 0)>
module attributes {stable_mosaic.version = 14 : i64} {
  func.func @_sc_body(%arg0: i32, %arg1: i32, %arg2: memref<200704xf32, #tpu.memory_space<hbm>>, %arg3: memref<8x8192xf32, #tpu.memory_space<hbm>>, %arg4: memref<256xf32, #tpu.memory_space<hbm>>, %arg5: memref<200704xf32, #tpu.memory_space<hbm>>, %arg6: memref<6272xf32, #tpu.memory_space<vmem>>, %arg7: memref<6272xi32, #tpu.memory_space<vmem>>, %arg8: memref<4096xf32, #tpu.memory_space<vmem>>, %arg9: memref<256xf32, #tpu.memory_space<vmem>>, %arg10: memref<2048xf32, #tpu.memory_space<vmem>>, %arg11: memref<8192xf32, #tpu.memory_space<vmem>>, %arg12: memref<32xf32, #tpu.memory_space<vmem>>, %arg13: memref<32xf32, #tpu.memory_space<vmem>>, %arg14: memref<256xf32, #tpu.memory_space<vmem>>, %arg15: memref<6272xf32, #tpu.memory_space<vmem>>, %arg16: memref<!tpu.dma_semaphore, #tpu.memory_space<semaphore_mem>>, %arg17: memref<!tpu.dma_semaphore, #tpu.memory_space<semaphore_mem>>, %arg18: memref<!tpu.dma_semaphore, #tpu.memory_space<semaphore_mem>>, %arg19: memref<!tpu.dma_semaphore, #tpu.memory_space<semaphore_mem>>, %arg20: memref<16x256xf32, #tpu.memory_space<vmem_shared>>, %arg21: memref<2x256xf32, #tpu.memory_space<vmem_shared>>) attributes {dimension_semantics = [#tpu.dimension_semantics<core_parallel>, #tpu.dimension_semantics<subcore_parallel>], iteration_bounds = array<i64: 2, 16>, scalar_prefetch = 0 : i64, scratch_operands = 16 : i64, tpu.core_type = #tpu.core_type<sc_vector_subcore>, window_params = [{transform_indices = #map}, {transform_indices = #map1}, {transform_indices = #map}, {transform_indices = #map}]} {
    %jit3A = arith.constant 8 : i32
    %div3A = arith.divsi %arg1, %jit3A : i32
    %sign3A = arith.constant 0 : i32
    %sign3A_0 = arith.cmpi sgt, %arg1, %sign3A : i32
    %sign3A_1 = arith.extui %sign3A_0 : i1 to i32
    %sign3A_2 = arith.constant 0 : i32
    %sign3A_3 = arith.cmpi slt, %arg1, %sign3A_2 : i32
    %sign3A_4 = arith.extui %sign3A_3 : i1 to i32
    %sign3A_5 = arith.subi %sign3A_1, %sign3A_4 : i32
    %sign3A_6 = arith.constant 0 : i32
    %sign3A_7 = arith.cmpi sgt, %jit3A, %sign3A_6 : i32
    %sign3A_8 = arith.extui %sign3A_7 : i1 to i32
    %sign3A_9 = arith.constant 0 : i32
    %sign3A_10 = arith.cmpi slt, %jit3A, %sign3A_9 : i32
    %sign3A_11 = arith.extui %sign3A_10 : i1 to i32
    %sign3A_12 = arith.subi %sign3A_8, %sign3A_11 : i32
    %ne3A = arith.cmpi ne, %sign3A_5, %sign3A_12 : i32
    %rem3A = arith.remsi %arg1, %jit3A : i32
    %ne3A_13 = arith.constant 0 : i32
    %ne3A_14 = arith.cmpi ne, %rem3A, %ne3A_13 : i32
    %and3A = arith.andi %ne3A, %ne3A_14 : i1
    %sub3A = arith.constant 1 : i32
    %sub3A_15 = arith.subi %div3A, %sub3A : i32
    %select_n3A = arith.select %and3A, %sub3A_15, %div3A : i32
    %jit3A_16 = arith.constant 8 : i32
    %eq3A = arith.constant 0 : i32
    %eq3A_17 = arith.cmpi eq, %jit3A_16, %eq3A : i32
    %jit3A_18 = arith.constant 1 : i32
    %select_n3A_19 = arith.select %eq3A_17, %jit3A_18, %jit3A_16 : i32
    %rem3A_20 = arith.remsi %arg1, %select_n3A_19 : i32
    %ne3A_21 = arith.constant 0 : i32
    %ne3A_22 = arith.cmpi ne, %rem3A_20, %ne3A_21 : i32
    %lt3A = arith.constant 0 : i32
    %lt3A_23 = arith.cmpi slt, %rem3A_20, %lt3A : i32
    %lt3A_24 = arith.constant 0 : i32
    %lt3A_25 = arith.cmpi slt, %select_n3A_19, %lt3A_24 : i32
    %ne3A_26 = arith.xori %lt3A_23, %lt3A_25 : i1
    %and3A_27 = arith.andi %ne3A_26, %ne3A_22 : i1
    %add3A = arith.addi %rem3A_20, %select_n3A_19 : i32
    %select_n3A_28 = arith.select %and3A_27, %add3A, %rem3A_20 : i32
    %mul3A = arith.constant 2 : i32
    %mul3A_29 = arith.muli %arg0, %mul3A : i32
    %add3A_30 = arith.addi %mul3A_29, %select_n3A : i32
    %mul3A_31 = arith.constant 50176 : i32
    %mul3A_32 = arith.muli %add3A_30, %mul3A_31 : i32
    %mul3A_33 = arith.constant 6272 : i32
    %mul3A_34 = arith.muli %select_n3A_28, %mul3A_33 : i32
    %add3A_35 = arith.addi %mul3A_32, %mul3A_34 : i32
    %multiple_of3A = tpu.assume_multiple %add3A_35, 64 : i32
    %mul3A_36 = arith.constant 32 : i32
    %mul3A_37 = arith.muli %select_n3A_28, %mul3A_36 : i32
    %multiple_of3A_38 = tpu.assume_multiple %mul3A_37, 32 : i32
    %dma_start3A = arith.constant 0 : i32
    %dma_start3A_39 = tpu.memref_slice %arg6[%dma_start3A] : memref<6272xf32, #tpu.memory_space<vmem>> -> memref<3136xf32, #tpu.memory_space<vmem>>
    %dma_start3A_40 = tpu.memref_slice %arg2[%multiple_of3A] : memref<200704xf32, #tpu.memory_space<hbm>> -> memref<3136xf32, #tpu.memory_space<hbm>>
    %dma_start3A_41 = arith.constant 0 : i32
    %dma_start3A_42 = tpu.memref_slice %arg6[%dma_start3A_41] : memref<6272xf32, #tpu.memory_space<vmem>> -> memref<3136xf32, #tpu.memory_space<vmem>>
    %dma_start3A_43 = tpu.memref_slice %arg2[%multiple_of3A] : memref<200704xf32, #tpu.memory_space<hbm>> -> memref<3136xf32, #tpu.memory_space<hbm>>
    tpu.enqueue_dma source(%dma_start3A_43 : memref<3136xf32, #tpu.memory_space<hbm>>) target(%dma_start3A_42 : memref<3136xf32, #tpu.memory_space<vmem>>) target_semaphore(%arg16 : memref<!tpu.dma_semaphore, #tpu.memory_space<semaphore_mem>>)
    %add3A_44 = arith.constant 3136 : i32
    %add3A_45 = arith.addi %multiple_of3A, %add3A_44 : i32
    %dma_start3A_46 = arith.constant 3136 : i32
    %dma_start3A_47 = tpu.memref_slice %arg6[%dma_start3A_46] : memref<6272xf32, #tpu.memory_space<vmem>> -> memref<3136xf32, #tpu.memory_space<vmem>>
    %dma_start3A_48 = tpu.memref_slice %arg2[%add3A_45] : memref<200704xf32, #tpu.memory_space<hbm>> -> memref<3136xf32, #tpu.memory_space<hbm>>
    %dma_start3A_49 = arith.constant 3136 : i32
    %dma_start3A_50 = tpu.memref_slice %arg6[%dma_start3A_49] : memref<6272xf32, #tpu.memory_space<vmem>> -> memref<3136xf32, #tpu.memory_space<vmem>>
    %dma_start3A_51 = tpu.memref_slice %arg2[%add3A_45] : memref<200704xf32, #tpu.memory_space<hbm>> -> memref<3136xf32, #tpu.memory_space<hbm>>
    tpu.enqueue_dma source(%dma_start3A_51 : memref<3136xf32, #tpu.memory_space<hbm>>) target(%dma_start3A_50 : memref<3136xf32, #tpu.memory_space<vmem>>) target_semaphore(%arg17 : memref<!tpu.dma_semaphore, #tpu.memory_space<semaphore_mem>>)
    %broadcast_in_dim3A = arith.constant 0.000000e+00 : f32
    %broadcast_in_dim3A_52 = vector.broadcast %broadcast_in_dim3A : f32 to vector<16xf32>
    %broadcast_in_dim3A_53 = arith.constant 1.000000e+00 : f32
    %broadcast_in_dim3A_54 = vector.broadcast %broadcast_in_dim3A_53 : f32 to vector<16xf32>
    %iota3A = tpu.iota {dimensions = array<i32: 0>} : vector<16xi32>
    %parallel_loop3A = arith.constant 0 : i32
    %parallel_loop3A_55 = arith.constant 4096 : i32
    %parallel_loop3A_56 = arith.constant 16 : i32
    scf.for %parallel_loop3A_1563 = %parallel_loop3A to %parallel_loop3A_55 step %parallel_loop3A_56  : i32 {
      %parallel_loop3A_1564 = arith.index_cast %parallel_loop3A_1563 : i32 to index
      %parallel_loop3A_1565 = tpu.vector_load %arg8[%parallel_loop3A_1564] {strides = array<i32>} : memref<4096xf32, #tpu.memory_space<vmem>>, vector<16xf32>,
      tpu.vector_store %arg8[%parallel_loop3A_1564], %broadcast_in_dim3A_52 {strides = array<i32>} : memref<4096xf32, #tpu.memory_space<vmem>>, vector<16xf32>,
    } {sc.loop_unroll_factor = 8 : i64, sc.parallel_access}
    %dma_wait3A = arith.constant 0 : i32
    %dma_wait3A_57 = tpu.memref_slice %arg6[%dma_wait3A] : memref<6272xf32, #tpu.memory_space<vmem>> -> memref<3136xf32, #tpu.memory_space<vmem>>
    %dma_wait3A_58 = tpu.memref_slice %arg2[%multiple_of3A] : memref<200704xf32, #tpu.memory_space<hbm>> -> memref<3136xf32, #tpu.memory_space<hbm>>
    %dma_wait3A_59 = arith.constant 0 : i32
    %dma_wait3A_60 = tpu.memref_slice %arg6[%dma_wait3A_59] : memref<6272xf32, #tpu.memory_space<vmem>> -> memref<3136xf32, #tpu.memory_space<vmem>>
    %dma_wait3A_61 = tpu.memref_slice %arg2[%multiple_of3A] : memref<200704xf32, #tpu.memory_space<hbm>> -> memref<3136xf32, #tpu.memory_space<hbm>>
    tpu.wait_dma2 semaphore(%arg16 : memref<!tpu.dma_semaphore, #tpu.memory_space<semaphore_mem>>) src(%dma_wait3A_61 : memref<3136xf32, #tpu.memory_space<hbm>>) dst(%dma_wait3A_60 : memref<3136xf32, #tpu.memory_space<vmem>>)
    %dma_start3A_62 = arith.constant 0 : i32
    %dma_start3A_63 = tpu.memref_slice %arg3[%select_n3A_28, %dma_start3A_62] : memref<8x8192xf32, #tpu.memory_space<hbm>> -> memref<1x8192xf32, #tpu.memory_space<hbm>>
    %dma_start3A_64 = tpu.memref_squeeze %dma_start3A_63 : memref<1x8192xf32, #tpu.memory_space<hbm>> -> memref<8192xf32, #tpu.memory_space<hbm>>
    %dma_start3A_65 = arith.constant 0 : i32
    %dma_start3A_66 = tpu.memref_slice %arg3[%select_n3A_28, %dma_start3A_65] : memref<8x8192xf32, #tpu.memory_space<hbm>> -> memref<1x8192xf32, #tpu.memory_space<hbm>>
    %dma_start3A_67 = tpu.memref_squeeze %dma_start3A_66 : memref<1x8192xf32, #tpu.memory_space<hbm>> -> memref<8192xf32, #tpu.memory_space<hbm>>
    tpu.enqueue_dma source(%dma_start3A_67 : memref<8192xf32, #tpu.memory_space<hbm>>) target(%arg11 : memref<8192xf32, #tpu.memory_space<vmem>>) target_semaphore(%arg18 : memref<!tpu.dma_semaphore, #tpu.memory_space<semaphore_mem>>)
    %dma_start3A_68 = tpu.memref_slice %arg4[%multiple_of3A_38] : memref<256xf32, #tpu.memory_space<hbm>> -> memref<32xf32, #tpu.memory_space<hbm>>
    %dma_start3A_69 = tpu.memref_slice %arg4[%multiple_of3A_38] : memref<256xf32, #tpu.memory_space<hbm>> -> memref<32xf32, #tpu.memory_space<hbm>>
    tpu.enqueue_dma source(%dma_start3A_69 : memref<32xf32, #tpu.memory_space<hbm>>) target(%arg12 : memref<32xf32, #tpu.memory_space<vmem>>) target_semaphore(%arg19 : memref<!tpu.dma_semaphore, #tpu.memory_space<semaphore_mem>>)
    %parallel_loop3A_70 = arith.constant 0 : i32
    %parallel_loop3A_71 = arith.constant 3136 : i32
    %parallel_loop3A_72 = arith.constant 16 : i32
    scf.for %parallel_loop3A_1563 = %parallel_loop3A_70 to %parallel_loop3A_71 step %parallel_loop3A_72  : i32 {
      %parallel_loop3A_1564 = arith.index_cast %parallel_loop3A_1563 : i32 to index
      %parallel_loop3A_1565 = tpu.vector_load %arg6[%parallel_loop3A_1564] {strides = array<i32>} : memref<6272xf32, #tpu.memory_space<vmem>>, vector<16xf32>,
      %parallel_loop3A_1566 = arith.constant 2.550000e+02 : f32
      %parallel_loop3A_1567 = vector.broadcast %parallel_loop3A_1566 : f32 to vector<16xf32>
      %parallel_loop3A_1568 = arith.mulf %parallel_loop3A_1565, %parallel_loop3A_1567 : vector<16xf32>
      %parallel_loop3A_1569 = arith.fptosi %parallel_loop3A_1568 : vector<16xf32> to vector<16xi32>
      %parallel_loop3A_1570 = arith.constant 0 : i32
      %parallel_loop3A_1571 = arith.constant 255 : i32
      %parallel_loop3A_1572 = vector.broadcast %parallel_loop3A_1570 : i32 to vector<16xi32>
      %parallel_loop3A_1573 = arith.maxsi %parallel_loop3A_1572, %parallel_loop3A_1569 : vector<16xi32>
      %parallel_loop3A_1574 = vector.broadcast %parallel_loop3A_1571 : i32 to vector<16xi32>
      %parallel_loop3A_1575 = arith.minsi %parallel_loop3A_1574, %parallel_loop3A_1573 : vector<16xi32>
      %parallel_loop3A_1576 = arith.index_cast %parallel_loop3A_1563 : i32 to index
      %parallel_loop3A_1577 = tpu.vector_load %arg7[%parallel_loop3A_1576] {strides = array<i32>} : memref<6272xi32, #tpu.memory_space<vmem>>, vector<16xi32>,
      tpu.vector_store %arg7[%parallel_loop3A_1576], %parallel_loop3A_1575 {strides = array<i32>} : memref<6272xi32, #tpu.memory_space<vmem>>, vector<16xi32>,
      %parallel_loop3A_1578 = arith.constant 256 : i32
      %parallel_loop3A_1579 = vector.broadcast %parallel_loop3A_1578 : i32 to vector<16xi32>
      %parallel_loop3A_1580 = arith.muli %iota3A, %parallel_loop3A_1579 : vector<16xi32>
      %parallel_loop3A_1581 = arith.addi %parallel_loop3A_1580, %parallel_loop3A_1575 : vector<16xi32>
      tpu.vector_store_idx %arg8[%parallel_loop3A_1581], %broadcast_in_dim3A_54 {add = true} : memref<4096xf32, #tpu.memory_space<vmem>>[vector<16xi32>], vector<16xf32>,
    } {sc.loop_unroll_factor = 8 : i64, sc.parallel_access}
    %dma_wait3A_73 = arith.constant 3136 : i32
    %dma_wait3A_74 = tpu.memref_slice %arg6[%dma_wait3A_73] : memref<6272xf32, #tpu.memory_space<vmem>> -> memref<3136xf32, #tpu.memory_space<vmem>>
    %dma_wait3A_75 = tpu.memref_slice %arg2[%add3A_45] : memref<200704xf32, #tpu.memory_space<hbm>> -> memref<3136xf32, #tpu.memory_space<hbm>>
    %dma_wait3A_76 = arith.constant 3136 : i32
    %dma_wait3A_77 = tpu.memref_slice %arg6[%dma_wait3A_76] : memref<6272xf32, #tpu.memory_space<vmem>> -> memref<3136xf32, #tpu.memory_space<vmem>>
    %dma_wait3A_78 = tpu.memref_slice %arg2[%add3A_45] : memref<200704xf32, #tpu.memory_space<hbm>> -> memref<3136xf32, #tpu.memory_space<hbm>>
    tpu.wait_dma2 semaphore(%arg17 : memref<!tpu.dma_semaphore, #tpu.memory_space<semaphore_mem>>) src(%dma_wait3A_78 : memref<3136xf32, #tpu.memory_space<hbm>>) dst(%dma_wait3A_77 : memref<3136xf32, #tpu.memory_space<vmem>>)
    %parallel_loop3A_79 = arith.constant 3136 : i32
    %parallel_loop3A_80 = arith.constant 6272 : i32
    %parallel_loop3A_81 = arith.constant 16 : i32
    scf.for %parallel_loop3A_1563 = %parallel_loop3A_79 to %parallel_loop3A_80 step %parallel_loop3A_81  : i32 {
      %parallel_loop3A_1564 = arith.index_cast %parallel_loop3A_1563 : i32 to index
      %parallel_loop3A_1565 = tpu.vector_load %arg6[%parallel_loop3A_1564] {strides = array<i32>} : memref<6272xf32, #tpu.memory_space<vmem>>, vector<16xf32>,
      %parallel_loop3A_1566 = arith.constant 2.550000e+02 : f32
      %parallel_loop3A_1567 = vector.broadcast %parallel_loop3A_1566 : f32 to vector<16xf32>
      %parallel_loop3A_1568 = arith.mulf %parallel_loop3A_1565, %parallel_loop3A_1567 : vector<16xf32>
      %parallel_loop3A_1569 = arith.fptosi %parallel_loop3A_1568 : vector<16xf32> to vector<16xi32>
      %parallel_loop3A_1570 = arith.constant 0 : i32
      %parallel_loop3A_1571 = arith.constant 255 : i32
      %parallel_loop3A_1572 = vector.broadcast %parallel_loop3A_1570 : i32 to vector<16xi32>
      %parallel_loop3A_1573 = arith.maxsi %parallel_loop3A_1572, %parallel_loop3A_1569 : vector<16xi32>
      %parallel_loop3A_1574 = vector.broadcast %parallel_loop3A_1571 : i32 to vector<16xi32>
      %parallel_loop3A_1575 = arith.minsi %parallel_loop3A_1574, %parallel_loop3A_1573 : vector<16xi32>
      %parallel_loop3A_1576 = arith.index_cast %parallel_loop3A_1563 : i32 to index
      %parallel_loop3A_1577 = tpu.vector_load %arg7[%parallel_loop3A_1576] {strides = array<i32>} : memref<6272xi32, #tpu.memory_space<vmem>>, vector<16xi32>,
      tpu.vector_store %arg7[%parallel_loop3A_1576], %parallel_loop3A_1575 {strides = array<i32>} : memref<6272xi32, #tpu.memory_space<vmem>>, vector<16xi32>,
      %parallel_loop3A_1578 = arith.constant 256 : i32
      %parallel_loop3A_1579 = vector.broadcast %parallel_loop3A_1578 : i32 to vector<16xi32>
      %parallel_loop3A_1580 = arith.muli %iota3A, %parallel_loop3A_1579 : vector<16xi32>
      %parallel_loop3A_1581 = arith.addi %parallel_loop3A_1580, %parallel_loop3A_1575 : vector<16xi32>
      tpu.vector_store_idx %arg8[%parallel_loop3A_1581], %broadcast_in_dim3A_54 {add = true} : memref<4096xf32, #tpu.memory_space<vmem>>[vector<16xi32>], vector<16xf32>,
    } {sc.loop_unroll_factor = 8 : i64, sc.parallel_access}
    %get3A = arith.constant 0 : index
    %get3A_82 = tpu.vector_load %arg8[%get3A] {strides = array<i32>} : memref<4096xf32, #tpu.memory_space<vmem>>, vector<16xf32>,
    %get3A_83 = arith.constant 256 : index
    %get3A_84 = tpu.vector_load %arg8[%get3A_83] {strides = array<i32>} : memref<4096xf32, #tpu.memory_space<vmem>>, vector<16xf32>,
    %add3A_85 = arith.addf %get3A_82, %get3A_84 : vector<16xf32>
    %get3A_86 = arith.constant 512 : index
    %get3A_87 = tpu.vector_load %arg8[%get3A_86] {strides = array<i32>} : memref<4096xf32, #tpu.memory_space<vmem>>, vector<16xf32>,
    %add3A_88 = arith.addf %add3A_85, %get3A_87 : vector<16xf32>
    %get3A_89 = arith.constant 768 : index
    %get3A_90 = tpu.vector_load %arg8[%get3A_89] {strides = array<i32>} : memref<4096xf32, #tpu.memory_space<vmem>>, vector<16xf32>,
    %add3A_91 = arith.addf %add3A_88, %get3A_90 : vector<16xf32>
    %get3A_92 = arith.constant 1024 : index
    %get3A_93 = tpu.vector_load %arg8[%get3A_92] {strides = array<i32>} : memref<4096xf32, #tpu.memory_space<vmem>>, vector<16xf32>,
    %add3A_94 = arith.addf %add3A_91, %get3A_93 : vector<16xf32>
    %get3A_95 = arith.constant 1280 : index
    %get3A_96 = tpu.vector_load %arg8[%get3A_95] {strides = array<i32>} : memref<4096xf32, #tpu.memory_space<vmem>>, vector<16xf32>,
    %add3A_97 = arith.addf %add3A_94, %get3A_96 : vector<16xf32>
    %get3A_98 = arith.constant 1536 : index
    %get3A_99 = tpu.vector_load %arg8[%get3A_98] {strides = array<i32>} : memref<4096xf32, #tpu.memory_space<vmem>>, vector<16xf32>,
    %add3A_100 = arith.addf %add3A_97, %get3A_99 : vector<16xf32>
    %get3A_101 = arith.constant 1792 : index
    %get3A_102 = tpu.vector_load %arg8[%get3A_101] {strides = array<i32>} : memref<4096xf32, #tpu.memory_space<vmem>>, vector<16xf32>,
    %add3A_103 = arith.addf %add3A_100, %get3A_102 : vector<16xf32>
    %get3A_104 = arith.constant 2048 : index
    %get3A_105 = tpu.vector_load %arg8[%get3A_104] {strides = array<i32>} : memref<4096xf32, #tpu.memory_space<vmem>>, vector<16xf32>,
    %add3A_106 = arith.addf %add3A_103, %get3A_105 : vector<16xf32>
    %get3A_107 = arith.constant 2304 : index
    %get3A_108 = tpu.vector_load %arg8[%get3A_107] {strides = array<i32>} : memref<4096xf32, #tpu.memory_space<vmem>>, vector<16xf32>,
    %add3A_109 = arith.addf %add3A_106, %get3A_108 : vector<16xf32>
    %get3A_110 = arith.constant 2560 : index
    %get3A_111 = tpu.vector_load %arg8[%get3A_110] {strides = array<i32>} : memref<4096xf32, #tpu.memory_space<vmem>>, vector<16xf32>,
    %add3A_112 = arith.addf %add3A_109, %get3A_111 : vector<16xf32>
    %get3A_113 = arith.constant 2816 : index
    %get3A_114 = tpu.vector_load %arg8[%get3A_113] {strides = array<i32>} : memref<4096xf32, #tpu.memory_space<vmem>>, vector<16xf32>,
    %add3A_115 = arith.addf %add3A_112, %get3A_114 : vector<16xf32>
    %get3A_116 = arith.constant 3072 : index
    %get3A_117 = tpu.vector_load %arg8[%get3A_116] {strides = array<i32>} : memref<4096xf32, #tpu.memory_space<vmem>>, vector<16xf32>,
    %add3A_118 = arith.addf %add3A_115, %get3A_117 : vector<16xf32>
    %get3A_119 = arith.constant 3328 : index
    %get3A_120 = tpu.vector_load %arg8[%get3A_119] {strides = array<i32>} : memref<4096xf32, #tpu.memory_space<vmem>>, vector<16xf32>,
    %add3A_121 = arith.addf %add3A_118, %get3A_120 : vector<16xf32>
    %get3A_122 = arith.constant 3584 : index
    %get3A_123 = tpu.vector_load %arg8[%get3A_122] {strides = array<i32>} : memref<4096xf32, #tpu.memory_space<vmem>>, vector<16xf32>,
    %add3A_124 = arith.addf %add3A_121, %get3A_123 : vector<16xf32>
    %get3A_125 = arith.constant 3840 : index
    %get3A_126 = tpu.vector_load %arg8[%get3A_125] {strides = array<i32>} : memref<4096xf32, #tpu.memory_space<vmem>>, vector<16xf32>,
    %add3A_127 = arith.addf %add3A_124, %get3A_126 : vector<16xf32>
    %swap3A = arith.constant 0 : index
    %swap3A_128 = tpu.vector_load %arg9[%swap3A] {strides = array<i32>} : memref<256xf32, #tpu.memory_space<vmem>>, vector<16xf32>,
    tpu.vector_store %arg9[%swap3A], %add3A_127 {strides = array<i32>} : memref<256xf32, #tpu.memory_space<vmem>>, vector<16xf32>,
    %get3A_129 = arith.constant 16 : index
    %get3A_130 = tpu.vector_load %arg8[%get3A_129] {strides = array<i32>} : memref<4096xf32, #tpu.memory_space<vmem>>, vector<16xf32>,
    %get3A_131 = arith.constant 272 : index
    %get3A_132 = tpu.vector_load %arg8[%get3A_131] {strides = array<i32>} : memref<4096xf32, #tpu.memory_space<vmem>>, vector<16xf32>,
    %add3A_133 = arith.addf %get3A_130, %get3A_132 : vector<16xf32>
    %get3A_134 = arith.constant 528 : index
    %get3A_135 = tpu.vector_load %arg8[%get3A_134] {strides = array<i32>} : memref<4096xf32, #tpu.memory_space<vmem>>, vector<16xf32>,
    %add3A_136 = arith.addf %add3A_133, %get3A_135 : vector<16xf32>
    %get3A_137 = arith.constant 784 : index
    %get3A_138 = tpu.vector_load %arg8[%get3A_137] {strides = array<i32>} : memref<4096xf32, #tpu.memory_space<vmem>>, vector<16xf32>,
    %add3A_139 = arith.addf %add3A_136, %get3A_138 : vector<16xf32>
    %get3A_140 = arith.constant 1040 : index
    %get3A_141 = tpu.vector_load %arg8[%get3A_140] {strides = array<i32>} : memref<4096xf32, #tpu.memory_space<vmem>>, vector<16xf32>,
    %add3A_142 = arith.addf %add3A_139, %get3A_141 : vector<16xf32>
    %get3A_143 = arith.constant 1296 : index
    %get3A_144 = tpu.vector_load %arg8[%get3A_143] {strides = array<i32>} : memref<4096xf32, #tpu.memory_space<vmem>>, vector<16xf32>,
    %add3A_145 = arith.addf %add3A_142, %get3A_144 : vector<16xf32>
    %get3A_146 = arith.constant 1552 : index
    %get3A_147 = tpu.vector_load %arg8[%get3A_146] {strides = array<i32>} : memref<4096xf32, #tpu.memory_space<vmem>>, vector<16xf32>,
    %add3A_148 = arith.addf %add3A_145, %get3A_147 : vector<16xf32>
    %get3A_149 = arith.constant 1808 : index
    %get3A_150 = tpu.vector_load %arg8[%get3A_149] {strides = array<i32>} : memref<4096xf32, #tpu.memory_space<vmem>>, vector<16xf32>,
    %add3A_151 = arith.addf %add3A_148, %get3A_150 : vector<16xf32>
    %get3A_152 = arith.constant 2064 : index
    %get3A_153 = tpu.vector_load %arg8[%get3A_152] {strides = array<i32>} : memref<4096xf32, #tpu.memory_space<vmem>>, vector<16xf32>,
    %add3A_154 = arith.addf %add3A_151, %get3A_153 : vector<16xf32>
    %get3A_155 = arith.constant 2320 : index
    %get3A_156 = tpu.vector_load %arg8[%get3A_155] {strides = array<i32>} : memref<4096xf32, #tpu.memory_space<vmem>>, vector<16xf32>,
    %add3A_157 = arith.addf %add3A_154, %get3A_156 : vector<16xf32>
    %get3A_158 = arith.constant 2576 : index
    %get3A_159 = tpu.vector_load %arg8[%get3A_158] {strides = array<i32>} : memref<4096xf32, #tpu.memory_space<vmem>>, vector<16xf32>,
    %add3A_160 = arith.addf %add3A_157, %get3A_159 : vector<16xf32>
    %get3A_161 = arith.constant 2832 : index
    %get3A_162 = tpu.vector_load %arg8[%get3A_161] {strides = array<i32>} : memref<4096xf32, #tpu.memory_space<vmem>>, vector<16xf32>,
    %add3A_163 = arith.addf %add3A_160, %get3A_162 : vector<16xf32>
    %get3A_164 = arith.constant 3088 : index
    %get3A_165 = tpu.vector_load %arg8[%get3A_164] {strides = array<i32>} : memref<4096xf32, #tpu.memory_space<vmem>>, vector<16xf32>,
    %add3A_166 = arith.addf %add3A_163, %get3A_165 : vector<16xf32>
    %get3A_167 = arith.constant 3344 : index
    %get3A_168 = tpu.vector_load %arg8[%get3A_167] {strides = array<i32>} : memref<4096xf32, #tpu.memory_space<vmem>>, vector<16xf32>,
    %add3A_169 = arith.addf %add3A_166, %get3A_168 : vector<16xf32>
    %get3A_170 = arith.constant 3600 : index
    %get3A_171 = tpu.vector_load %arg8[%get3A_170] {strides = array<i32>} : memref<4096xf32, #tpu.memory_space<vmem>>, vector<16xf32>,
    %add3A_172 = arith.addf %add3A_169, %get3A_171 : vector<16xf32>
    %get3A_173 = arith.constant 3856 : index
    %get3A_174 = tpu.vector_load %arg8[%get3A_173] {strides = array<i32>} : memref<4096xf32, #tpu.memory_space<vmem>>, vector<16xf32>,
    %add3A_175 = arith.addf %add3A_172, %get3A_174 : vector<16xf32>
    %swap3A_176 = arith.constant 16 : index
    %swap3A_177 = tpu.vector_load %arg9[%swap3A_176] {strides = array<i32>} : memref<256xf32, #tpu.memory_space<vmem>>, vector<16xf32>,
    tpu.vector_store %arg9[%swap3A_176], %add3A_175 {strides = array<i32>} : memref<256xf32, #tpu.memory_space<vmem>>, vector<16xf32>,
    %get3A_178 = arith.constant 32 : index
    %get3A_179 = tpu.vector_load %arg8[%get3A_178] {strides = array<i32>} : memref<4096xf32, #tpu.memory_space<vmem>>, vector<16xf32>,
    %get3A_180 = arith.constant 288 : index
    %get3A_181 = tpu.vector_load %arg8[%get3A_180] {strides = array<i32>} : memref<4096xf32, #tpu.memory_space<vmem>>, vector<16xf32>,
    %add3A_182 = arith.addf %get3A_179, %get3A_181 : vector<16xf32>
    %get3A_183 = arith.constant 544 : index
    %get3A_184 = tpu.vector_load %arg8[%get3A_183] {strides = array<i32>} : memref<4096xf32, #tpu.memory_space<vmem>>, vector<16xf32>,
    %add3A_185 = arith.addf %add3A_182, %get3A_184 : vector<16xf32>
    %get3A_186 = arith.constant 800 : index
    %get3A_187 = tpu.vector_load %arg8[%get3A_186] {strides = array<i32>} : memref<4096xf32, #tpu.memory_space<vmem>>, vector<16xf32>,
    %add3A_188 = arith.addf %add3A_185, %get3A_187 : vector<16xf32>
    %get3A_189 = arith.constant 1056 : index
    %get3A_190 = tpu.vector_load %arg8[%get3A_189] {strides = array<i32>} : memref<4096xf32, #tpu.memory_space<vmem>>, vector<16xf32>,
    %add3A_191 = arith.addf %add3A_188, %get3A_190 : vector<16xf32>
    %get3A_192 = arith.constant 1312 : index
    %get3A_193 = tpu.vector_load %arg8[%get3A_192] {strides = array<i32>} : memref<4096xf32, #tpu.memory_space<vmem>>, vector<16xf32>,
    %add3A_194 = arith.addf %add3A_191, %get3A_193 : vector<16xf32>
    %get3A_195 = arith.constant 1568 : index
    %get3A_196 = tpu.vector_load %arg8[%get3A_195] {strides = array<i32>} : memref<4096xf32, #tpu.memory_space<vmem>>, vector<16xf32>,
    %add3A_197 = arith.addf %add3A_194, %get3A_196 : vector<16xf32>
    %get3A_198 = arith.constant 1824 : index
    %get3A_199 = tpu.vector_load %arg8[%get3A_198] {strides = array<i32>} : memref<4096xf32, #tpu.memory_space<vmem>>, vector<16xf32>,
    %add3A_200 = arith.addf %add3A_197, %get3A_199 : vector<16xf32>
    %get3A_201 = arith.constant 2080 : index
    %get3A_202 = tpu.vector_load %arg8[%get3A_201] {strides = array<i32>} : memref<4096xf32, #tpu.memory_space<vmem>>, vector<16xf32>,
    %add3A_203 = arith.addf %add3A_200, %get3A_202 : vector<16xf32>
    %get3A_204 = arith.constant 2336 : index
    %get3A_205 = tpu.vector_load %arg8[%get3A_204] {strides = array<i32>} : memref<4096xf32, #tpu.memory_space<vmem>>, vector<16xf32>,
    %add3A_206 = arith.addf %add3A_203, %get3A_205 : vector<16xf32>
    %get3A_207 = arith.constant 2592 : index
    %get3A_208 = tpu.vector_load %arg8[%get3A_207] {strides = array<i32>} : memref<4096xf32, #tpu.memory_space<vmem>>, vector<16xf32>,
    %add3A_209 = arith.addf %add3A_206, %get3A_208 : vector<16xf32>
    %get3A_210 = arith.constant 2848 : index
    %get3A_211 = tpu.vector_load %arg8[%get3A_210] {strides = array<i32>} : memref<4096xf32, #tpu.memory_space<vmem>>, vector<16xf32>,
    %add3A_212 = arith.addf %add3A_209, %get3A_211 : vector<16xf32>
    %get3A_213 = arith.constant 3104 : index
    %get3A_214 = tpu.vector_load %arg8[%get3A_213] {strides = array<i32>} : memref<4096xf32, #tpu.memory_space<vmem>>, vector<16xf32>,
    %add3A_215 = arith.addf %add3A_212, %get3A_214 : vector<16xf32>
    %get3A_216 = arith.constant 3360 : index
    %get3A_217 = tpu.vector_load %arg8[%get3A_216] {strides = array<i32>} : memref<4096xf32, #tpu.memory_space<vmem>>, vector<16xf32>,
    %add3A_218 = arith.addf %add3A_215, %get3A_217 : vector<16xf32>
    %get3A_219 = arith.constant 3616 : index
    %get3A_220 = tpu.vector_load %arg8[%get3A_219] {strides = array<i32>} : memref<4096xf32, #tpu.memory_space<vmem>>, vector<16xf32>,
    %add3A_221 = arith.addf %add3A_218, %get3A_220 : vector<16xf32>
    %get3A_222 = arith.constant 3872 : index
    %get3A_223 = tpu.vector_load %arg8[%get3A_222] {strides = array<i32>} : memref<4096xf32, #tpu.memory_space<vmem>>, vector<16xf32>,
    %add3A_224 = arith.addf %add3A_221, %get3A_223 : vector<16xf32>
    %swap3A_225 = arith.constant 32 : index
    %swap3A_226 = tpu.vector_load %arg9[%swap3A_225] {strides = array<i32>} : memref<256xf32, #tpu.memory_space<vmem>>, vector<16xf32>,
    tpu.vector_store %arg9[%swap3A_225], %add3A_224 {strides = array<i32>} : memref<256xf32, #tpu.memory_space<vmem>>, vector<16xf32>,
    %get3A_227 = arith.constant 48 : index
    %get3A_228 = tpu.vector_load %arg8[%get3A_227] {strides = array<i32>} : memref<4096xf32, #tpu.memory_space<vmem>>, vector<16xf32>,
    %get3A_229 = arith.constant 304 : index
    %get3A_230 = tpu.vector_load %arg8[%get3A_229] {strides = array<i32>} : memref<4096xf32, #tpu.memory_space<vmem>>, vector<16xf32>,
    %add3A_231 = arith.addf %get3A_228, %get3A_230 : vector<16xf32>
    %get3A_232 = arith.constant 560 : index
    %get3A_233 = tpu.vector_load %arg8[%get3A_232] {strides = array<i32>} : memref<4096xf32, #tpu.memory_space<vmem>>, vector<16xf32>,
    %add3A_234 = arith.addf %add3A_231, %get3A_233 : vector<16xf32>
    %get3A_235 = arith.constant 816 : index
    %get3A_236 = tpu.vector_load %arg8[%get3A_235] {strides = array<i32>} : memref<4096xf32, #tpu.memory_space<vmem>>, vector<16xf32>,
    %add3A_237 = arith.addf %add3A_234, %get3A_236 : vector<16xf32>
    %get3A_238 = arith.constant 1072 : index
    %get3A_239 = tpu.vector_load %arg8[%get3A_238] {strides = array<i32>} : memref<4096xf32, #tpu.memory_space<vmem>>, vector<16xf32>,
    %add3A_240 = arith.addf %add3A_237, %get3A_239 : vector<16xf32>
    %get3A_241 = arith.constant 1328 : index
    %get3A_242 = tpu.vector_load %arg8[%get3A_241] {strides = array<i32>} : memref<4096xf32, #tpu.memory_space<vmem>>, vector<16xf32>,
    %add3A_243 = arith.addf %add3A_240, %get3A_242 : vector<16xf32>
    %get3A_244 = arith.constant 1584 : index
    %get3A_245 = tpu.vector_load %arg8[%get3A_244] {strides = array<i32>} : memref<4096xf32, #tpu.memory_space<vmem>>, vector<16xf32>,
    %add3A_246 = arith.addf %add3A_243, %get3A_245 : vector<16xf32>
    %get3A_247 = arith.constant 1840 : index
    %get3A_248 = tpu.vector_load %arg8[%get3A_247] {strides = array<i32>} : memref<4096xf32, #tpu.memory_space<vmem>>, vector<16xf32>,
    %add3A_249 = arith.addf %add3A_246, %get3A_248 : vector<16xf32>
    %get3A_250 = arith.constant 2096 : index
    %get3A_251 = tpu.vector_load %arg8[%get3A_250] {strides = array<i32>} : memref<4096xf32, #tpu.memory_space<vmem>>, vector<16xf32>,
    %add3A_252 = arith.addf %add3A_249, %get3A_251 : vector<16xf32>
    %get3A_253 = arith.constant 2352 : index
    %get3A_254 = tpu.vector_load %arg8[%get3A_253] {strides = array<i32>} : memref<4096xf32, #tpu.memory_space<vmem>>, vector<16xf32>,
    %add3A_255 = arith.addf %add3A_252, %get3A_254 : vector<16xf32>
    %get3A_256 = arith.constant 2608 : index
    %get3A_257 = tpu.vector_load %arg8[%get3A_256] {strides = array<i32>} : memref<4096xf32, #tpu.memory_space<vmem>>, vector<16xf32>,
    %add3A_258 = arith.addf %add3A_255, %get3A_257 : vector<16xf32>
    %get3A_259 = arith.constant 2864 : index
    %get3A_260 = tpu.vector_load %arg8[%get3A_259] {strides = array<i32>} : memref<4096xf32, #tpu.memory_space<vmem>>, vector<16xf32>,
    %add3A_261 = arith.addf %add3A_258, %get3A_260 : vector<16xf32>
    %get3A_262 = arith.constant 3120 : index
    %get3A_263 = tpu.vector_load %arg8[%get3A_262] {strides = array<i32>} : memref<4096xf32, #tpu.memory_space<vmem>>, vector<16xf32>,
    %add3A_264 = arith.addf %add3A_261, %get3A_263 : vector<16xf32>
    %get3A_265 = arith.constant 3376 : index
    %get3A_266 = tpu.vector_load %arg8[%get3A_265] {strides = array<i32>} : memref<4096xf32, #tpu.memory_space<vmem>>, vector<16xf32>,
    %add3A_267 = arith.addf %add3A_264, %get3A_266 : vector<16xf32>
    %get3A_268 = arith.constant 3632 : index
    %get3A_269 = tpu.vector_load %arg8[%get3A_268] {strides = array<i32>} : memref<4096xf32, #tpu.memory_space<vmem>>, vector<16xf32>,
    %add3A_270 = arith.addf %add3A_267, %get3A_269 : vector<16xf32>
    %get3A_271 = arith.constant 3888 : index
    %get3A_272 = tpu.vector_load %arg8[%get3A_271] {strides = array<i32>} : memref<4096xf32, #tpu.memory_space<vmem>>, vector<16xf32>,
    %add3A_273 = arith.addf %add3A_270, %get3A_272 : vector<16xf32>
    %swap3A_274 = arith.constant 48 : index
    %swap3A_275 = tpu.vector_load %arg9[%swap3A_274] {strides = array<i32>} : memref<256xf32, #tpu.memory_space<vmem>>, vector<16xf32>,
    tpu.vector_store %arg9[%swap3A_274], %add3A_273 {strides = array<i32>} : memref<256xf32, #tpu.memory_space<vmem>>, vector<16xf32>,
    %get3A_276 = arith.constant 64 : index
    %get3A_277 = tpu.vector_load %arg8[%get3A_276] {strides = array<i32>} : memref<4096xf32, #tpu.memory_space<vmem>>, vector<16xf32>,
    %get3A_278 = arith.constant 320 : index
    %get3A_279 = tpu.vector_load %arg8[%get3A_278] {strides = array<i32>} : memref<4096xf32, #tpu.memory_space<vmem>>, vector<16xf32>,
    %add3A_280 = arith.addf %get3A_277, %get3A_279 : vector<16xf32>
    %get3A_281 = arith.constant 576 : index
    %get3A_282 = tpu.vector_load %arg8[%get3A_281] {strides = array<i32>} : memref<4096xf32, #tpu.memory_space<vmem>>, vector<16xf32>,
    %add3A_283 = arith.addf %add3A_280, %get3A_282 : vector<16xf32>
    %get3A_284 = arith.constant 832 : index
    %get3A_285 = tpu.vector_load %arg8[%get3A_284] {strides = array<i32>} : memref<4096xf32, #tpu.memory_space<vmem>>, vector<16xf32>,
    %add3A_286 = arith.addf %add3A_283, %get3A_285 : vector<16xf32>
    %get3A_287 = arith.constant 1088 : index
    %get3A_288 = tpu.vector_load %arg8[%get3A_287] {strides = array<i32>} : memref<4096xf32, #tpu.memory_space<vmem>>, vector<16xf32>,
    %add3A_289 = arith.addf %add3A_286, %get3A_288 : vector<16xf32>
    %get3A_290 = arith.constant 1344 : index
    %get3A_291 = tpu.vector_load %arg8[%get3A_290] {strides = array<i32>} : memref<4096xf32, #tpu.memory_space<vmem>>, vector<16xf32>,
    %add3A_292 = arith.addf %add3A_289, %get3A_291 : vector<16xf32>
    %get3A_293 = arith.constant 1600 : index
    %get3A_294 = tpu.vector_load %arg8[%get3A_293] {strides = array<i32>} : memref<4096xf32, #tpu.memory_space<vmem>>, vector<16xf32>,
    %add3A_295 = arith.addf %add3A_292, %get3A_294 : vector<16xf32>
    %get3A_296 = arith.constant 1856 : index
    %get3A_297 = tpu.vector_load %arg8[%get3A_296] {strides = array<i32>} : memref<4096xf32, #tpu.memory_space<vmem>>, vector<16xf32>,
    %add3A_298 = arith.addf %add3A_295, %get3A_297 : vector<16xf32>
    %get3A_299 = arith.constant 2112 : index
    %get3A_300 = tpu.vector_load %arg8[%get3A_299] {strides = array<i32>} : memref<4096xf32, #tpu.memory_space<vmem>>, vector<16xf32>,
    %add3A_301 = arith.addf %add3A_298, %get3A_300 : vector<16xf32>
    %get3A_302 = arith.constant 2368 : index
    %get3A_303 = tpu.vector_load %arg8[%get3A_302] {strides = array<i32>} : memref<4096xf32, #tpu.memory_space<vmem>>, vector<16xf32>,
    %add3A_304 = arith.addf %add3A_301, %get3A_303 : vector<16xf32>
    %get3A_305 = arith.constant 2624 : index
    %get3A_306 = tpu.vector_load %arg8[%get3A_305] {strides = array<i32>} : memref<4096xf32, #tpu.memory_space<vmem>>, vector<16xf32>,
    %add3A_307 = arith.addf %add3A_304, %get3A_306 : vector<16xf32>
    %get3A_308 = arith.constant 2880 : index
    %get3A_309 = tpu.vector_load %arg8[%get3A_308] {strides = array<i32>} : memref<4096xf32, #tpu.memory_space<vmem>>, vector<16xf32>,
    %add3A_310 = arith.addf %add3A_307, %get3A_309 : vector<16xf32>
    %get3A_311 = arith.constant 3136 : index
    %get3A_312 = tpu.vector_load %arg8[%get3A_311] {strides = array<i32>} : memref<4096xf32, #tpu.memory_space<vmem>>, vector<16xf32>,
    %add3A_313 = arith.addf %add3A_310, %get3A_312 : vector<16xf32>
    %get3A_314 = arith.constant 3392 : index
    %get3A_315 = tpu.vector_load %arg8[%get3A_314] {strides = array<i32>} : memref<4096xf32, #tpu.memory_space<vmem>>, vector<16xf32>,
    %add3A_316 = arith.addf %add3A_313, %get3A_315 : vector<16xf32>
    %get3A_317 = arith.constant 3648 : index
    %get3A_318 = tpu.vector_load %arg8[%get3A_317] {strides = array<i32>} : memref<4096xf32, #tpu.memory_space<vmem>>, vector<16xf32>,
    %add3A_319 = arith.addf %add3A_316, %get3A_318 : vector<16xf32>
    %get3A_320 = arith.constant 3904 : index
    %get3A_321 = tpu.vector_load %arg8[%get3A_320] {strides = array<i32>} : memref<4096xf32, #tpu.memory_space<vmem>>, vector<16xf32>,
    %add3A_322 = arith.addf %add3A_319, %get3A_321 : vector<16xf32>
    %swap3A_323 = arith.constant 64 : index
    %swap3A_324 = tpu.vector_load %arg9[%swap3A_323] {strides = array<i32>} : memref<256xf32, #tpu.memory_space<vmem>>, vector<16xf32>,
    tpu.vector_store %arg9[%swap3A_323], %add3A_322 {strides = array<i32>} : memref<256xf32, #tpu.memory_space<vmem>>, vector<16xf32>,
    %get3A_325 = arith.constant 80 : index
    %get3A_326 = tpu.vector_load %arg8[%get3A_325] {strides = array<i32>} : memref<4096xf32, #tpu.memory_space<vmem>>, vector<16xf32>,
    %get3A_327 = arith.constant 336 : index
    %get3A_328 = tpu.vector_load %arg8[%get3A_327] {strides = array<i32>} : memref<4096xf32, #tpu.memory_space<vmem>>, vector<16xf32>,
    %add3A_329 = arith.addf %get3A_326, %get3A_328 : vector<16xf32>
    %get3A_330 = arith.constant 592 : index
    %get3A_331 = tpu.vector_load %arg8[%get3A_330] {strides = array<i32>} : memref<4096xf32, #tpu.memory_space<vmem>>, vector<16xf32>,
    %add3A_332 = arith.addf %add3A_329, %get3A_331 : vector<16xf32>
    %get3A_333 = arith.constant 848 : index
    %get3A_334 = tpu.vector_load %arg8[%get3A_333] {strides = array<i32>} : memref<4096xf32, #tpu.memory_space<vmem>>, vector<16xf32>,
    %add3A_335 = arith.addf %add3A_332, %get3A_334 : vector<16xf32>
    %get3A_336 = arith.constant 1104 : index
    %get3A_337 = tpu.vector_load %arg8[%get3A_336] {strides = array<i32>} : memref<4096xf32, #tpu.memory_space<vmem>>, vector<16xf32>,
    %add3A_338 = arith.addf %add3A_335, %get3A_337 : vector<16xf32>
    %get3A_339 = arith.constant 1360 : index
    %get3A_340 = tpu.vector_load %arg8[%get3A_339] {strides = array<i32>} : memref<4096xf32, #tpu.memory_space<vmem>>, vector<16xf32>,
    %add3A_341 = arith.addf %add3A_338, %get3A_340 : vector<16xf32>
    %get3A_342 = arith.constant 1616 : index
    %get3A_343 = tpu.vector_load %arg8[%get3A_342] {strides = array<i32>} : memref<4096xf32, #tpu.memory_space<vmem>>, vector<16xf32>,
    %add3A_344 = arith.addf %add3A_341, %get3A_343 : vector<16xf32>
    %get3A_345 = arith.constant 1872 : index
    %get3A_346 = tpu.vector_load %arg8[%get3A_345] {strides = array<i32>} : memref<4096xf32, #tpu.memory_space<vmem>>, vector<16xf32>,
    %add3A_347 = arith.addf %add3A_344, %get3A_346 : vector<16xf32>
    %get3A_348 = arith.constant 2128 : index
    %get3A_349 = tpu.vector_load %arg8[%get3A_348] {strides = array<i32>} : memref<4096xf32, #tpu.memory_space<vmem>>, vector<16xf32>,
    %add3A_350 = arith.addf %add3A_347, %get3A_349 : vector<16xf32>
    %get3A_351 = arith.constant 2384 : index
    %get3A_352 = tpu.vector_load %arg8[%get3A_351] {strides = array<i32>} : memref<4096xf32, #tpu.memory_space<vmem>>, vector<16xf32>,
    %add3A_353 = arith.addf %add3A_350, %get3A_352 : vector<16xf32>
    %get3A_354 = arith.constant 2640 : index
    %get3A_355 = tpu.vector_load %arg8[%get3A_354] {strides = array<i32>} : memref<4096xf32, #tpu.memory_space<vmem>>, vector<16xf32>,
    %add3A_356 = arith.addf %add3A_353, %get3A_355 : vector<16xf32>
    %get3A_357 = arith.constant 2896 : index
    %get3A_358 = tpu.vector_load %arg8[%get3A_357] {strides = array<i32>} : memref<4096xf32, #tpu.memory_space<vmem>>, vector<16xf32>,
    %add3A_359 = arith.addf %add3A_356, %get3A_358 : vector<16xf32>
    %get3A_360 = arith.constant 3152 : index
    %get3A_361 = tpu.vector_load %arg8[%get3A_360] {strides = array<i32>} : memref<4096xf32, #tpu.memory_space<vmem>>, vector<16xf32>,
    %add3A_362 = arith.addf %add3A_359, %get3A_361 : vector<16xf32>
    %get3A_363 = arith.constant 3408 : index
    %get3A_364 = tpu.vector_load %arg8[%get3A_363] {strides = array<i32>} : memref<4096xf32, #tpu.memory_space<vmem>>, vector<16xf32>,
    %add3A_365 = arith.addf %add3A_362, %get3A_364 : vector<16xf32>
    %get3A_366 = arith.constant 3664 : index
    %get3A_367 = tpu.vector_load %arg8[%get3A_366] {strides = array<i32>} : memref<4096xf32, #tpu.memory_space<vmem>>, vector<16xf32>,
    %add3A_368 = arith.addf %add3A_365, %get3A_367 : vector<16xf32>
    %get3A_369 = arith.constant 3920 : index
    %get3A_370 = tpu.vector_load %arg8[%get3A_369] {strides = array<i32>} : memref<4096xf32, #tpu.memory_space<vmem>>, vector<16xf32>,
    %add3A_371 = arith.addf %add3A_368, %get3A_370 : vector<16xf32>
    %swap3A_372 = arith.constant 80 : index
    %swap3A_373 = tpu.vector_load %arg9[%swap3A_372] {strides = array<i32>} : memref<256xf32, #tpu.memory_space<vmem>>, vector<16xf32>,
    tpu.vector_store %arg9[%swap3A_372], %add3A_371 {strides = array<i32>} : memref<256xf32, #tpu.memory_space<vmem>>, vector<16xf32>,
    %get3A_374 = arith.constant 96 : index
    %get3A_375 = tpu.vector_load %arg8[%get3A_374] {strides = array<i32>} : memref<4096xf32, #tpu.memory_space<vmem>>, vector<16xf32>,
    %get3A_376 = arith.constant 352 : index
    %get3A_377 = tpu.vector_load %arg8[%get3A_376] {strides = array<i32>} : memref<4096xf32, #tpu.memory_space<vmem>>, vector<16xf32>,
    %add3A_378 = arith.addf %get3A_375, %get3A_377 : vector<16xf32>
    %get3A_379 = arith.constant 608 : index
    %get3A_380 = tpu.vector_load %arg8[%get3A_379] {strides = array<i32>} : memref<4096xf32, #tpu.memory_space<vmem>>, vector<16xf32>,
    %add3A_381 = arith.addf %add3A_378, %get3A_380 : vector<16xf32>
    %get3A_382 = arith.constant 864 : index
    %get3A_383 = tpu.vector_load %arg8[%get3A_382] {strides = array<i32>} : memref<4096xf32, #tpu.memory_space<vmem>>, vector<16xf32>,
    %add3A_384 = arith.addf %add3A_381, %get3A_383 : vector<16xf32>
    %get3A_385 = arith.constant 1120 : index
    %get3A_386 = tpu.vector_load %arg8[%get3A_385] {strides = array<i32>} : memref<4096xf32, #tpu.memory_space<vmem>>, vector<16xf32>,
    %add3A_387 = arith.addf %add3A_384, %get3A_386 : vector<16xf32>
    %get3A_388 = arith.constant 1376 : index
    %get3A_389 = tpu.vector_load %arg8[%get3A_388] {strides = array<i32>} : memref<4096xf32, #tpu.memory_space<vmem>>, vector<16xf32>,
    %add3A_390 = arith.addf %add3A_387, %get3A_389 : vector<16xf32>
    %get3A_391 = arith.constant 1632 : index
    %get3A_392 = tpu.vector_load %arg8[%get3A_391] {strides = array<i32>} : memref<4096xf32, #tpu.memory_space<vmem>>, vector<16xf32>,
    %add3A_393 = arith.addf %add3A_390, %get3A_392 : vector<16xf32>
    %get3A_394 = arith.constant 1888 : index
    %get3A_395 = tpu.vector_load %arg8[%get3A_394] {strides = array<i32>} : memref<4096xf32, #tpu.memory_space<vmem>>, vector<16xf32>,
    %add3A_396 = arith.addf %add3A_393, %get3A_395 : vector<16xf32>
    %get3A_397 = arith.constant 2144 : index
    %get3A_398 = tpu.vector_load %arg8[%get3A_397] {strides = array<i32>} : memref<4096xf32, #tpu.memory_space<vmem>>, vector<16xf32>,
    %add3A_399 = arith.addf %add3A_396, %get3A_398 : vector<16xf32>
    %get3A_400 = arith.constant 2400 : index
    %get3A_401 = tpu.vector_load %arg8[%get3A_400] {strides = array<i32>} : memref<4096xf32, #tpu.memory_space<vmem>>, vector<16xf32>,
    %add3A_402 = arith.addf %add3A_399, %get3A_401 : vector<16xf32>
    %get3A_403 = arith.constant 2656 : index
    %get3A_404 = tpu.vector_load %arg8[%get3A_403] {strides = array<i32>} : memref<4096xf32, #tpu.memory_space<vmem>>, vector<16xf32>,
    %add3A_405 = arith.addf %add3A_402, %get3A_404 : vector<16xf32>
    %get3A_406 = arith.constant 2912 : index
    %get3A_407 = tpu.vector_load %arg8[%get3A_406] {strides = array<i32>} : memref<4096xf32, #tpu.memory_space<vmem>>, vector<16xf32>,
    %add3A_408 = arith.addf %add3A_405, %get3A_407 : vector<16xf32>
    %get3A_409 = arith.constant 3168 : index
    %get3A_410 = tpu.vector_load %arg8[%get3A_409] {strides = array<i32>} : memref<4096xf32, #tpu.memory_space<vmem>>, vector<16xf32>,
    %add3A_411 = arith.addf %add3A_408, %get3A_410 : vector<16xf32>
    %get3A_412 = arith.constant 3424 : index
    %get3A_413 = tpu.vector_load %arg8[%get3A_412] {strides = array<i32>} : memref<4096xf32, #tpu.memory_space<vmem>>, vector<16xf32>,
    %add3A_414 = arith.addf %add3A_411, %get3A_413 : vector<16xf32>
    %get3A_415 = arith.constant 3680 : index
    %get3A_416 = tpu.vector_load %arg8[%get3A_415] {strides = array<i32>} : memref<4096xf32, #tpu.memory_space<vmem>>, vector<16xf32>,
    %add3A_417 = arith.addf %add3A_414, %get3A_416 : vector<16xf32>
    %get3A_418 = arith.constant 3936 : index
    %get3A_419 = tpu.vector_load %arg8[%get3A_418] {strides = array<i32>} : memref<4096xf32, #tpu.memory_space<vmem>>, vector<16xf32>,
    %add3A_420 = arith.addf %add3A_417, %get3A_419 : vector<16xf32>
    %swap3A_421 = arith.constant 96 : index
    %swap3A_422 = tpu.vector_load %arg9[%swap3A_421] {strides = array<i32>} : memref<256xf32, #tpu.memory_space<vmem>>, vector<16xf32>,
    tpu.vector_store %arg9[%swap3A_421], %add3A_420 {strides = array<i32>} : memref<256xf32, #tpu.memory_space<vmem>>, vector<16xf32>,
    %get3A_423 = arith.constant 112 : index
    %get3A_424 = tpu.vector_load %arg8[%get3A_423] {strides = array<i32>} : memref<4096xf32, #tpu.memory_space<vmem>>, vector<16xf32>,
    %get3A_425 = arith.constant 368 : index
    %get3A_426 = tpu.vector_load %arg8[%get3A_425] {strides = array<i32>} : memref<4096xf32, #tpu.memory_space<vmem>>, vector<16xf32>,
    %add3A_427 = arith.addf %get3A_424, %get3A_426 : vector<16xf32>
    %get3A_428 = arith.constant 624 : index
    %get3A_429 = tpu.vector_load %arg8[%get3A_428] {strides = array<i32>} : memref<4096xf32, #tpu.memory_space<vmem>>, vector<16xf32>,
    %add3A_430 = arith.addf %add3A_427, %get3A_429 : vector<16xf32>
    %get3A_431 = arith.constant 880 : index
    %get3A_432 = tpu.vector_load %arg8[%get3A_431] {strides = array<i32>} : memref<4096xf32, #tpu.memory_space<vmem>>, vector<16xf32>,
    %add3A_433 = arith.addf %add3A_430, %get3A_432 : vector<16xf32>
    %get3A_434 = arith.constant 1136 : index
    %get3A_435 = tpu.vector_load %arg8[%get3A_434] {strides = array<i32>} : memref<4096xf32, #tpu.memory_space<vmem>>, vector<16xf32>,
    %add3A_436 = arith.addf %add3A_433, %get3A_435 : vector<16xf32>
    %get3A_437 = arith.constant 1392 : index
    %get3A_438 = tpu.vector_load %arg8[%get3A_437] {strides = array<i32>} : memref<4096xf32, #tpu.memory_space<vmem>>, vector<16xf32>,
    %add3A_439 = arith.addf %add3A_436, %get3A_438 : vector<16xf32>
    %get3A_440 = arith.constant 1648 : index
    %get3A_441 = tpu.vector_load %arg8[%get3A_440] {strides = array<i32>} : memref<4096xf32, #tpu.memory_space<vmem>>, vector<16xf32>,
    %add3A_442 = arith.addf %add3A_439, %get3A_441 : vector<16xf32>
    %get3A_443 = arith.constant 1904 : index
    %get3A_444 = tpu.vector_load %arg8[%get3A_443] {strides = array<i32>} : memref<4096xf32, #tpu.memory_space<vmem>>, vector<16xf32>,
    %add3A_445 = arith.addf %add3A_442, %get3A_444 : vector<16xf32>
    %get3A_446 = arith.constant 2160 : index
    %get3A_447 = tpu.vector_load %arg8[%get3A_446] {strides = array<i32>} : memref<4096xf32, #tpu.memory_space<vmem>>, vector<16xf32>,
    %add3A_448 = arith.addf %add3A_445, %get3A_447 : vector<16xf32>
    %get3A_449 = arith.constant 2416 : index
    %get3A_450 = tpu.vector_load %arg8[%get3A_449] {strides = array<i32>} : memref<4096xf32, #tpu.memory_space<vmem>>, vector<16xf32>,
    %add3A_451 = arith.addf %add3A_448, %get3A_450 : vector<16xf32>
    %get3A_452 = arith.constant 2672 : index
    %get3A_453 = tpu.vector_load %arg8[%get3A_452] {strides = array<i32>} : memref<4096xf32, #tpu.memory_space<vmem>>, vector<16xf32>,
    %add3A_454 = arith.addf %add3A_451, %get3A_453 : vector<16xf32>
    %get3A_455 = arith.constant 2928 : index
    %get3A_456 = tpu.vector_load %arg8[%get3A_455] {strides = array<i32>} : memref<4096xf32, #tpu.memory_space<vmem>>, vector<16xf32>,
    %add3A_457 = arith.addf %add3A_454, %get3A_456 : vector<16xf32>
    %get3A_458 = arith.constant 3184 : index
    %get3A_459 = tpu.vector_load %arg8[%get3A_458] {strides = array<i32>} : memref<4096xf32, #tpu.memory_space<vmem>>, vector<16xf32>,
    %add3A_460 = arith.addf %add3A_457, %get3A_459 : vector<16xf32>
    %get3A_461 = arith.constant 3440 : index
    %get3A_462 = tpu.vector_load %arg8[%get3A_461] {strides = array<i32>} : memref<4096xf32, #tpu.memory_space<vmem>>, vector<16xf32>,
    %add3A_463 = arith.addf %add3A_460, %get3A_462 : vector<16xf32>
    %get3A_464 = arith.constant 3696 : index
    %get3A_465 = tpu.vector_load %arg8[%get3A_464] {strides = array<i32>} : memref<4096xf32, #tpu.memory_space<vmem>>, vector<16xf32>,
    %add3A_466 = arith.addf %add3A_463, %get3A_465 : vector<16xf32>
    %get3A_467 = arith.constant 3952 : index
    %get3A_468 = tpu.vector_load %arg8[%get3A_467] {strides = array<i32>} : memref<4096xf32, #tpu.memory_space<vmem>>, vector<16xf32>,
    %add3A_469 = arith.addf %add3A_466, %get3A_468 : vector<16xf32>
    %swap3A_470 = arith.constant 112 : index
    %swap3A_471 = tpu.vector_load %arg9[%swap3A_470] {strides = array<i32>} : memref<256xf32, #tpu.memory_space<vmem>>, vector<16xf32>,
    tpu.vector_store %arg9[%swap3A_470], %add3A_469 {strides = array<i32>} : memref<256xf32, #tpu.memory_space<vmem>>, vector<16xf32>,
    %get3A_472 = arith.constant 128 : index
    %get3A_473 = tpu.vector_load %arg8[%get3A_472] {strides = array<i32>} : memref<4096xf32, #tpu.memory_space<vmem>>, vector<16xf32>,
    %get3A_474 = arith.constant 384 : index
    %get3A_475 = tpu.vector_load %arg8[%get3A_474] {strides = array<i32>} : memref<4096xf32, #tpu.memory_space<vmem>>, vector<16xf32>,
    %add3A_476 = arith.addf %get3A_473, %get3A_475 : vector<16xf32>
    %get3A_477 = arith.constant 640 : index
    %get3A_478 = tpu.vector_load %arg8[%get3A_477] {strides = array<i32>} : memref<4096xf32, #tpu.memory_space<vmem>>, vector<16xf32>,
    %add3A_479 = arith.addf %add3A_476, %get3A_478 : vector<16xf32>
    %get3A_480 = arith.constant 896 : index
    %get3A_481 = tpu.vector_load %arg8[%get3A_480] {strides = array<i32>} : memref<4096xf32, #tpu.memory_space<vmem>>, vector<16xf32>,
    %add3A_482 = arith.addf %add3A_479, %get3A_481 : vector<16xf32>
    %get3A_483 = arith.constant 1152 : index
    %get3A_484 = tpu.vector_load %arg8[%get3A_483] {strides = array<i32>} : memref<4096xf32, #tpu.memory_space<vmem>>, vector<16xf32>,
    %add3A_485 = arith.addf %add3A_482, %get3A_484 : vector<16xf32>
    %get3A_486 = arith.constant 1408 : index
    %get3A_487 = tpu.vector_load %arg8[%get3A_486] {strides = array<i32>} : memref<4096xf32, #tpu.memory_space<vmem>>, vector<16xf32>,
    %add3A_488 = arith.addf %add3A_485, %get3A_487 : vector<16xf32>
    %get3A_489 = arith.constant 1664 : index
    %get3A_490 = tpu.vector_load %arg8[%get3A_489] {strides = array<i32>} : memref<4096xf32, #tpu.memory_space<vmem>>, vector<16xf32>,
    %add3A_491 = arith.addf %add3A_488, %get3A_490 : vector<16xf32>
    %get3A_492 = arith.constant 1920 : index
    %get3A_493 = tpu.vector_load %arg8[%get3A_492] {strides = array<i32>} : memref<4096xf32, #tpu.memory_space<vmem>>, vector<16xf32>,
    %add3A_494 = arith.addf %add3A_491, %get3A_493 : vector<16xf32>
    %get3A_495 = arith.constant 2176 : index
    %get3A_496 = tpu.vector_load %arg8[%get3A_495] {strides = array<i32>} : memref<4096xf32, #tpu.memory_space<vmem>>, vector<16xf32>,
    %add3A_497 = arith.addf %add3A_494, %get3A_496 : vector<16xf32>
    %get3A_498 = arith.constant 2432 : index
    %get3A_499 = tpu.vector_load %arg8[%get3A_498] {strides = array<i32>} : memref<4096xf32, #tpu.memory_space<vmem>>, vector<16xf32>,
    %add3A_500 = arith.addf %add3A_497, %get3A_499 : vector<16xf32>
    %get3A_501 = arith.constant 2688 : index
    %get3A_502 = tpu.vector_load %arg8[%get3A_501] {strides = array<i32>} : memref<4096xf32, #tpu.memory_space<vmem>>, vector<16xf32>,
    %add3A_503 = arith.addf %add3A_500, %get3A_502 : vector<16xf32>
    %get3A_504 = arith.constant 2944 : index
    %get3A_505 = tpu.vector_load %arg8[%get3A_504] {strides = array<i32>} : memref<4096xf32, #tpu.memory_space<vmem>>, vector<16xf32>,
    %add3A_506 = arith.addf %add3A_503, %get3A_505 : vector<16xf32>
    %get3A_507 = arith.constant 3200 : index
    %get3A_508 = tpu.vector_load %arg8[%get3A_507] {strides = array<i32>} : memref<4096xf32, #tpu.memory_space<vmem>>, vector<16xf32>,
    %add3A_509 = arith.addf %add3A_506, %get3A_508 : vector<16xf32>
    %get3A_510 = arith.constant 3456 : index
    %get3A_511 = tpu.vector_load %arg8[%get3A_510] {strides = array<i32>} : memref<4096xf32, #tpu.memory_space<vmem>>, vector<16xf32>,
    %add3A_512 = arith.addf %add3A_509, %get3A_511 : vector<16xf32>
    %get3A_513 = arith.constant 3712 : index
    %get3A_514 = tpu.vector_load %arg8[%get3A_513] {strides = array<i32>} : memref<4096xf32, #tpu.memory_space<vmem>>, vector<16xf32>,
    %add3A_515 = arith.addf %add3A_512, %get3A_514 : vector<16xf32>
    %get3A_516 = arith.constant 3968 : index
    %get3A_517 = tpu.vector_load %arg8[%get3A_516] {strides = array<i32>} : memref<4096xf32, #tpu.memory_space<vmem>>, vector<16xf32>,
    %add3A_518 = arith.addf %add3A_515, %get3A_517 : vector<16xf32>
    %swap3A_519 = arith.constant 128 : index
    %swap3A_520 = tpu.vector_load %arg9[%swap3A_519] {strides = array<i32>} : memref<256xf32, #tpu.memory_space<vmem>>, vector<16xf32>,
    tpu.vector_store %arg9[%swap3A_519], %add3A_518 {strides = array<i32>} : memref<256xf32, #tpu.memory_space<vmem>>, vector<16xf32>,
    %get3A_521 = arith.constant 144 : index
    %get3A_522 = tpu.vector_load %arg8[%get3A_521] {strides = array<i32>} : memref<4096xf32, #tpu.memory_space<vmem>>, vector<16xf32>,
    %get3A_523 = arith.constant 400 : index
    %get3A_524 = tpu.vector_load %arg8[%get3A_523] {strides = array<i32>} : memref<4096xf32, #tpu.memory_space<vmem>>, vector<16xf32>,
    %add3A_525 = arith.addf %get3A_522, %get3A_524 : vector<16xf32>
    %get3A_526 = arith.constant 656 : index
    %get3A_527 = tpu.vector_load %arg8[%get3A_526] {strides = array<i32>} : memref<4096xf32, #tpu.memory_space<vmem>>, vector<16xf32>,
    %add3A_528 = arith.addf %add3A_525, %get3A_527 : vector<16xf32>
    %get3A_529 = arith.constant 912 : index
    %get3A_530 = tpu.vector_load %arg8[%get3A_529] {strides = array<i32>} : memref<4096xf32, #tpu.memory_space<vmem>>, vector<16xf32>,
    %add3A_531 = arith.addf %add3A_528, %get3A_530 : vector<16xf32>
    %get3A_532 = arith.constant 1168 : index
    %get3A_533 = tpu.vector_load %arg8[%get3A_532] {strides = array<i32>} : memref<4096xf32, #tpu.memory_space<vmem>>, vector<16xf32>,
    %add3A_534 = arith.addf %add3A_531, %get3A_533 : vector<16xf32>
    %get3A_535 = arith.constant 1424 : index
    %get3A_536 = tpu.vector_load %arg8[%get3A_535] {strides = array<i32>} : memref<4096xf32, #tpu.memory_space<vmem>>, vector<16xf32>,
    %add3A_537 = arith.addf %add3A_534, %get3A_536 : vector<16xf32>
    %get3A_538 = arith.constant 1680 : index
    %get3A_539 = tpu.vector_load %arg8[%get3A_538] {strides = array<i32>} : memref<4096xf32, #tpu.memory_space<vmem>>, vector<16xf32>,
    %add3A_540 = arith.addf %add3A_537, %get3A_539 : vector<16xf32>
    %get3A_541 = arith.constant 1936 : index
    %get3A_542 = tpu.vector_load %arg8[%get3A_541] {strides = array<i32>} : memref<4096xf32, #tpu.memory_space<vmem>>, vector<16xf32>,
    %add3A_543 = arith.addf %add3A_540, %get3A_542 : vector<16xf32>
    %get3A_544 = arith.constant 2192 : index
    %get3A_545 = tpu.vector_load %arg8[%get3A_544] {strides = array<i32>} : memref<4096xf32, #tpu.memory_space<vmem>>, vector<16xf32>,
    %add3A_546 = arith.addf %add3A_543, %get3A_545 : vector<16xf32>
    %get3A_547 = arith.constant 2448 : index
    %get3A_548 = tpu.vector_load %arg8[%get3A_547] {strides = array<i32>} : memref<4096xf32, #tpu.memory_space<vmem>>, vector<16xf32>,
    %add3A_549 = arith.addf %add3A_546, %get3A_548 : vector<16xf32>
    %get3A_550 = arith.constant 2704 : index
    %get3A_551 = tpu.vector_load %arg8[%get3A_550] {strides = array<i32>} : memref<4096xf32, #tpu.memory_space<vmem>>, vector<16xf32>,
    %add3A_552 = arith.addf %add3A_549, %get3A_551 : vector<16xf32>
    %get3A_553 = arith.constant 2960 : index
    %get3A_554 = tpu.vector_load %arg8[%get3A_553] {strides = array<i32>} : memref<4096xf32, #tpu.memory_space<vmem>>, vector<16xf32>,
    %add3A_555 = arith.addf %add3A_552, %get3A_554 : vector<16xf32>
    %get3A_556 = arith.constant 3216 : index
    %get3A_557 = tpu.vector_load %arg8[%get3A_556] {strides = array<i32>} : memref<4096xf32, #tpu.memory_space<vmem>>, vector<16xf32>,
    %add3A_558 = arith.addf %add3A_555, %get3A_557 : vector<16xf32>
    %get3A_559 = arith.constant 3472 : index
    %get3A_560 = tpu.vector_load %arg8[%get3A_559] {strides = array<i32>} : memref<4096xf32, #tpu.memory_space<vmem>>, vector<16xf32>,
    %add3A_561 = arith.addf %add3A_558, %get3A_560 : vector<16xf32>
    %get3A_562 = arith.constant 3728 : index
    %get3A_563 = tpu.vector_load %arg8[%get3A_562] {strides = array<i32>} : memref<4096xf32, #tpu.memory_space<vmem>>, vector<16xf32>,
    %add3A_564 = arith.addf %add3A_561, %get3A_563 : vector<16xf32>
    %get3A_565 = arith.constant 3984 : index
    %get3A_566 = tpu.vector_load %arg8[%get3A_565] {strides = array<i32>} : memref<4096xf32, #tpu.memory_space<vmem>>, vector<16xf32>,
    %add3A_567 = arith.addf %add3A_564, %get3A_566 : vector<16xf32>
    %swap3A_568 = arith.constant 144 : index
    %swap3A_569 = tpu.vector_load %arg9[%swap3A_568] {strides = array<i32>} : memref<256xf32, #tpu.memory_space<vmem>>, vector<16xf32>,
    tpu.vector_store %arg9[%swap3A_568], %add3A_567 {strides = array<i32>} : memref<256xf32, #tpu.memory_space<vmem>>, vector<16xf32>,
    %get3A_570 = arith.constant 160 : index
    %get3A_571 = tpu.vector_load %arg8[%get3A_570] {strides = array<i32>} : memref<4096xf32, #tpu.memory_space<vmem>>, vector<16xf32>,
    %get3A_572 = arith.constant 416 : index
    %get3A_573 = tpu.vector_load %arg8[%get3A_572] {strides = array<i32>} : memref<4096xf32, #tpu.memory_space<vmem>>, vector<16xf32>,
    %add3A_574 = arith.addf %get3A_571, %get3A_573 : vector<16xf32>
    %get3A_575 = arith.constant 672 : index
    %get3A_576 = tpu.vector_load %arg8[%get3A_575] {strides = array<i32>} : memref<4096xf32, #tpu.memory_space<vmem>>, vector<16xf32>,
    %add3A_577 = arith.addf %add3A_574, %get3A_576 : vector<16xf32>
    %get3A_578 = arith.constant 928 : index
    %get3A_579 = tpu.vector_load %arg8[%get3A_578] {strides = array<i32>} : memref<4096xf32, #tpu.memory_space<vmem>>, vector<16xf32>,
    %add3A_580 = arith.addf %add3A_577, %get3A_579 : vector<16xf32>
    %get3A_581 = arith.constant 1184 : index
    %get3A_582 = tpu.vector_load %arg8[%get3A_581] {strides = array<i32>} : memref<4096xf32, #tpu.memory_space<vmem>>, vector<16xf32>,
    %add3A_583 = arith.addf %add3A_580, %get3A_582 : vector<16xf32>
    %get3A_584 = arith.constant 1440 : index
    %get3A_585 = tpu.vector_load %arg8[%get3A_584] {strides = array<i32>} : memref<4096xf32, #tpu.memory_space<vmem>>, vector<16xf32>,
    %add3A_586 = arith.addf %add3A_583, %get3A_585 : vector<16xf32>
    %get3A_587 = arith.constant 1696 : index
    %get3A_588 = tpu.vector_load %arg8[%get3A_587] {strides = array<i32>} : memref<4096xf32, #tpu.memory_space<vmem>>, vector<16xf32>,
    %add3A_589 = arith.addf %add3A_586, %get3A_588 : vector<16xf32>
    %get3A_590 = arith.constant 1952 : index
    %get3A_591 = tpu.vector_load %arg8[%get3A_590] {strides = array<i32>} : memref<4096xf32, #tpu.memory_space<vmem>>, vector<16xf32>,
    %add3A_592 = arith.addf %add3A_589, %get3A_591 : vector<16xf32>
    %get3A_593 = arith.constant 2208 : index
    %get3A_594 = tpu.vector_load %arg8[%get3A_593] {strides = array<i32>} : memref<4096xf32, #tpu.memory_space<vmem>>, vector<16xf32>,
    %add3A_595 = arith.addf %add3A_592, %get3A_594 : vector<16xf32>
    %get3A_596 = arith.constant 2464 : index
    %get3A_597 = tpu.vector_load %arg8[%get3A_596] {strides = array<i32>} : memref<4096xf32, #tpu.memory_space<vmem>>, vector<16xf32>,
    %add3A_598 = arith.addf %add3A_595, %get3A_597 : vector<16xf32>
    %get3A_599 = arith.constant 2720 : index
    %get3A_600 = tpu.vector_load %arg8[%get3A_599] {strides = array<i32>} : memref<4096xf32, #tpu.memory_space<vmem>>, vector<16xf32>,
    %add3A_601 = arith.addf %add3A_598, %get3A_600 : vector<16xf32>
    %get3A_602 = arith.constant 2976 : index
    %get3A_603 = tpu.vector_load %arg8[%get3A_602] {strides = array<i32>} : memref<4096xf32, #tpu.memory_space<vmem>>, vector<16xf32>,
    %add3A_604 = arith.addf %add3A_601, %get3A_603 : vector<16xf32>
    %get3A_605 = arith.constant 3232 : index
    %get3A_606 = tpu.vector_load %arg8[%get3A_605] {strides = array<i32>} : memref<4096xf32, #tpu.memory_space<vmem>>, vector<16xf32>,
    %add3A_607 = arith.addf %add3A_604, %get3A_606 : vector<16xf32>
    %get3A_608 = arith.constant 3488 : index
    %get3A_609 = tpu.vector_load %arg8[%get3A_608] {strides = array<i32>} : memref<4096xf32, #tpu.memory_space<vmem>>, vector<16xf32>,
    %add3A_610 = arith.addf %add3A_607, %get3A_609 : vector<16xf32>
    %get3A_611 = arith.constant 3744 : index
    %get3A_612 = tpu.vector_load %arg8[%get3A_611] {strides = array<i32>} : memref<4096xf32, #tpu.memory_space<vmem>>, vector<16xf32>,
    %add3A_613 = arith.addf %add3A_610, %get3A_612 : vector<16xf32>
    %get3A_614 = arith.constant 4000 : index
    %get3A_615 = tpu.vector_load %arg8[%get3A_614] {strides = array<i32>} : memref<4096xf32, #tpu.memory_space<vmem>>, vector<16xf32>,
    %add3A_616 = arith.addf %add3A_613, %get3A_615 : vector<16xf32>
    %swap3A_617 = arith.constant 160 : index
    %swap3A_618 = tpu.vector_load %arg9[%swap3A_617] {strides = array<i32>} : memref<256xf32, #tpu.memory_space<vmem>>, vector<16xf32>,
    tpu.vector_store %arg9[%swap3A_617], %add3A_616 {strides = array<i32>} : memref<256xf32, #tpu.memory_space<vmem>>, vector<16xf32>,
    %get3A_619 = arith.constant 176 : index
    %get3A_620 = tpu.vector_load %arg8[%get3A_619] {strides = array<i32>} : memref<4096xf32, #tpu.memory_space<vmem>>, vector<16xf32>,
    %get3A_621 = arith.constant 432 : index
    %get3A_622 = tpu.vector_load %arg8[%get3A_621] {strides = array<i32>} : memref<4096xf32, #tpu.memory_space<vmem>>, vector<16xf32>,
    %add3A_623 = arith.addf %get3A_620, %get3A_622 : vector<16xf32>
    %get3A_624 = arith.constant 688 : index
    %get3A_625 = tpu.vector_load %arg8[%get3A_624] {strides = array<i32>} : memref<4096xf32, #tpu.memory_space<vmem>>, vector<16xf32>,
    %add3A_626 = arith.addf %add3A_623, %get3A_625 : vector<16xf32>
    %get3A_627 = arith.constant 944 : index
    %get3A_628 = tpu.vector_load %arg8[%get3A_627] {strides = array<i32>} : memref<4096xf32, #tpu.memory_space<vmem>>, vector<16xf32>,
    %add3A_629 = arith.addf %add3A_626, %get3A_628 : vector<16xf32>
    %get3A_630 = arith.constant 1200 : index
    %get3A_631 = tpu.vector_load %arg8[%get3A_630] {strides = array<i32>} : memref<4096xf32, #tpu.memory_space<vmem>>, vector<16xf32>,
    %add3A_632 = arith.addf %add3A_629, %get3A_631 : vector<16xf32>
    %get3A_633 = arith.constant 1456 : index
    %get3A_634 = tpu.vector_load %arg8[%get3A_633] {strides = array<i32>} : memref<4096xf32, #tpu.memory_space<vmem>>, vector<16xf32>,
    %add3A_635 = arith.addf %add3A_632, %get3A_634 : vector<16xf32>
    %get3A_636 = arith.constant 1712 : index
    %get3A_637 = tpu.vector_load %arg8[%get3A_636] {strides = array<i32>} : memref<4096xf32, #tpu.memory_space<vmem>>, vector<16xf32>,
    %add3A_638 = arith.addf %add3A_635, %get3A_637 : vector<16xf32>
    %get3A_639 = arith.constant 1968 : index
    %get3A_640 = tpu.vector_load %arg8[%get3A_639] {strides = array<i32>} : memref<4096xf32, #tpu.memory_space<vmem>>, vector<16xf32>,
    %add3A_641 = arith.addf %add3A_638, %get3A_640 : vector<16xf32>
    %get3A_642 = arith.constant 2224 : index
    %get3A_643 = tpu.vector_load %arg8[%get3A_642] {strides = array<i32>} : memref<4096xf32, #tpu.memory_space<vmem>>, vector<16xf32>,
    %add3A_644 = arith.addf %add3A_641, %get3A_643 : vector<16xf32>
    %get3A_645 = arith.constant 2480 : index
    %get3A_646 = tpu.vector_load %arg8[%get3A_645] {strides = array<i32>} : memref<4096xf32, #tpu.memory_space<vmem>>, vector<16xf32>,
    %add3A_647 = arith.addf %add3A_644, %get3A_646 : vector<16xf32>
    %get3A_648 = arith.constant 2736 : index
    %get3A_649 = tpu.vector_load %arg8[%get3A_648] {strides = array<i32>} : memref<4096xf32, #tpu.memory_space<vmem>>, vector<16xf32>,
    %add3A_650 = arith.addf %add3A_647, %get3A_649 : vector<16xf32>
    %get3A_651 = arith.constant 2992 : index
    %get3A_652 = tpu.vector_load %arg8[%get3A_651] {strides = array<i32>} : memref<4096xf32, #tpu.memory_space<vmem>>, vector<16xf32>,
    %add3A_653 = arith.addf %add3A_650, %get3A_652 : vector<16xf32>
    %get3A_654 = arith.constant 3248 : index
    %get3A_655 = tpu.vector_load %arg8[%get3A_654] {strides = array<i32>} : memref<4096xf32, #tpu.memory_space<vmem>>, vector<16xf32>,
    %add3A_656 = arith.addf %add3A_653, %get3A_655 : vector<16xf32>
    %get3A_657 = arith.constant 3504 : index
    %get3A_658 = tpu.vector_load %arg8[%get3A_657] {strides = array<i32>} : memref<4096xf32, #tpu.memory_space<vmem>>, vector<16xf32>,
    %add3A_659 = arith.addf %add3A_656, %get3A_658 : vector<16xf32>
    %get3A_660 = arith.constant 3760 : index
    %get3A_661 = tpu.vector_load %arg8[%get3A_660] {strides = array<i32>} : memref<4096xf32, #tpu.memory_space<vmem>>, vector<16xf32>,
    %add3A_662 = arith.addf %add3A_659, %get3A_661 : vector<16xf32>
    %get3A_663 = arith.constant 4016 : index
    %get3A_664 = tpu.vector_load %arg8[%get3A_663] {strides = array<i32>} : memref<4096xf32, #tpu.memory_space<vmem>>, vector<16xf32>,
    %add3A_665 = arith.addf %add3A_662, %get3A_664 : vector<16xf32>
    %swap3A_666 = arith.constant 176 : index
    %swap3A_667 = tpu.vector_load %arg9[%swap3A_666] {strides = array<i32>} : memref<256xf32, #tpu.memory_space<vmem>>, vector<16xf32>,
    tpu.vector_store %arg9[%swap3A_666], %add3A_665 {strides = array<i32>} : memref<256xf32, #tpu.memory_space<vmem>>, vector<16xf32>,
    %get3A_668 = arith.constant 192 : index
    %get3A_669 = tpu.vector_load %arg8[%get3A_668] {strides = array<i32>} : memref<4096xf32, #tpu.memory_space<vmem>>, vector<16xf32>,
    %get3A_670 = arith.constant 448 : index
    %get3A_671 = tpu.vector_load %arg8[%get3A_670] {strides = array<i32>} : memref<4096xf32, #tpu.memory_space<vmem>>, vector<16xf32>,
    %add3A_672 = arith.addf %get3A_669, %get3A_671 : vector<16xf32>
    %get3A_673 = arith.constant 704 : index
    %get3A_674 = tpu.vector_load %arg8[%get3A_673] {strides = array<i32>} : memref<4096xf32, #tpu.memory_space<vmem>>, vector<16xf32>,
    %add3A_675 = arith.addf %add3A_672, %get3A_674 : vector<16xf32>
    %get3A_676 = arith.constant 960 : index
    %get3A_677 = tpu.vector_load %arg8[%get3A_676] {strides = array<i32>} : memref<4096xf32, #tpu.memory_space<vmem>>, vector<16xf32>,
    %add3A_678 = arith.addf %add3A_675, %get3A_677 : vector<16xf32>
    %get3A_679 = arith.constant 1216 : index
    %get3A_680 = tpu.vector_load %arg8[%get3A_679] {strides = array<i32>} : memref<4096xf32, #tpu.memory_space<vmem>>, vector<16xf32>,
    %add3A_681 = arith.addf %add3A_678, %get3A_680 : vector<16xf32>
    %get3A_682 = arith.constant 1472 : index
    %get3A_683 = tpu.vector_load %arg8[%get3A_682] {strides = array<i32>} : memref<4096xf32, #tpu.memory_space<vmem>>, vector<16xf32>,
    %add3A_684 = arith.addf %add3A_681, %get3A_683 : vector<16xf32>
    %get3A_685 = arith.constant 1728 : index
    %get3A_686 = tpu.vector_load %arg8[%get3A_685] {strides = array<i32>} : memref<4096xf32, #tpu.memory_space<vmem>>, vector<16xf32>,
    %add3A_687 = arith.addf %add3A_684, %get3A_686 : vector<16xf32>
    %get3A_688 = arith.constant 1984 : index
    %get3A_689 = tpu.vector_load %arg8[%get3A_688] {strides = array<i32>} : memref<4096xf32, #tpu.memory_space<vmem>>, vector<16xf32>,
    %add3A_690 = arith.addf %add3A_687, %get3A_689 : vector<16xf32>
    %get3A_691 = arith.constant 2240 : index
    %get3A_692 = tpu.vector_load %arg8[%get3A_691] {strides = array<i32>} : memref<4096xf32, #tpu.memory_space<vmem>>, vector<16xf32>,
    %add3A_693 = arith.addf %add3A_690, %get3A_692 : vector<16xf32>
    %get3A_694 = arith.constant 2496 : index
    %get3A_695 = tpu.vector_load %arg8[%get3A_694] {strides = array<i32>} : memref<4096xf32, #tpu.memory_space<vmem>>, vector<16xf32>,
    %add3A_696 = arith.addf %add3A_693, %get3A_695 : vector<16xf32>
    %get3A_697 = arith.constant 2752 : index
    %get3A_698 = tpu.vector_load %arg8[%get3A_697] {strides = array<i32>} : memref<4096xf32, #tpu.memory_space<vmem>>, vector<16xf32>,
    %add3A_699 = arith.addf %add3A_696, %get3A_698 : vector<16xf32>
    %get3A_700 = arith.constant 3008 : index
    %get3A_701 = tpu.vector_load %arg8[%get3A_700] {strides = array<i32>} : memref<4096xf32, #tpu.memory_space<vmem>>, vector<16xf32>,
    %add3A_702 = arith.addf %add3A_699, %get3A_701 : vector<16xf32>
    %get3A_703 = arith.constant 3264 : index
    %get3A_704 = tpu.vector_load %arg8[%get3A_703] {strides = array<i32>} : memref<4096xf32, #tpu.memory_space<vmem>>, vector<16xf32>,
    %add3A_705 = arith.addf %add3A_702, %get3A_704 : vector<16xf32>
    %get3A_706 = arith.constant 3520 : index
    %get3A_707 = tpu.vector_load %arg8[%get3A_706] {strides = array<i32>} : memref<4096xf32, #tpu.memory_space<vmem>>, vector<16xf32>,
    %add3A_708 = arith.addf %add3A_705, %get3A_707 : vector<16xf32>
    %get3A_709 = arith.constant 3776 : index
    %get3A_710 = tpu.vector_load %arg8[%get3A_709] {strides = array<i32>} : memref<4096xf32, #tpu.memory_space<vmem>>, vector<16xf32>,
    %add3A_711 = arith.addf %add3A_708, %get3A_710 : vector<16xf32>
    %get3A_712 = arith.constant 4032 : index
    %get3A_713 = tpu.vector_load %arg8[%get3A_712] {strides = array<i32>} : memref<4096xf32, #tpu.memory_space<vmem>>, vector<16xf32>,
    %add3A_714 = arith.addf %add3A_711, %get3A_713 : vector<16xf32>
    %swap3A_715 = arith.constant 192 : index
    %swap3A_716 = tpu.vector_load %arg9[%swap3A_715] {strides = array<i32>} : memref<256xf32, #tpu.memory_space<vmem>>, vector<16xf32>,
    tpu.vector_store %arg9[%swap3A_715], %add3A_714 {strides = array<i32>} : memref<256xf32, #tpu.memory_space<vmem>>, vector<16xf32>,
    %get3A_717 = arith.constant 208 : index
    %get3A_718 = tpu.vector_load %arg8[%get3A_717] {strides = array<i32>} : memref<4096xf32, #tpu.memory_space<vmem>>, vector<16xf32>,
    %get3A_719 = arith.constant 464 : index
    %get3A_720 = tpu.vector_load %arg8[%get3A_719] {strides = array<i32>} : memref<4096xf32, #tpu.memory_space<vmem>>, vector<16xf32>,
    %add3A_721 = arith.addf %get3A_718, %get3A_720 : vector<16xf32>
    %get3A_722 = arith.constant 720 : index
    %get3A_723 = tpu.vector_load %arg8[%get3A_722] {strides = array<i32>} : memref<4096xf32, #tpu.memory_space<vmem>>, vector<16xf32>,
    %add3A_724 = arith.addf %add3A_721, %get3A_723 : vector<16xf32>
    %get3A_725 = arith.constant 976 : index
    %get3A_726 = tpu.vector_load %arg8[%get3A_725] {strides = array<i32>} : memref<4096xf32, #tpu.memory_space<vmem>>, vector<16xf32>,
    %add3A_727 = arith.addf %add3A_724, %get3A_726 : vector<16xf32>
    %get3A_728 = arith.constant 1232 : index
    %get3A_729 = tpu.vector_load %arg8[%get3A_728] {strides = array<i32>} : memref<4096xf32, #tpu.memory_space<vmem>>, vector<16xf32>,
    %add3A_730 = arith.addf %add3A_727, %get3A_729 : vector<16xf32>
    %get3A_731 = arith.constant 1488 : index
    %get3A_732 = tpu.vector_load %arg8[%get3A_731] {strides = array<i32>} : memref<4096xf32, #tpu.memory_space<vmem>>, vector<16xf32>,
    %add3A_733 = arith.addf %add3A_730, %get3A_732 : vector<16xf32>
    %get3A_734 = arith.constant 1744 : index
    %get3A_735 = tpu.vector_load %arg8[%get3A_734] {strides = array<i32>} : memref<4096xf32, #tpu.memory_space<vmem>>, vector<16xf32>,
    %add3A_736 = arith.addf %add3A_733, %get3A_735 : vector<16xf32>
    %get3A_737 = arith.constant 2000 : index
    %get3A_738 = tpu.vector_load %arg8[%get3A_737] {strides = array<i32>} : memref<4096xf32, #tpu.memory_space<vmem>>, vector<16xf32>,
    %add3A_739 = arith.addf %add3A_736, %get3A_738 : vector<16xf32>
    %get3A_740 = arith.constant 2256 : index
    %get3A_741 = tpu.vector_load %arg8[%get3A_740] {strides = array<i32>} : memref<4096xf32, #tpu.memory_space<vmem>>, vector<16xf32>,
    %add3A_742 = arith.addf %add3A_739, %get3A_741 : vector<16xf32>
    %get3A_743 = arith.constant 2512 : index
    %get3A_744 = tpu.vector_load %arg8[%get3A_743] {strides = array<i32>} : memref<4096xf32, #tpu.memory_space<vmem>>, vector<16xf32>,
    %add3A_745 = arith.addf %add3A_742, %get3A_744 : vector<16xf32>
    %get3A_746 = arith.constant 2768 : index
    %get3A_747 = tpu.vector_load %arg8[%get3A_746] {strides = array<i32>} : memref<4096xf32, #tpu.memory_space<vmem>>, vector<16xf32>,
    %add3A_748 = arith.addf %add3A_745, %get3A_747 : vector<16xf32>
    %get3A_749 = arith.constant 3024 : index
    %get3A_750 = tpu.vector_load %arg8[%get3A_749] {strides = array<i32>} : memref<4096xf32, #tpu.memory_space<vmem>>, vector<16xf32>,
    %add3A_751 = arith.addf %add3A_748, %get3A_750 : vector<16xf32>
    %get3A_752 = arith.constant 3280 : index
    %get3A_753 = tpu.vector_load %arg8[%get3A_752] {strides = array<i32>} : memref<4096xf32, #tpu.memory_space<vmem>>, vector<16xf32>,
    %add3A_754 = arith.addf %add3A_751, %get3A_753 : vector<16xf32>
    %get3A_755 = arith.constant 3536 : index
    %get3A_756 = tpu.vector_load %arg8[%get3A_755] {strides = array<i32>} : memref<4096xf32, #tpu.memory_space<vmem>>, vector<16xf32>,
    %add3A_757 = arith.addf %add3A_754, %get3A_756 : vector<16xf32>
    %get3A_758 = arith.constant 3792 : index
    %get3A_759 = tpu.vector_load %arg8[%get3A_758] {strides = array<i32>} : memref<4096xf32, #tpu.memory_space<vmem>>, vector<16xf32>,
    %add3A_760 = arith.addf %add3A_757, %get3A_759 : vector<16xf32>
    %get3A_761 = arith.constant 4048 : index
    %get3A_762 = tpu.vector_load %arg8[%get3A_761] {strides = array<i32>} : memref<4096xf32, #tpu.memory_space<vmem>>, vector<16xf32>,
    %add3A_763 = arith.addf %add3A_760, %get3A_762 : vector<16xf32>
    %swap3A_764 = arith.constant 208 : index
    %swap3A_765 = tpu.vector_load %arg9[%swap3A_764] {strides = array<i32>} : memref<256xf32, #tpu.memory_space<vmem>>, vector<16xf32>,
    tpu.vector_store %arg9[%swap3A_764], %add3A_763 {strides = array<i32>} : memref<256xf32, #tpu.memory_space<vmem>>, vector<16xf32>,
    %get3A_766 = arith.constant 224 : index
    %get3A_767 = tpu.vector_load %arg8[%get3A_766] {strides = array<i32>} : memref<4096xf32, #tpu.memory_space<vmem>>, vector<16xf32>,
    %get3A_768 = arith.constant 480 : index
    %get3A_769 = tpu.vector_load %arg8[%get3A_768] {strides = array<i32>} : memref<4096xf32, #tpu.memory_space<vmem>>, vector<16xf32>,
    %add3A_770 = arith.addf %get3A_767, %get3A_769 : vector<16xf32>
    %get3A_771 = arith.constant 736 : index
    %get3A_772 = tpu.vector_load %arg8[%get3A_771] {strides = array<i32>} : memref<4096xf32, #tpu.memory_space<vmem>>, vector<16xf32>,
    %add3A_773 = arith.addf %add3A_770, %get3A_772 : vector<16xf32>
    %get3A_774 = arith.constant 992 : index
    %get3A_775 = tpu.vector_load %arg8[%get3A_774] {strides = array<i32>} : memref<4096xf32, #tpu.memory_space<vmem>>, vector<16xf32>,
    %add3A_776 = arith.addf %add3A_773, %get3A_775 : vector<16xf32>
    %get3A_777 = arith.constant 1248 : index
    %get3A_778 = tpu.vector_load %arg8[%get3A_777] {strides = array<i32>} : memref<4096xf32, #tpu.memory_space<vmem>>, vector<16xf32>,
    %add3A_779 = arith.addf %add3A_776, %get3A_778 : vector<16xf32>
    %get3A_780 = arith.constant 1504 : index
    %get3A_781 = tpu.vector_load %arg8[%get3A_780] {strides = array<i32>} : memref<4096xf32, #tpu.memory_space<vmem>>, vector<16xf32>,
    %add3A_782 = arith.addf %add3A_779, %get3A_781 : vector<16xf32>
    %get3A_783 = arith.constant 1760 : index
    %get3A_784 = tpu.vector_load %arg8[%get3A_783] {strides = array<i32>} : memref<4096xf32, #tpu.memory_space<vmem>>, vector<16xf32>,
    %add3A_785 = arith.addf %add3A_782, %get3A_784 : vector<16xf32>
    %get3A_786 = arith.constant 2016 : index
    %get3A_787 = tpu.vector_load %arg8[%get3A_786] {strides = array<i32>} : memref<4096xf32, #tpu.memory_space<vmem>>, vector<16xf32>,
    %add3A_788 = arith.addf %add3A_785, %get3A_787 : vector<16xf32>
    %get3A_789 = arith.constant 2272 : index
    %get3A_790 = tpu.vector_load %arg8[%get3A_789] {strides = array<i32>} : memref<4096xf32, #tpu.memory_space<vmem>>, vector<16xf32>,
    %add3A_791 = arith.addf %add3A_788, %get3A_790 : vector<16xf32>
    %get3A_792 = arith.constant 2528 : index
    %get3A_793 = tpu.vector_load %arg8[%get3A_792] {strides = array<i32>} : memref<4096xf32, #tpu.memory_space<vmem>>, vector<16xf32>,
    %add3A_794 = arith.addf %add3A_791, %get3A_793 : vector<16xf32>
    %get3A_795 = arith.constant 2784 : index
    %get3A_796 = tpu.vector_load %arg8[%get3A_795] {strides = array<i32>} : memref<4096xf32, #tpu.memory_space<vmem>>, vector<16xf32>,
    %add3A_797 = arith.addf %add3A_794, %get3A_796 : vector<16xf32>
    %get3A_798 = arith.constant 3040 : index
    %get3A_799 = tpu.vector_load %arg8[%get3A_798] {strides = array<i32>} : memref<4096xf32, #tpu.memory_space<vmem>>, vector<16xf32>,
    %add3A_800 = arith.addf %add3A_797, %get3A_799 : vector<16xf32>
    %get3A_801 = arith.constant 3296 : index
    %get3A_802 = tpu.vector_load %arg8[%get3A_801] {strides = array<i32>} : memref<4096xf32, #tpu.memory_space<vmem>>, vector<16xf32>,
    %add3A_803 = arith.addf %add3A_800, %get3A_802 : vector<16xf32>
    %get3A_804 = arith.constant 3552 : index
    %get3A_805 = tpu.vector_load %arg8[%get3A_804] {strides = array<i32>} : memref<4096xf32, #tpu.memory_space<vmem>>, vector<16xf32>,
    %add3A_806 = arith.addf %add3A_803, %get3A_805 : vector<16xf32>
    %get3A_807 = arith.constant 3808 : index
    %get3A_808 = tpu.vector_load %arg8[%get3A_807] {strides = array<i32>} : memref<4096xf32, #tpu.memory_space<vmem>>, vector<16xf32>,
    %add3A_809 = arith.addf %add3A_806, %get3A_808 : vector<16xf32>
    %get3A_810 = arith.constant 4064 : index
    %get3A_811 = tpu.vector_load %arg8[%get3A_810] {strides = array<i32>} : memref<4096xf32, #tpu.memory_space<vmem>>, vector<16xf32>,
    %add3A_812 = arith.addf %add3A_809, %get3A_811 : vector<16xf32>
    %swap3A_813 = arith.constant 224 : index
    %swap3A_814 = tpu.vector_load %arg9[%swap3A_813] {strides = array<i32>} : memref<256xf32, #tpu.memory_space<vmem>>, vector<16xf32>,
    tpu.vector_store %arg9[%swap3A_813], %add3A_812 {strides = array<i32>} : memref<256xf32, #tpu.memory_space<vmem>>, vector<16xf32>,
    %get3A_815 = arith.constant 240 : index
    %get3A_816 = tpu.vector_load %arg8[%get3A_815] {strides = array<i32>} : memref<4096xf32, #tpu.memory_space<vmem>>, vector<16xf32>,
    %get3A_817 = arith.constant 496 : index
    %get3A_818 = tpu.vector_load %arg8[%get3A_817] {strides = array<i32>} : memref<4096xf32, #tpu.memory_space<vmem>>, vector<16xf32>,
    %add3A_819 = arith.addf %get3A_816, %get3A_818 : vector<16xf32>
    %get3A_820 = arith.constant 752 : index
    %get3A_821 = tpu.vector_load %arg8[%get3A_820] {strides = array<i32>} : memref<4096xf32, #tpu.memory_space<vmem>>, vector<16xf32>,
    %add3A_822 = arith.addf %add3A_819, %get3A_821 : vector<16xf32>
    %get3A_823 = arith.constant 1008 : index
    %get3A_824 = tpu.vector_load %arg8[%get3A_823] {strides = array<i32>} : memref<4096xf32, #tpu.memory_space<vmem>>, vector<16xf32>,
    %add3A_825 = arith.addf %add3A_822, %get3A_824 : vector<16xf32>
    %get3A_826 = arith.constant 1264 : index
    %get3A_827 = tpu.vector_load %arg8[%get3A_826] {strides = array<i32>} : memref<4096xf32, #tpu.memory_space<vmem>>, vector<16xf32>,
    %add3A_828 = arith.addf %add3A_825, %get3A_827 : vector<16xf32>
    %get3A_829 = arith.constant 1520 : index
    %get3A_830 = tpu.vector_load %arg8[%get3A_829] {strides = array<i32>} : memref<4096xf32, #tpu.memory_space<vmem>>, vector<16xf32>,
    %add3A_831 = arith.addf %add3A_828, %get3A_830 : vector<16xf32>
    %get3A_832 = arith.constant 1776 : index
    %get3A_833 = tpu.vector_load %arg8[%get3A_832] {strides = array<i32>} : memref<4096xf32, #tpu.memory_space<vmem>>, vector<16xf32>,
    %add3A_834 = arith.addf %add3A_831, %get3A_833 : vector<16xf32>
    %get3A_835 = arith.constant 2032 : index
    %get3A_836 = tpu.vector_load %arg8[%get3A_835] {strides = array<i32>} : memref<4096xf32, #tpu.memory_space<vmem>>, vector<16xf32>,
    %add3A_837 = arith.addf %add3A_834, %get3A_836 : vector<16xf32>
    %get3A_838 = arith.constant 2288 : index
    %get3A_839 = tpu.vector_load %arg8[%get3A_838] {strides = array<i32>} : memref<4096xf32, #tpu.memory_space<vmem>>, vector<16xf32>,
    %add3A_840 = arith.addf %add3A_837, %get3A_839 : vector<16xf32>
    %get3A_841 = arith.constant 2544 : index
    %get3A_842 = tpu.vector_load %arg8[%get3A_841] {strides = array<i32>} : memref<4096xf32, #tpu.memory_space<vmem>>, vector<16xf32>,
    %add3A_843 = arith.addf %add3A_840, %get3A_842 : vector<16xf32>
    %get3A_844 = arith.constant 2800 : index
    %get3A_845 = tpu.vector_load %arg8[%get3A_844] {strides = array<i32>} : memref<4096xf32, #tpu.memory_space<vmem>>, vector<16xf32>,
    %add3A_846 = arith.addf %add3A_843, %get3A_845 : vector<16xf32>
    %get3A_847 = arith.constant 3056 : index
    %get3A_848 = tpu.vector_load %arg8[%get3A_847] {strides = array<i32>} : memref<4096xf32, #tpu.memory_space<vmem>>, vector<16xf32>,
    %add3A_849 = arith.addf %add3A_846, %get3A_848 : vector<16xf32>
    %get3A_850 = arith.constant 3312 : index
    %get3A_851 = tpu.vector_load %arg8[%get3A_850] {strides = array<i32>} : memref<4096xf32, #tpu.memory_space<vmem>>, vector<16xf32>,
    %add3A_852 = arith.addf %add3A_849, %get3A_851 : vector<16xf32>
    %get3A_853 = arith.constant 3568 : index
    %get3A_854 = tpu.vector_load %arg8[%get3A_853] {strides = array<i32>} : memref<4096xf32, #tpu.memory_space<vmem>>, vector<16xf32>,
    %add3A_855 = arith.addf %add3A_852, %get3A_854 : vector<16xf32>
    %get3A_856 = arith.constant 3824 : index
    %get3A_857 = tpu.vector_load %arg8[%get3A_856] {strides = array<i32>} : memref<4096xf32, #tpu.memory_space<vmem>>, vector<16xf32>,
    %add3A_858 = arith.addf %add3A_855, %get3A_857 : vector<16xf32>
    %get3A_859 = arith.constant 4080 : index
    %get3A_860 = tpu.vector_load %arg8[%get3A_859] {strides = array<i32>} : memref<4096xf32, #tpu.memory_space<vmem>>, vector<16xf32>,
    %add3A_861 = arith.addf %add3A_858, %get3A_860 : vector<16xf32>
    %swap3A_862 = arith.constant 240 : index
    %swap3A_863 = tpu.vector_load %arg9[%swap3A_862] {strides = array<i32>} : memref<256xf32, #tpu.memory_space<vmem>>, vector<16xf32>,
    tpu.vector_store %arg9[%swap3A_862], %add3A_861 {strides = array<i32>} : memref<256xf32, #tpu.memory_space<vmem>>, vector<16xf32>,
    "tpu.region"() ({
      %run_scoped3A = tpu.sem_alloc : memref<!tpu.dma_semaphore, #tpu.memory_space<semaphore_mem>>
      %dma_start3A_1563 = arith.constant 0 : i32
      %dma_start3A_1564 = tpu.memref_slice %arg20[%arg1, %dma_start3A_1563] : memref<16x256xf32, #tpu.memory_space<vmem_shared>> -> memref<1x256xf32, #tpu.memory_space<vmem_shared>>
      %dma_start3A_1565 = tpu.memref_squeeze %dma_start3A_1564 : memref<1x256xf32, #tpu.memory_space<vmem_shared>> -> memref<256xf32, #tpu.memory_space<vmem_shared>>
      %dma_start3A_1566 = arith.constant 0 : i32
      %dma_start3A_1567 = tpu.memref_slice %arg20[%arg1, %dma_start3A_1566] : memref<16x256xf32, #tpu.memory_space<vmem_shared>> -> memref<1x256xf32, #tpu.memory_space<vmem_shared>>
      %dma_start3A_1568 = tpu.memref_squeeze %dma_start3A_1567 : memref<1x256xf32, #tpu.memory_space<vmem_shared>> -> memref<256xf32, #tpu.memory_space<vmem_shared>>
      tpu.enqueue_dma source(%arg9 : memref<256xf32, #tpu.memory_space<vmem>>) target(%dma_start3A_1568 : memref<256xf32, #tpu.memory_space<vmem_shared>>) target_semaphore(%run_scoped3A : memref<!tpu.dma_semaphore, #tpu.memory_space<semaphore_mem>>)
      %dma_wait3A_1569 = arith.constant 0 : i32
      %dma_wait3A_1570 = tpu.memref_slice %arg20[%arg1, %dma_wait3A_1569] : memref<16x256xf32, #tpu.memory_space<vmem_shared>> -> memref<1x256xf32, #tpu.memory_space<vmem_shared>>
      %dma_wait3A_1571 = tpu.memref_squeeze %dma_wait3A_1570 : memref<1x256xf32, #tpu.memory_space<vmem_shared>> -> memref<256xf32, #tpu.memory_space<vmem_shared>>
      %dma_wait3A_1572 = arith.constant 0 : i32
      %dma_wait3A_1573 = tpu.memref_slice %arg20[%arg1, %dma_wait3A_1572] : memref<16x256xf32, #tpu.memory_space<vmem_shared>> -> memref<1x256xf32, #tpu.memory_space<vmem_shared>>
      %dma_wait3A_1574 = tpu.memref_squeeze %dma_wait3A_1573 : memref<1x256xf32, #tpu.memory_space<vmem_shared>> -> memref<256xf32, #tpu.memory_space<vmem_shared>>
      tpu.wait_dma2 semaphore(%run_scoped3A : memref<!tpu.dma_semaphore, #tpu.memory_space<semaphore_mem>>) src(%arg9 : memref<256xf32, #tpu.memory_space<vmem>>) dst(%dma_wait3A_1574 : memref<256xf32, #tpu.memory_space<vmem_shared>>)
      tpu.yield
    }) : () -> ()
    %barrier3A = arith.constant 0 : index
    tpu.barrier barrier_id(%barrier3A)
    %mul3A_864 = arith.constant 8 : i32
    %mul3A_865 = arith.muli %select_n3A, %mul3A_864 : i32
    %add3A_866 = arith.constant 0 : i32
    %add3A_867 = arith.addi %mul3A_865, %add3A_866 : i32
    %dma_start3A_868 = arith.constant 0 : i32
    %dma_start3A_869 = tpu.memref_slice %arg10[%dma_start3A_868] : memref<2048xf32, #tpu.memory_space<vmem>> -> memref<256xf32, #tpu.memory_space<vmem>>
    %dma_start3A_870 = arith.constant 0 : i32
    %dma_start3A_871 = tpu.memref_slice %arg20[%add3A_867, %dma_start3A_870] : memref<16x256xf32, #tpu.memory_space<vmem_shared>> -> memref<1x256xf32, #tpu.memory_space<vmem_shared>>
    %dma_start3A_872 = tpu.memref_squeeze %dma_start3A_871 : memref<1x256xf32, #tpu.memory_space<vmem_shared>> -> memref<256xf32, #tpu.memory_space<vmem_shared>>
    %dma_start3A_873 = arith.constant 0 : i32
    %dma_start3A_874 = tpu.memref_slice %arg10[%dma_start3A_873] : memref<2048xf32, #tpu.memory_space<vmem>> -> memref<256xf32, #tpu.memory_space<vmem>>
    %dma_start3A_875 = arith.constant 0 : i32
    %dma_start3A_876 = tpu.memref_slice %arg20[%add3A_867, %dma_start3A_875] : memref<16x256xf32, #tpu.memory_space<vmem_shared>> -> memref<1x256xf32, #tpu.memory_space<vmem_shared>>
    %dma_start3A_877 = tpu.memref_squeeze %dma_start3A_876 : memref<1x256xf32, #tpu.memory_space<vmem_shared>> -> memref<256xf32, #tpu.memory_space<vmem_shared>>
    tpu.enqueue_dma source(%dma_start3A_877 : memref<256xf32, #tpu.memory_space<vmem_shared>>) target(%dma_start3A_874 : memref<256xf32, #tpu.memory_space<vmem>>) target_semaphore(%arg19 : memref<!tpu.dma_semaphore, #tpu.memory_space<semaphore_mem>>)
    %mul3A_878 = arith.constant 8 : i32
    %mul3A_879 = arith.muli %select_n3A, %mul3A_878 : i32
    %add3A_880 = arith.constant 1 : i32
    %add3A_881 = arith.addi %mul3A_879, %add3A_880 : i32
    %dma_start3A_882 = arith.constant 256 : i32
    %dma_start3A_883 = tpu.memref_slice %arg10[%dma_start3A_882] : memref<2048xf32, #tpu.memory_space<vmem>> -> memref<256xf32, #tpu.memory_space<vmem>>
    %dma_start3A_884 = arith.constant 0 : i32
    %dma_start3A_885 = tpu.memref_slice %arg20[%add3A_881, %dma_start3A_884] : memref<16x256xf32, #tpu.memory_space<vmem_shared>> -> memref<1x256xf32, #tpu.memory_space<vmem_shared>>
    %dma_start3A_886 = tpu.memref_squeeze %dma_start3A_885 : memref<1x256xf32, #tpu.memory_space<vmem_shared>> -> memref<256xf32, #tpu.memory_space<vmem_shared>>
    %dma_start3A_887 = arith.constant 256 : i32
    %dma_start3A_888 = tpu.memref_slice %arg10[%dma_start3A_887] : memref<2048xf32, #tpu.memory_space<vmem>> -> memref<256xf32, #tpu.memory_space<vmem>>
    %dma_start3A_889 = arith.constant 0 : i32
    %dma_start3A_890 = tpu.memref_slice %arg20[%add3A_881, %dma_start3A_889] : memref<16x256xf32, #tpu.memory_space<vmem_shared>> -> memref<1x256xf32, #tpu.memory_space<vmem_shared>>
    %dma_start3A_891 = tpu.memref_squeeze %dma_start3A_890 : memref<1x256xf32, #tpu.memory_space<vmem_shared>> -> memref<256xf32, #tpu.memory_space<vmem_shared>>
    tpu.enqueue_dma source(%dma_start3A_891 : memref<256xf32, #tpu.memory_space<vmem_shared>>) target(%dma_start3A_888 : memref<256xf32, #tpu.memory_space<vmem>>) target_semaphore(%arg19 : memref<!tpu.dma_semaphore, #tpu.memory_space<semaphore_mem>>)
    %mul3A_892 = arith.constant 8 : i32
    %mul3A_893 = arith.muli %select_n3A, %mul3A_892 : i32
    %add3A_894 = arith.constant 2 : i32
    %add3A_895 = arith.addi %mul3A_893, %add3A_894 : i32
    %dma_start3A_896 = arith.constant 512 : i32
    %dma_start3A_897 = tpu.memref_slice %arg10[%dma_start3A_896] : memref<2048xf32, #tpu.memory_space<vmem>> -> memref<256xf32, #tpu.memory_space<vmem>>
    %dma_start3A_898 = arith.constant 0 : i32
    %dma_start3A_899 = tpu.memref_slice %arg20[%add3A_895, %dma_start3A_898] : memref<16x256xf32, #tpu.memory_space<vmem_shared>> -> memref<1x256xf32, #tpu.memory_space<vmem_shared>>
    %dma_start3A_900 = tpu.memref_squeeze %dma_start3A_899 : memref<1x256xf32, #tpu.memory_space<vmem_shared>> -> memref<256xf32, #tpu.memory_space<vmem_shared>>
    %dma_start3A_901 = arith.constant 512 : i32
    %dma_start3A_902 = tpu.memref_slice %arg10[%dma_start3A_901] : memref<2048xf32, #tpu.memory_space<vmem>> -> memref<256xf32, #tpu.memory_space<vmem>>
    %dma_start3A_903 = arith.constant 0 : i32
    %dma_start3A_904 = tpu.memref_slice %arg20[%add3A_895, %dma_start3A_903] : memref<16x256xf32, #tpu.memory_space<vmem_shared>> -> memref<1x256xf32, #tpu.memory_space<vmem_shared>>
    %dma_start3A_905 = tpu.memref_squeeze %dma_start3A_904 : memref<1x256xf32, #tpu.memory_space<vmem_shared>> -> memref<256xf32, #tpu.memory_space<vmem_shared>>
    tpu.enqueue_dma source(%dma_start3A_905 : memref<256xf32, #tpu.memory_space<vmem_shared>>) target(%dma_start3A_902 : memref<256xf32, #tpu.memory_space<vmem>>) target_semaphore(%arg19 : memref<!tpu.dma_semaphore, #tpu.memory_space<semaphore_mem>>)
    %mul3A_906 = arith.constant 8 : i32
    %mul3A_907 = arith.muli %select_n3A, %mul3A_906 : i32
    %add3A_908 = arith.constant 3 : i32
    %add3A_909 = arith.addi %mul3A_907, %add3A_908 : i32
    %dma_start3A_910 = arith.constant 768 : i32
    %dma_start3A_911 = tpu.memref_slice %arg10[%dma_start3A_910] : memref<2048xf32, #tpu.memory_space<vmem>> -> memref<256xf32, #tpu.memory_space<vmem>>
    %dma_start3A_912 = arith.constant 0 : i32
    %dma_start3A_913 = tpu.memref_slice %arg20[%add3A_909, %dma_start3A_912] : memref<16x256xf32, #tpu.memory_space<vmem_shared>> -> memref<1x256xf32, #tpu.memory_space<vmem_shared>>
    %dma_start3A_914 = tpu.memref_squeeze %dma_start3A_913 : memref<1x256xf32, #tpu.memory_space<vmem_shared>> -> memref<256xf32, #tpu.memory_space<vmem_shared>>
    %dma_start3A_915 = arith.constant 768 : i32
    %dma_start3A_916 = tpu.memref_slice %arg10[%dma_start3A_915] : memref<2048xf32, #tpu.memory_space<vmem>> -> memref<256xf32, #tpu.memory_space<vmem>>
    %dma_start3A_917 = arith.constant 0 : i32
    %dma_start3A_918 = tpu.memref_slice %arg20[%add3A_909, %dma_start3A_917] : memref<16x256xf32, #tpu.memory_space<vmem_shared>> -> memref<1x256xf32, #tpu.memory_space<vmem_shared>>
    %dma_start3A_919 = tpu.memref_squeeze %dma_start3A_918 : memref<1x256xf32, #tpu.memory_space<vmem_shared>> -> memref<256xf32, #tpu.memory_space<vmem_shared>>
    tpu.enqueue_dma source(%dma_start3A_919 : memref<256xf32, #tpu.memory_space<vmem_shared>>) target(%dma_start3A_916 : memref<256xf32, #tpu.memory_space<vmem>>) target_semaphore(%arg19 : memref<!tpu.dma_semaphore, #tpu.memory_space<semaphore_mem>>)
    %mul3A_920 = arith.constant 8 : i32
    %mul3A_921 = arith.muli %select_n3A, %mul3A_920 : i32
    %add3A_922 = arith.constant 4 : i32
    %add3A_923 = arith.addi %mul3A_921, %add3A_922 : i32
    %dma_start3A_924 = arith.constant 1024 : i32
    %dma_start3A_925 = tpu.memref_slice %arg10[%dma_start3A_924] : memref<2048xf32, #tpu.memory_space<vmem>> -> memref<256xf32, #tpu.memory_space<vmem>>
    %dma_start3A_926 = arith.constant 0 : i32
    %dma_start3A_927 = tpu.memref_slice %arg20[%add3A_923, %dma_start3A_926] : memref<16x256xf32, #tpu.memory_space<vmem_shared>> -> memref<1x256xf32, #tpu.memory_space<vmem_shared>>
    %dma_start3A_928 = tpu.memref_squeeze %dma_start3A_927 : memref<1x256xf32, #tpu.memory_space<vmem_shared>> -> memref<256xf32, #tpu.memory_space<vmem_shared>>
    %dma_start3A_929 = arith.constant 1024 : i32
    %dma_start3A_930 = tpu.memref_slice %arg10[%dma_start3A_929] : memref<2048xf32, #tpu.memory_space<vmem>> -> memref<256xf32, #tpu.memory_space<vmem>>
    %dma_start3A_931 = arith.constant 0 : i32
    %dma_start3A_932 = tpu.memref_slice %arg20[%add3A_923, %dma_start3A_931] : memref<16x256xf32, #tpu.memory_space<vmem_shared>> -> memref<1x256xf32, #tpu.memory_space<vmem_shared>>
    %dma_start3A_933 = tpu.memref_squeeze %dma_start3A_932 : memref<1x256xf32, #tpu.memory_space<vmem_shared>> -> memref<256xf32, #tpu.memory_space<vmem_shared>>
    tpu.enqueue_dma source(%dma_start3A_933 : memref<256xf32, #tpu.memory_space<vmem_shared>>) target(%dma_start3A_930 : memref<256xf32, #tpu.memory_space<vmem>>) target_semaphore(%arg19 : memref<!tpu.dma_semaphore, #tpu.memory_space<semaphore_mem>>)
    %mul3A_934 = arith.constant 8 : i32
    %mul3A_935 = arith.muli %select_n3A, %mul3A_934 : i32
    %add3A_936 = arith.constant 5 : i32
    %add3A_937 = arith.addi %mul3A_935, %add3A_936 : i32
    %dma_start3A_938 = arith.constant 1280 : i32
    %dma_start3A_939 = tpu.memref_slice %arg10[%dma_start3A_938] : memref<2048xf32, #tpu.memory_space<vmem>> -> memref<256xf32, #tpu.memory_space<vmem>>
    %dma_start3A_940 = arith.constant 0 : i32
    %dma_start3A_941 = tpu.memref_slice %arg20[%add3A_937, %dma_start3A_940] : memref<16x256xf32, #tpu.memory_space<vmem_shared>> -> memref<1x256xf32, #tpu.memory_space<vmem_shared>>
    %dma_start3A_942 = tpu.memref_squeeze %dma_start3A_941 : memref<1x256xf32, #tpu.memory_space<vmem_shared>> -> memref<256xf32, #tpu.memory_space<vmem_shared>>
    %dma_start3A_943 = arith.constant 1280 : i32
    %dma_start3A_944 = tpu.memref_slice %arg10[%dma_start3A_943] : memref<2048xf32, #tpu.memory_space<vmem>> -> memref<256xf32, #tpu.memory_space<vmem>>
    %dma_start3A_945 = arith.constant 0 : i32
    %dma_start3A_946 = tpu.memref_slice %arg20[%add3A_937, %dma_start3A_945] : memref<16x256xf32, #tpu.memory_space<vmem_shared>> -> memref<1x256xf32, #tpu.memory_space<vmem_shared>>
    %dma_start3A_947 = tpu.memref_squeeze %dma_start3A_946 : memref<1x256xf32, #tpu.memory_space<vmem_shared>> -> memref<256xf32, #tpu.memory_space<vmem_shared>>
    tpu.enqueue_dma source(%dma_start3A_947 : memref<256xf32, #tpu.memory_space<vmem_shared>>) target(%dma_start3A_944 : memref<256xf32, #tpu.memory_space<vmem>>) target_semaphore(%arg19 : memref<!tpu.dma_semaphore, #tpu.memory_space<semaphore_mem>>)
    %mul3A_948 = arith.constant 8 : i32
    %mul3A_949 = arith.muli %select_n3A, %mul3A_948 : i32
    %add3A_950 = arith.constant 6 : i32
    %add3A_951 = arith.addi %mul3A_949, %add3A_950 : i32
    %dma_start3A_952 = arith.constant 1536 : i32
    %dma_start3A_953 = tpu.memref_slice %arg10[%dma_start3A_952] : memref<2048xf32, #tpu.memory_space<vmem>> -> memref<256xf32, #tpu.memory_space<vmem>>
    %dma_start3A_954 = arith.constant 0 : i32
    %dma_start3A_955 = tpu.memref_slice %arg20[%add3A_951, %dma_start3A_954] : memref<16x256xf32, #tpu.memory_space<vmem_shared>> -> memref<1x256xf32, #tpu.memory_space<vmem_shared>>
    %dma_start3A_956 = tpu.memref_squeeze %dma_start3A_955 : memref<1x256xf32, #tpu.memory_space<vmem_shared>> -> memref<256xf32, #tpu.memory_space<vmem_shared>>
    %dma_start3A_957 = arith.constant 1536 : i32
    %dma_start3A_958 = tpu.memref_slice %arg10[%dma_start3A_957] : memref<2048xf32, #tpu.memory_space<vmem>> -> memref<256xf32, #tpu.memory_space<vmem>>
    %dma_start3A_959 = arith.constant 0 : i32
    %dma_start3A_960 = tpu.memref_slice %arg20[%add3A_951, %dma_start3A_959] : memref<16x256xf32, #tpu.memory_space<vmem_shared>> -> memref<1x256xf32, #tpu.memory_space<vmem_shared>>
    %dma_start3A_961 = tpu.memref_squeeze %dma_start3A_960 : memref<1x256xf32, #tpu.memory_space<vmem_shared>> -> memref<256xf32, #tpu.memory_space<vmem_shared>>
    tpu.enqueue_dma source(%dma_start3A_961 : memref<256xf32, #tpu.memory_space<vmem_shared>>) target(%dma_start3A_958 : memref<256xf32, #tpu.memory_space<vmem>>) target_semaphore(%arg19 : memref<!tpu.dma_semaphore, #tpu.memory_space<semaphore_mem>>)
    %mul3A_962 = arith.constant 8 : i32
    %mul3A_963 = arith.muli %select_n3A, %mul3A_962 : i32
    %add3A_964 = arith.constant 7 : i32
    %add3A_965 = arith.addi %mul3A_963, %add3A_964 : i32
    %dma_start3A_966 = arith.constant 1792 : i32
    %dma_start3A_967 = tpu.memref_slice %arg10[%dma_start3A_966] : memref<2048xf32, #tpu.memory_space<vmem>> -> memref<256xf32, #tpu.memory_space<vmem>>
    %dma_start3A_968 = arith.constant 0 : i32
    %dma_start3A_969 = tpu.memref_slice %arg20[%add3A_965, %dma_start3A_968] : memref<16x256xf32, #tpu.memory_space<vmem_shared>> -> memref<1x256xf32, #tpu.memory_space<vmem_shared>>
    %dma_start3A_970 = tpu.memref_squeeze %dma_start3A_969 : memref<1x256xf32, #tpu.memory_space<vmem_shared>> -> memref<256xf32, #tpu.memory_space<vmem_shared>>
    %dma_start3A_971 = arith.constant 1792 : i32
    %dma_start3A_972 = tpu.memref_slice %arg10[%dma_start3A_971] : memref<2048xf32, #tpu.memory_space<vmem>> -> memref<256xf32, #tpu.memory_space<vmem>>
    %dma_start3A_973 = arith.constant 0 : i32
    %dma_start3A_974 = tpu.memref_slice %arg20[%add3A_965, %dma_start3A_973] : memref<16x256xf32, #tpu.memory_space<vmem_shared>> -> memref<1x256xf32, #tpu.memory_space<vmem_shared>>
    %dma_start3A_975 = tpu.memref_squeeze %dma_start3A_974 : memref<1x256xf32, #tpu.memory_space<vmem_shared>> -> memref<256xf32, #tpu.memory_space<vmem_shared>>
    tpu.enqueue_dma source(%dma_start3A_975 : memref<256xf32, #tpu.memory_space<vmem_shared>>) target(%dma_start3A_972 : memref<256xf32, #tpu.memory_space<vmem>>) target_semaphore(%arg19 : memref<!tpu.dma_semaphore, #tpu.memory_space<semaphore_mem>>)
    %dma_wait3A_976 = arith.constant 0 : i32
    %dma_wait3A_977 = tpu.memref_slice %arg10[%dma_wait3A_976] : memref<2048xf32, #tpu.memory_space<vmem>> -> memref<256xf32, #tpu.memory_space<vmem>>
    %dma_wait3A_978 = arith.constant 0 : i32
    %dma_wait3A_979 = tpu.memref_slice %arg20[%add3A_867, %dma_wait3A_978] : memref<16x256xf32, #tpu.memory_space<vmem_shared>> -> memref<1x256xf32, #tpu.memory_space<vmem_shared>>
    %dma_wait3A_980 = tpu.memref_squeeze %dma_wait3A_979 : memref<1x256xf32, #tpu.memory_space<vmem_shared>> -> memref<256xf32, #tpu.memory_space<vmem_shared>>
    %dma_wait3A_981 = arith.constant 0 : i32
    %dma_wait3A_982 = tpu.memref_slice %arg10[%dma_wait3A_981] : memref<2048xf32, #tpu.memory_space<vmem>> -> memref<256xf32, #tpu.memory_space<vmem>>
    %dma_wait3A_983 = arith.constant 0 : i32
    %dma_wait3A_984 = tpu.memref_slice %arg20[%add3A_867, %dma_wait3A_983] : memref<16x256xf32, #tpu.memory_space<vmem_shared>> -> memref<1x256xf32, #tpu.memory_space<vmem_shared>>
    %dma_wait3A_985 = tpu.memref_squeeze %dma_wait3A_984 : memref<1x256xf32, #tpu.memory_space<vmem_shared>> -> memref<256xf32, #tpu.memory_space<vmem_shared>>
    tpu.wait_dma2 semaphore(%arg19 : memref<!tpu.dma_semaphore, #tpu.memory_space<semaphore_mem>>) src(%dma_wait3A_985 : memref<256xf32, #tpu.memory_space<vmem_shared>>) dst(%dma_wait3A_982 : memref<256xf32, #tpu.memory_space<vmem>>)
    %dma_wait3A_986 = arith.constant 256 : i32
    %dma_wait3A_987 = tpu.memref_slice %arg10[%dma_wait3A_986] : memref<2048xf32, #tpu.memory_space<vmem>> -> memref<256xf32, #tpu.memory_space<vmem>>
    %dma_wait3A_988 = arith.constant 0 : i32
    %dma_wait3A_989 = tpu.memref_slice %arg20[%add3A_881, %dma_wait3A_988] : memref<16x256xf32, #tpu.memory_space<vmem_shared>> -> memref<1x256xf32, #tpu.memory_space<vmem_shared>>
    %dma_wait3A_990 = tpu.memref_squeeze %dma_wait3A_989 : memref<1x256xf32, #tpu.memory_space<vmem_shared>> -> memref<256xf32, #tpu.memory_space<vmem_shared>>
    %dma_wait3A_991 = arith.constant 256 : i32
    %dma_wait3A_992 = tpu.memref_slice %arg10[%dma_wait3A_991] : memref<2048xf32, #tpu.memory_space<vmem>> -> memref<256xf32, #tpu.memory_space<vmem>>
    %dma_wait3A_993 = arith.constant 0 : i32
    %dma_wait3A_994 = tpu.memref_slice %arg20[%add3A_881, %dma_wait3A_993] : memref<16x256xf32, #tpu.memory_space<vmem_shared>> -> memref<1x256xf32, #tpu.memory_space<vmem_shared>>
    %dma_wait3A_995 = tpu.memref_squeeze %dma_wait3A_994 : memref<1x256xf32, #tpu.memory_space<vmem_shared>> -> memref<256xf32, #tpu.memory_space<vmem_shared>>
    tpu.wait_dma2 semaphore(%arg19 : memref<!tpu.dma_semaphore, #tpu.memory_space<semaphore_mem>>) src(%dma_wait3A_995 : memref<256xf32, #tpu.memory_space<vmem_shared>>) dst(%dma_wait3A_992 : memref<256xf32, #tpu.memory_space<vmem>>)
    %dma_wait3A_996 = arith.constant 512 : i32
    %dma_wait3A_997 = tpu.memref_slice %arg10[%dma_wait3A_996] : memref<2048xf32, #tpu.memory_space<vmem>> -> memref<256xf32, #tpu.memory_space<vmem>>
    %dma_wait3A_998 = arith.constant 0 : i32
    %dma_wait3A_999 = tpu.memref_slice %arg20[%add3A_895, %dma_wait3A_998] : memref<16x256xf32, #tpu.memory_space<vmem_shared>> -> memref<1x256xf32, #tpu.memory_space<vmem_shared>>
    %dma_wait3A_1000 = tpu.memref_squeeze %dma_wait3A_999 : memref<1x256xf32, #tpu.memory_space<vmem_shared>> -> memref<256xf32, #tpu.memory_space<vmem_shared>>
    %dma_wait3A_1001 = arith.constant 512 : i32
    %dma_wait3A_1002 = tpu.memref_slice %arg10[%dma_wait3A_1001] : memref<2048xf32, #tpu.memory_space<vmem>> -> memref<256xf32, #tpu.memory_space<vmem>>
    %dma_wait3A_1003 = arith.constant 0 : i32
    %dma_wait3A_1004 = tpu.memref_slice %arg20[%add3A_895, %dma_wait3A_1003] : memref<16x256xf32, #tpu.memory_space<vmem_shared>> -> memref<1x256xf32, #tpu.memory_space<vmem_shared>>
    %dma_wait3A_1005 = tpu.memref_squeeze %dma_wait3A_1004 : memref<1x256xf32, #tpu.memory_space<vmem_shared>> -> memref<256xf32, #tpu.memory_space<vmem_shared>>
    tpu.wait_dma2 semaphore(%arg19 : memref<!tpu.dma_semaphore, #tpu.memory_space<semaphore_mem>>) src(%dma_wait3A_1005 : memref<256xf32, #tpu.memory_space<vmem_shared>>) dst(%dma_wait3A_1002 : memref<256xf32, #tpu.memory_space<vmem>>)
    %dma_wait3A_1006 = arith.constant 768 : i32
    %dma_wait3A_1007 = tpu.memref_slice %arg10[%dma_wait3A_1006] : memref<2048xf32, #tpu.memory_space<vmem>> -> memref<256xf32, #tpu.memory_space<vmem>>
    %dma_wait3A_1008 = arith.constant 0 : i32
    %dma_wait3A_1009 = tpu.memref_slice %arg20[%add3A_909, %dma_wait3A_1008] : memref<16x256xf32, #tpu.memory_space<vmem_shared>> -> memref<1x256xf32, #tpu.memory_space<vmem_shared>>
    %dma_wait3A_1010 = tpu.memref_squeeze %dma_wait3A_1009 : memref<1x256xf32, #tpu.memory_space<vmem_shared>> -> memref<256xf32, #tpu.memory_space<vmem_shared>>
    %dma_wait3A_1011 = arith.constant 768 : i32
    %dma_wait3A_1012 = tpu.memref_slice %arg10[%dma_wait3A_1011] : memref<2048xf32, #tpu.memory_space<vmem>> -> memref<256xf32, #tpu.memory_space<vmem>>
    %dma_wait3A_1013 = arith.constant 0 : i32
    %dma_wait3A_1014 = tpu.memref_slice %arg20[%add3A_909, %dma_wait3A_1013] : memref<16x256xf32, #tpu.memory_space<vmem_shared>> -> memref<1x256xf32, #tpu.memory_space<vmem_shared>>
    %dma_wait3A_1015 = tpu.memref_squeeze %dma_wait3A_1014 : memref<1x256xf32, #tpu.memory_space<vmem_shared>> -> memref<256xf32, #tpu.memory_space<vmem_shared>>
    tpu.wait_dma2 semaphore(%arg19 : memref<!tpu.dma_semaphore, #tpu.memory_space<semaphore_mem>>) src(%dma_wait3A_1015 : memref<256xf32, #tpu.memory_space<vmem_shared>>) dst(%dma_wait3A_1012 : memref<256xf32, #tpu.memory_space<vmem>>)
    %dma_wait3A_1016 = arith.constant 1024 : i32
    %dma_wait3A_1017 = tpu.memref_slice %arg10[%dma_wait3A_1016] : memref<2048xf32, #tpu.memory_space<vmem>> -> memref<256xf32, #tpu.memory_space<vmem>>
    %dma_wait3A_1018 = arith.constant 0 : i32
    %dma_wait3A_1019 = tpu.memref_slice %arg20[%add3A_923, %dma_wait3A_1018] : memref<16x256xf32, #tpu.memory_space<vmem_shared>> -> memref<1x256xf32, #tpu.memory_space<vmem_shared>>
    %dma_wait3A_1020 = tpu.memref_squeeze %dma_wait3A_1019 : memref<1x256xf32, #tpu.memory_space<vmem_shared>> -> memref<256xf32, #tpu.memory_space<vmem_shared>>
    %dma_wait3A_1021 = arith.constant 1024 : i32
    %dma_wait3A_1022 = tpu.memref_slice %arg10[%dma_wait3A_1021] : memref<2048xf32, #tpu.memory_space<vmem>> -> memref<256xf32, #tpu.memory_space<vmem>>
    %dma_wait3A_1023 = arith.constant 0 : i32
    %dma_wait3A_1024 = tpu.memref_slice %arg20[%add3A_923, %dma_wait3A_1023] : memref<16x256xf32, #tpu.memory_space<vmem_shared>> -> memref<1x256xf32, #tpu.memory_space<vmem_shared>>
    %dma_wait3A_1025 = tpu.memref_squeeze %dma_wait3A_1024 : memref<1x256xf32, #tpu.memory_space<vmem_shared>> -> memref<256xf32, #tpu.memory_space<vmem_shared>>
    tpu.wait_dma2 semaphore(%arg19 : memref<!tpu.dma_semaphore, #tpu.memory_space<semaphore_mem>>) src(%dma_wait3A_1025 : memref<256xf32, #tpu.memory_space<vmem_shared>>) dst(%dma_wait3A_1022 : memref<256xf32, #tpu.memory_space<vmem>>)
    %dma_wait3A_1026 = arith.constant 1280 : i32
    %dma_wait3A_1027 = tpu.memref_slice %arg10[%dma_wait3A_1026] : memref<2048xf32, #tpu.memory_space<vmem>> -> memref<256xf32, #tpu.memory_space<vmem>>
    %dma_wait3A_1028 = arith.constant 0 : i32
    %dma_wait3A_1029 = tpu.memref_slice %arg20[%add3A_937, %dma_wait3A_1028] : memref<16x256xf32, #tpu.memory_space<vmem_shared>> -> memref<1x256xf32, #tpu.memory_space<vmem_shared>>
    %dma_wait3A_1030 = tpu.memref_squeeze %dma_wait3A_1029 : memref<1x256xf32, #tpu.memory_space<vmem_shared>> -> memref<256xf32, #tpu.memory_space<vmem_shared>>
    %dma_wait3A_1031 = arith.constant 1280 : i32
    %dma_wait3A_1032 = tpu.memref_slice %arg10[%dma_wait3A_1031] : memref<2048xf32, #tpu.memory_space<vmem>> -> memref<256xf32, #tpu.memory_space<vmem>>
    %dma_wait3A_1033 = arith.constant 0 : i32
    %dma_wait3A_1034 = tpu.memref_slice %arg20[%add3A_937, %dma_wait3A_1033] : memref<16x256xf32, #tpu.memory_space<vmem_shared>> -> memref<1x256xf32, #tpu.memory_space<vmem_shared>>
    %dma_wait3A_1035 = tpu.memref_squeeze %dma_wait3A_1034 : memref<1x256xf32, #tpu.memory_space<vmem_shared>> -> memref<256xf32, #tpu.memory_space<vmem_shared>>
    tpu.wait_dma2 semaphore(%arg19 : memref<!tpu.dma_semaphore, #tpu.memory_space<semaphore_mem>>) src(%dma_wait3A_1035 : memref<256xf32, #tpu.memory_space<vmem_shared>>) dst(%dma_wait3A_1032 : memref<256xf32, #tpu.memory_space<vmem>>)
    %dma_wait3A_1036 = arith.constant 1536 : i32
    %dma_wait3A_1037 = tpu.memref_slice %arg10[%dma_wait3A_1036] : memref<2048xf32, #tpu.memory_space<vmem>> -> memref<256xf32, #tpu.memory_space<vmem>>
    %dma_wait3A_1038 = arith.constant 0 : i32
    %dma_wait3A_1039 = tpu.memref_slice %arg20[%add3A_951, %dma_wait3A_1038] : memref<16x256xf32, #tpu.memory_space<vmem_shared>> -> memref<1x256xf32, #tpu.memory_space<vmem_shared>>
    %dma_wait3A_1040 = tpu.memref_squeeze %dma_wait3A_1039 : memref<1x256xf32, #tpu.memory_space<vmem_shared>> -> memref<256xf32, #tpu.memory_space<vmem_shared>>
    %dma_wait3A_1041 = arith.constant 1536 : i32
    %dma_wait3A_1042 = tpu.memref_slice %arg10[%dma_wait3A_1041] : memref<2048xf32, #tpu.memory_space<vmem>> -> memref<256xf32, #tpu.memory_space<vmem>>
    %dma_wait3A_1043 = arith.constant 0 : i32
    %dma_wait3A_1044 = tpu.memref_slice %arg20[%add3A_951, %dma_wait3A_1043] : memref<16x256xf32, #tpu.memory_space<vmem_shared>> -> memref<1x256xf32, #tpu.memory_space<vmem_shared>>
    %dma_wait3A_1045 = tpu.memref_squeeze %dma_wait3A_1044 : memref<1x256xf32, #tpu.memory_space<vmem_shared>> -> memref<256xf32, #tpu.memory_space<vmem_shared>>
    tpu.wait_dma2 semaphore(%arg19 : memref<!tpu.dma_semaphore, #tpu.memory_space<semaphore_mem>>) src(%dma_wait3A_1045 : memref<256xf32, #tpu.memory_space<vmem_shared>>) dst(%dma_wait3A_1042 : memref<256xf32, #tpu.memory_space<vmem>>)
    %dma_wait3A_1046 = arith.constant 1792 : i32
    %dma_wait3A_1047 = tpu.memref_slice %arg10[%dma_wait3A_1046] : memref<2048xf32, #tpu.memory_space<vmem>> -> memref<256xf32, #tpu.memory_space<vmem>>
    %dma_wait3A_1048 = arith.constant 0 : i32
    %dma_wait3A_1049 = tpu.memref_slice %arg20[%add3A_965, %dma_wait3A_1048] : memref<16x256xf32, #tpu.memory_space<vmem_shared>> -> memref<1x256xf32, #tpu.memory_space<vmem_shared>>
    %dma_wait3A_1050 = tpu.memref_squeeze %dma_wait3A_1049 : memref<1x256xf32, #tpu.memory_space<vmem_shared>> -> memref<256xf32, #tpu.memory_space<vmem_shared>>
    %dma_wait3A_1051 = arith.constant 1792 : i32
    %dma_wait3A_1052 = tpu.memref_slice %arg10[%dma_wait3A_1051] : memref<2048xf32, #tpu.memory_space<vmem>> -> memref<256xf32, #tpu.memory_space<vmem>>
    %dma_wait3A_1053 = arith.constant 0 : i32
    %dma_wait3A_1054 = tpu.memref_slice %arg20[%add3A_965, %dma_wait3A_1053] : memref<16x256xf32, #tpu.memory_space<vmem_shared>> -> memref<1x256xf32, #tpu.memory_space<vmem_shared>>
    %dma_wait3A_1055 = tpu.memref_squeeze %dma_wait3A_1054 : memref<1x256xf32, #tpu.memory_space<vmem_shared>> -> memref<256xf32, #tpu.memory_space<vmem_shared>>
    tpu.wait_dma2 semaphore(%arg19 : memref<!tpu.dma_semaphore, #tpu.memory_space<semaphore_mem>>) src(%dma_wait3A_1055 : memref<256xf32, #tpu.memory_space<vmem_shared>>) dst(%dma_wait3A_1052 : memref<256xf32, #tpu.memory_space<vmem>>)
    %get3A_1056 = arith.constant 0 : index
    %get3A_1057 = tpu.vector_load %arg10[%get3A_1056] {strides = array<i32>} : memref<2048xf32, #tpu.memory_space<vmem>>, vector<16xf32>,
    %get3A_1058 = arith.constant 256 : index
    %get3A_1059 = tpu.vector_load %arg10[%get3A_1058] {strides = array<i32>} : memref<2048xf32, #tpu.memory_space<vmem>>, vector<16xf32>,
    %add3A_1060 = arith.addf %get3A_1057, %get3A_1059 : vector<16xf32>
    %get3A_1061 = arith.constant 512 : index
    %get3A_1062 = tpu.vector_load %arg10[%get3A_1061] {strides = array<i32>} : memref<2048xf32, #tpu.memory_space<vmem>>, vector<16xf32>,
    %add3A_1063 = arith.addf %add3A_1060, %get3A_1062 : vector<16xf32>
    %get3A_1064 = arith.constant 768 : index
    %get3A_1065 = tpu.vector_load %arg10[%get3A_1064] {strides = array<i32>} : memref<2048xf32, #tpu.memory_space<vmem>>, vector<16xf32>,
    %add3A_1066 = arith.addf %add3A_1063, %get3A_1065 : vector<16xf32>
    %get3A_1067 = arith.constant 1024 : index
    %get3A_1068 = tpu.vector_load %arg10[%get3A_1067] {strides = array<i32>} : memref<2048xf32, #tpu.memory_space<vmem>>, vector<16xf32>,
    %add3A_1069 = arith.addf %add3A_1066, %get3A_1068 : vector<16xf32>
    %get3A_1070 = arith.constant 1280 : index
    %get3A_1071 = tpu.vector_load %arg10[%get3A_1070] {strides = array<i32>} : memref<2048xf32, #tpu.memory_space<vmem>>, vector<16xf32>,
    %add3A_1072 = arith.addf %add3A_1069, %get3A_1071 : vector<16xf32>
    %get3A_1073 = arith.constant 1536 : index
    %get3A_1074 = tpu.vector_load %arg10[%get3A_1073] {strides = array<i32>} : memref<2048xf32, #tpu.memory_space<vmem>>, vector<16xf32>,
    %add3A_1075 = arith.addf %add3A_1072, %get3A_1074 : vector<16xf32>
    %get3A_1076 = arith.constant 1792 : index
    %get3A_1077 = tpu.vector_load %arg10[%get3A_1076] {strides = array<i32>} : memref<2048xf32, #tpu.memory_space<vmem>>, vector<16xf32>,
    %add3A_1078 = arith.addf %add3A_1075, %get3A_1077 : vector<16xf32>
    %mul3A_1079 = arith.constant 1.99298465E-5 : f32
    %mul3A_1080 = vector.broadcast %mul3A_1079 : f32 to vector<16xf32>
    %mul3A_1081 = arith.mulf %add3A_1078, %mul3A_1080 : vector<16xf32>
    %swap3A_1082 = arith.constant 0 : index
    %swap3A_1083 = tpu.vector_load %arg9[%swap3A_1082] {strides = array<i32>} : memref<256xf32, #tpu.memory_space<vmem>>, vector<16xf32>,
    tpu.vector_store %arg9[%swap3A_1082], %mul3A_1081 {strides = array<i32>} : memref<256xf32, #tpu.memory_space<vmem>>, vector<16xf32>,
    %get3A_1084 = arith.constant 16 : index
    %get3A_1085 = tpu.vector_load %arg10[%get3A_1084] {strides = array<i32>} : memref<2048xf32, #tpu.memory_space<vmem>>, vector<16xf32>,
    %get3A_1086 = arith.constant 272 : index
    %get3A_1087 = tpu.vector_load %arg10[%get3A_1086] {strides = array<i32>} : memref<2048xf32, #tpu.memory_space<vmem>>, vector<16xf32>,
    %add3A_1088 = arith.addf %get3A_1085, %get3A_1087 : vector<16xf32>
    %get3A_1089 = arith.constant 528 : index
    %get3A_1090 = tpu.vector_load %arg10[%get3A_1089] {strides = array<i32>} : memref<2048xf32, #tpu.memory_space<vmem>>, vector<16xf32>,
    %add3A_1091 = arith.addf %add3A_1088, %get3A_1090 : vector<16xf32>
    %get3A_1092 = arith.constant 784 : index
    %get3A_1093 = tpu.vector_load %arg10[%get3A_1092] {strides = array<i32>} : memref<2048xf32, #tpu.memory_space<vmem>>, vector<16xf32>,
    %add3A_1094 = arith.addf %add3A_1091, %get3A_1093 : vector<16xf32>
    %get3A_1095 = arith.constant 1040 : index
    %get3A_1096 = tpu.vector_load %arg10[%get3A_1095] {strides = array<i32>} : memref<2048xf32, #tpu.memory_space<vmem>>, vector<16xf32>,
    %add3A_1097 = arith.addf %add3A_1094, %get3A_1096 : vector<16xf32>
    %get3A_1098 = arith.constant 1296 : index
    %get3A_1099 = tpu.vector_load %arg10[%get3A_1098] {strides = array<i32>} : memref<2048xf32, #tpu.memory_space<vmem>>, vector<16xf32>,
    %add3A_1100 = arith.addf %add3A_1097, %get3A_1099 : vector<16xf32>
    %get3A_1101 = arith.constant 1552 : index
    %get3A_1102 = tpu.vector_load %arg10[%get3A_1101] {strides = array<i32>} : memref<2048xf32, #tpu.memory_space<vmem>>, vector<16xf32>,
    %add3A_1103 = arith.addf %add3A_1100, %get3A_1102 : vector<16xf32>
    %get3A_1104 = arith.constant 1808 : index
    %get3A_1105 = tpu.vector_load %arg10[%get3A_1104] {strides = array<i32>} : memref<2048xf32, #tpu.memory_space<vmem>>, vector<16xf32>,
    %add3A_1106 = arith.addf %add3A_1103, %get3A_1105 : vector<16xf32>
    %mul3A_1107 = arith.constant 1.99298465E-5 : f32
    %mul3A_1108 = vector.broadcast %mul3A_1107 : f32 to vector<16xf32>
    %mul3A_1109 = arith.mulf %add3A_1106, %mul3A_1108 : vector<16xf32>
    %swap3A_1110 = arith.constant 16 : index
    %swap3A_1111 = tpu.vector_load %arg9[%swap3A_1110] {strides = array<i32>} : memref<256xf32, #tpu.memory_space<vmem>>, vector<16xf32>,
    tpu.vector_store %arg9[%swap3A_1110], %mul3A_1109 {strides = array<i32>} : memref<256xf32, #tpu.memory_space<vmem>>, vector<16xf32>,
    %get3A_1112 = arith.constant 32 : index
    %get3A_1113 = tpu.vector_load %arg10[%get3A_1112] {strides = array<i32>} : memref<2048xf32, #tpu.memory_space<vmem>>, vector<16xf32>,
    %get3A_1114 = arith.constant 288 : index
    %get3A_1115 = tpu.vector_load %arg10[%get3A_1114] {strides = array<i32>} : memref<2048xf32, #tpu.memory_space<vmem>>, vector<16xf32>,
    %add3A_1116 = arith.addf %get3A_1113, %get3A_1115 : vector<16xf32>
    %get3A_1117 = arith.constant 544 : index
    %get3A_1118 = tpu.vector_load %arg10[%get3A_1117] {strides = array<i32>} : memref<2048xf32, #tpu.memory_space<vmem>>, vector<16xf32>,
    %add3A_1119 = arith.addf %add3A_1116, %get3A_1118 : vector<16xf32>
    %get3A_1120 = arith.constant 800 : index
    %get3A_1121 = tpu.vector_load %arg10[%get3A_1120] {strides = array<i32>} : memref<2048xf32, #tpu.memory_space<vmem>>, vector<16xf32>,
    %add3A_1122 = arith.addf %add3A_1119, %get3A_1121 : vector<16xf32>
    %get3A_1123 = arith.constant 1056 : index
    %get3A_1124 = tpu.vector_load %arg10[%get3A_1123] {strides = array<i32>} : memref<2048xf32, #tpu.memory_space<vmem>>, vector<16xf32>,
    %add3A_1125 = arith.addf %add3A_1122, %get3A_1124 : vector<16xf32>
    %get3A_1126 = arith.constant 1312 : index
    %get3A_1127 = tpu.vector_load %arg10[%get3A_1126] {strides = array<i32>} : memref<2048xf32, #tpu.memory_space<vmem>>, vector<16xf32>,
    %add3A_1128 = arith.addf %add3A_1125, %get3A_1127 : vector<16xf32>
    %get3A_1129 = arith.constant 1568 : index
    %get3A_1130 = tpu.vector_load %arg10[%get3A_1129] {strides = array<i32>} : memref<2048xf32, #tpu.memory_space<vmem>>, vector<16xf32>,
    %add3A_1131 = arith.addf %add3A_1128, %get3A_1130 : vector<16xf32>
    %get3A_1132 = arith.constant 1824 : index
    %get3A_1133 = tpu.vector_load %arg10[%get3A_1132] {strides = array<i32>} : memref<2048xf32, #tpu.memory_space<vmem>>, vector<16xf32>,
    %add3A_1134 = arith.addf %add3A_1131, %get3A_1133 : vector<16xf32>
    %mul3A_1135 = arith.constant 1.99298465E-5 : f32
    %mul3A_1136 = vector.broadcast %mul3A_1135 : f32 to vector<16xf32>
    %mul3A_1137 = arith.mulf %add3A_1134, %mul3A_1136 : vector<16xf32>
    %swap3A_1138 = arith.constant 32 : index
    %swap3A_1139 = tpu.vector_load %arg9[%swap3A_1138] {strides = array<i32>} : memref<256xf32, #tpu.memory_space<vmem>>, vector<16xf32>,
    tpu.vector_store %arg9[%swap3A_1138], %mul3A_1137 {strides = array<i32>} : memref<256xf32, #tpu.memory_space<vmem>>, vector<16xf32>,
    %get3A_1140 = arith.constant 48 : index
    %get3A_1141 = tpu.vector_load %arg10[%get3A_1140] {strides = array<i32>} : memref<2048xf32, #tpu.memory_space<vmem>>, vector<16xf32>,
    %get3A_1142 = arith.constant 304 : index
    %get3A_1143 = tpu.vector_load %arg10[%get3A_1142] {strides = array<i32>} : memref<2048xf32, #tpu.memory_space<vmem>>, vector<16xf32>,
    %add3A_1144 = arith.addf %get3A_1141, %get3A_1143 : vector<16xf32>
    %get3A_1145 = arith.constant 560 : index
    %get3A_1146 = tpu.vector_load %arg10[%get3A_1145] {strides = array<i32>} : memref<2048xf32, #tpu.memory_space<vmem>>, vector<16xf32>,
    %add3A_1147 = arith.addf %add3A_1144, %get3A_1146 : vector<16xf32>
    %get3A_1148 = arith.constant 816 : index
    %get3A_1149 = tpu.vector_load %arg10[%get3A_1148] {strides = array<i32>} : memref<2048xf32, #tpu.memory_space<vmem>>, vector<16xf32>,
    %add3A_1150 = arith.addf %add3A_1147, %get3A_1149 : vector<16xf32>
    %get3A_1151 = arith.constant 1072 : index
    %get3A_1152 = tpu.vector_load %arg10[%get3A_1151] {strides = array<i32>} : memref<2048xf32, #tpu.memory_space<vmem>>, vector<16xf32>,
    %add3A_1153 = arith.addf %add3A_1150, %get3A_1152 : vector<16xf32>
    %get3A_1154 = arith.constant 1328 : index
    %get3A_1155 = tpu.vector_load %arg10[%get3A_1154] {strides = array<i32>} : memref<2048xf32, #tpu.memory_space<vmem>>, vector<16xf32>,
    %add3A_1156 = arith.addf %add3A_1153, %get3A_1155 : vector<16xf32>
    %get3A_1157 = arith.constant 1584 : index
    %get3A_1158 = tpu.vector_load %arg10[%get3A_1157] {strides = array<i32>} : memref<2048xf32, #tpu.memory_space<vmem>>, vector<16xf32>,
    %add3A_1159 = arith.addf %add3A_1156, %get3A_1158 : vector<16xf32>
    %get3A_1160 = arith.constant 1840 : index
    %get3A_1161 = tpu.vector_load %arg10[%get3A_1160] {strides = array<i32>} : memref<2048xf32, #tpu.memory_space<vmem>>, vector<16xf32>,
    %add3A_1162 = arith.addf %add3A_1159, %get3A_1161 : vector<16xf32>
    %mul3A_1163 = arith.constant 1.99298465E-5 : f32
    %mul3A_1164 = vector.broadcast %mul3A_1163 : f32 to vector<16xf32>
    %mul3A_1165 = arith.mulf %add3A_1162, %mul3A_1164 : vector<16xf32>
    %swap3A_1166 = arith.constant 48 : index
    %swap3A_1167 = tpu.vector_load %arg9[%swap3A_1166] {strides = array<i32>} : memref<256xf32, #tpu.memory_space<vmem>>, vector<16xf32>,
    tpu.vector_store %arg9[%swap3A_1166], %mul3A_1165 {strides = array<i32>} : memref<256xf32, #tpu.memory_space<vmem>>, vector<16xf32>,
    %get3A_1168 = arith.constant 64 : index
    %get3A_1169 = tpu.vector_load %arg10[%get3A_1168] {strides = array<i32>} : memref<2048xf32, #tpu.memory_space<vmem>>, vector<16xf32>,
    %get3A_1170 = arith.constant 320 : index
    %get3A_1171 = tpu.vector_load %arg10[%get3A_1170] {strides = array<i32>} : memref<2048xf32, #tpu.memory_space<vmem>>, vector<16xf32>,
    %add3A_1172 = arith.addf %get3A_1169, %get3A_1171 : vector<16xf32>
    %get3A_1173 = arith.constant 576 : index
    %get3A_1174 = tpu.vector_load %arg10[%get3A_1173] {strides = array<i32>} : memref<2048xf32, #tpu.memory_space<vmem>>, vector<16xf32>,
    %add3A_1175 = arith.addf %add3A_1172, %get3A_1174 : vector<16xf32>
    %get3A_1176 = arith.constant 832 : index
    %get3A_1177 = tpu.vector_load %arg10[%get3A_1176] {strides = array<i32>} : memref<2048xf32, #tpu.memory_space<vmem>>, vector<16xf32>,
    %add3A_1178 = arith.addf %add3A_1175, %get3A_1177 : vector<16xf32>
    %get3A_1179 = arith.constant 1088 : index
    %get3A_1180 = tpu.vector_load %arg10[%get3A_1179] {strides = array<i32>} : memref<2048xf32, #tpu.memory_space<vmem>>, vector<16xf32>,
    %add3A_1181 = arith.addf %add3A_1178, %get3A_1180 : vector<16xf32>
    %get3A_1182 = arith.constant 1344 : index
    %get3A_1183 = tpu.vector_load %arg10[%get3A_1182] {strides = array<i32>} : memref<2048xf32, #tpu.memory_space<vmem>>, vector<16xf32>,
    %add3A_1184 = arith.addf %add3A_1181, %get3A_1183 : vector<16xf32>
    %get3A_1185 = arith.constant 1600 : index
    %get3A_1186 = tpu.vector_load %arg10[%get3A_1185] {strides = array<i32>} : memref<2048xf32, #tpu.memory_space<vmem>>, vector<16xf32>,
    %add3A_1187 = arith.addf %add3A_1184, %get3A_1186 : vector<16xf32>
    %get3A_1188 = arith.constant 1856 : index
    %get3A_1189 = tpu.vector_load %arg10[%get3A_1188] {strides = array<i32>} : memref<2048xf32, #tpu.memory_space<vmem>>, vector<16xf32>,
    %add3A_1190 = arith.addf %add3A_1187, %get3A_1189 : vector<16xf32>
    %mul3A_1191 = arith.constant 1.99298465E-5 : f32
    %mul3A_1192 = vector.broadcast %mul3A_1191 : f32 to vector<16xf32>
    %mul3A_1193 = arith.mulf %add3A_1190, %mul3A_1192 : vector<16xf32>
    %swap3A_1194 = arith.constant 64 : index
    %swap3A_1195 = tpu.vector_load %arg9[%swap3A_1194] {strides = array<i32>} : memref<256xf32, #tpu.memory_space<vmem>>, vector<16xf32>,
    tpu.vector_store %arg9[%swap3A_1194], %mul3A_1193 {strides = array<i32>} : memref<256xf32, #tpu.memory_space<vmem>>, vector<16xf32>,
    %get3A_1196 = arith.constant 80 : index
    %get3A_1197 = tpu.vector_load %arg10[%get3A_1196] {strides = array<i32>} : memref<2048xf32, #tpu.memory_space<vmem>>, vector<16xf32>,
    %get3A_1198 = arith.constant 336 : index
    %get3A_1199 = tpu.vector_load %arg10[%get3A_1198] {strides = array<i32>} : memref<2048xf32, #tpu.memory_space<vmem>>, vector<16xf32>,
    %add3A_1200 = arith.addf %get3A_1197, %get3A_1199 : vector<16xf32>
    %get3A_1201 = arith.constant 592 : index
    %get3A_1202 = tpu.vector_load %arg10[%get3A_1201] {strides = array<i32>} : memref<2048xf32, #tpu.memory_space<vmem>>, vector<16xf32>,
    %add3A_1203 = arith.addf %add3A_1200, %get3A_1202 : vector<16xf32>
    %get3A_1204 = arith.constant 848 : index
    %get3A_1205 = tpu.vector_load %arg10[%get3A_1204] {strides = array<i32>} : memref<2048xf32, #tpu.memory_space<vmem>>, vector<16xf32>,
    %add3A_1206 = arith.addf %add3A_1203, %get3A_1205 : vector<16xf32>
    %get3A_1207 = arith.constant 1104 : index
    %get3A_1208 = tpu.vector_load %arg10[%get3A_1207] {strides = array<i32>} : memref<2048xf32, #tpu.memory_space<vmem>>, vector<16xf32>,
    %add3A_1209 = arith.addf %add3A_1206, %get3A_1208 : vector<16xf32>
    %get3A_1210 = arith.constant 1360 : index
    %get3A_1211 = tpu.vector_load %arg10[%get3A_1210] {strides = array<i32>} : memref<2048xf32, #tpu.memory_space<vmem>>, vector<16xf32>,
    %add3A_1212 = arith.addf %add3A_1209, %get3A_1211 : vector<16xf32>
    %get3A_1213 = arith.constant 1616 : index
    %get3A_1214 = tpu.vector_load %arg10[%get3A_1213] {strides = array<i32>} : memref<2048xf32, #tpu.memory_space<vmem>>, vector<16xf32>,
    %add3A_1215 = arith.addf %add3A_1212, %get3A_1214 : vector<16xf32>
    %get3A_1216 = arith.constant 1872 : index
    %get3A_1217 = tpu.vector_load %arg10[%get3A_1216] {strides = array<i32>} : memref<2048xf32, #tpu.memory_space<vmem>>, vector<16xf32>,
    %add3A_1218 = arith.addf %add3A_1215, %get3A_1217 : vector<16xf32>
    %mul3A_1219 = arith.constant 1.99298465E-5 : f32
    %mul3A_1220 = vector.broadcast %mul3A_1219 : f32 to vector<16xf32>
    %mul3A_1221 = arith.mulf %add3A_1218, %mul3A_1220 : vector<16xf32>
    %swap3A_1222 = arith.constant 80 : index
    %swap3A_1223 = tpu.vector_load %arg9[%swap3A_1222] {strides = array<i32>} : memref<256xf32, #tpu.memory_space<vmem>>, vector<16xf32>,
    tpu.vector_store %arg9[%swap3A_1222], %mul3A_1221 {strides = array<i32>} : memref<256xf32, #tpu.memory_space<vmem>>, vector<16xf32>,
    %get3A_1224 = arith.constant 96 : index
    %get3A_1225 = tpu.vector_load %arg10[%get3A_1224] {strides = array<i32>} : memref<2048xf32, #tpu.memory_space<vmem>>, vector<16xf32>,
    %get3A_1226 = arith.constant 352 : index
    %get3A_1227 = tpu.vector_load %arg10[%get3A_1226] {strides = array<i32>} : memref<2048xf32, #tpu.memory_space<vmem>>, vector<16xf32>,
    %add3A_1228 = arith.addf %get3A_1225, %get3A_1227 : vector<16xf32>
    %get3A_1229 = arith.constant 608 : index
    %get3A_1230 = tpu.vector_load %arg10[%get3A_1229] {strides = array<i32>} : memref<2048xf32, #tpu.memory_space<vmem>>, vector<16xf32>,
    %add3A_1231 = arith.addf %add3A_1228, %get3A_1230 : vector<16xf32>
    %get3A_1232 = arith.constant 864 : index
    %get3A_1233 = tpu.vector_load %arg10[%get3A_1232] {strides = array<i32>} : memref<2048xf32, #tpu.memory_space<vmem>>, vector<16xf32>,
    %add3A_1234 = arith.addf %add3A_1231, %get3A_1233 : vector<16xf32>
    %get3A_1235 = arith.constant 1120 : index
    %get3A_1236 = tpu.vector_load %arg10[%get3A_1235] {strides = array<i32>} : memref<2048xf32, #tpu.memory_space<vmem>>, vector<16xf32>,
    %add3A_1237 = arith.addf %add3A_1234, %get3A_1236 : vector<16xf32>
    %get3A_1238 = arith.constant 1376 : index
    %get3A_1239 = tpu.vector_load %arg10[%get3A_1238] {strides = array<i32>} : memref<2048xf32, #tpu.memory_space<vmem>>, vector<16xf32>,
    %add3A_1240 = arith.addf %add3A_1237, %get3A_1239 : vector<16xf32>
    %get3A_1241 = arith.constant 1632 : index
    %get3A_1242 = tpu.vector_load %arg10[%get3A_1241] {strides = array<i32>} : memref<2048xf32, #tpu.memory_space<vmem>>, vector<16xf32>,
    %add3A_1243 = arith.addf %add3A_1240, %get3A_1242 : vector<16xf32>
    %get3A_1244 = arith.constant 1888 : index
    %get3A_1245 = tpu.vector_load %arg10[%get3A_1244] {strides = array<i32>} : memref<2048xf32, #tpu.memory_space<vmem>>, vector<16xf32>,
    %add3A_1246 = arith.addf %add3A_1243, %get3A_1245 : vector<16xf32>
    %mul3A_1247 = arith.constant 1.99298465E-5 : f32
    %mul3A_1248 = vector.broadcast %mul3A_1247 : f32 to vector<16xf32>
    %mul3A_1249 = arith.mulf %add3A_1246, %mul3A_1248 : vector<16xf32>
    %swap3A_1250 = arith.constant 96 : index
    %swap3A_1251 = tpu.vector_load %arg9[%swap3A_1250] {strides = array<i32>} : memref<256xf32, #tpu.memory_space<vmem>>, vector<16xf32>,
    tpu.vector_store %arg9[%swap3A_1250], %mul3A_1249 {strides = array<i32>} : memref<256xf32, #tpu.memory_space<vmem>>, vector<16xf32>,
    %get3A_1252 = arith.constant 112 : index
    %get3A_1253 = tpu.vector_load %arg10[%get3A_1252] {strides = array<i32>} : memref<2048xf32, #tpu.memory_space<vmem>>, vector<16xf32>,
    %get3A_1254 = arith.constant 368 : index
    %get3A_1255 = tpu.vector_load %arg10[%get3A_1254] {strides = array<i32>} : memref<2048xf32, #tpu.memory_space<vmem>>, vector<16xf32>,
    %add3A_1256 = arith.addf %get3A_1253, %get3A_1255 : vector<16xf32>
    %get3A_1257 = arith.constant 624 : index
    %get3A_1258 = tpu.vector_load %arg10[%get3A_1257] {strides = array<i32>} : memref<2048xf32, #tpu.memory_space<vmem>>, vector<16xf32>,
    %add3A_1259 = arith.addf %add3A_1256, %get3A_1258 : vector<16xf32>
    %get3A_1260 = arith.constant 880 : index
    %get3A_1261 = tpu.vector_load %arg10[%get3A_1260] {strides = array<i32>} : memref<2048xf32, #tpu.memory_space<vmem>>, vector<16xf32>,
    %add3A_1262 = arith.addf %add3A_1259, %get3A_1261 : vector<16xf32>
    %get3A_1263 = arith.constant 1136 : index
    %get3A_1264 = tpu.vector_load %arg10[%get3A_1263] {strides = array<i32>} : memref<2048xf32, #tpu.memory_space<vmem>>, vector<16xf32>,
    %add3A_1265 = arith.addf %add3A_1262, %get3A_1264 : vector<16xf32>
    %get3A_1266 = arith.constant 1392 : index
    %get3A_1267 = tpu.vector_load %arg10[%get3A_1266] {strides = array<i32>} : memref<2048xf32, #tpu.memory_space<vmem>>, vector<16xf32>,
    %add3A_1268 = arith.addf %add3A_1265, %get3A_1267 : vector<16xf32>
    %get3A_1269 = arith.constant 1648 : index
    %get3A_1270 = tpu.vector_load %arg10[%get3A_1269] {strides = array<i32>} : memref<2048xf32, #tpu.memory_space<vmem>>, vector<16xf32>,
    %add3A_1271 = arith.addf %add3A_1268, %get3A_1270 : vector<16xf32>
    %get3A_1272 = arith.constant 1904 : index
    %get3A_1273 = tpu.vector_load %arg10[%get3A_1272] {strides = array<i32>} : memref<2048xf32, #tpu.memory_space<vmem>>, vector<16xf32>,
    %add3A_1274 = arith.addf %add3A_1271, %get3A_1273 : vector<16xf32>
    %mul3A_1275 = arith.constant 1.99298465E-5 : f32
    %mul3A_1276 = vector.broadcast %mul3A_1275 : f32 to vector<16xf32>
    %mul3A_1277 = arith.mulf %add3A_1274, %mul3A_1276 : vector<16xf32>
    %swap3A_1278 = arith.constant 112 : index
    %swap3A_1279 = tpu.vector_load %arg9[%swap3A_1278] {strides = array<i32>} : memref<256xf32, #tpu.memory_space<vmem>>, vector<16xf32>,
    tpu.vector_store %arg9[%swap3A_1278], %mul3A_1277 {strides = array<i32>} : memref<256xf32, #tpu.memory_space<vmem>>, vector<16xf32>,
    %get3A_1280 = arith.constant 128 : index
    %get3A_1281 = tpu.vector_load %arg10[%get3A_1280] {strides = array<i32>} : memref<2048xf32, #tpu.memory_space<vmem>>, vector<16xf32>,
    %get3A_1282 = arith.constant 384 : index
    %get3A_1283 = tpu.vector_load %arg10[%get3A_1282] {strides = array<i32>} : memref<2048xf32, #tpu.memory_space<vmem>>, vector<16xf32>,
    %add3A_1284 = arith.addf %get3A_1281, %get3A_1283 : vector<16xf32>
    %get3A_1285 = arith.constant 640 : index
    %get3A_1286 = tpu.vector_load %arg10[%get3A_1285] {strides = array<i32>} : memref<2048xf32, #tpu.memory_space<vmem>>, vector<16xf32>,
    %add3A_1287 = arith.addf %add3A_1284, %get3A_1286 : vector<16xf32>
    %get3A_1288 = arith.constant 896 : index
    %get3A_1289 = tpu.vector_load %arg10[%get3A_1288] {strides = array<i32>} : memref<2048xf32, #tpu.memory_space<vmem>>, vector<16xf32>,
    %add3A_1290 = arith.addf %add3A_1287, %get3A_1289 : vector<16xf32>
    %get3A_1291 = arith.constant 1152 : index
    %get3A_1292 = tpu.vector_load %arg10[%get3A_1291] {strides = array<i32>} : memref<2048xf32, #tpu.memory_space<vmem>>, vector<16xf32>,
    %add3A_1293 = arith.addf %add3A_1290, %get3A_1292 : vector<16xf32>
    %get3A_1294 = arith.constant 1408 : index
    %get3A_1295 = tpu.vector_load %arg10[%get3A_1294] {strides = array<i32>} : memref<2048xf32, #tpu.memory_space<vmem>>, vector<16xf32>,
    %add3A_1296 = arith.addf %add3A_1293, %get3A_1295 : vector<16xf32>
    %get3A_1297 = arith.constant 1664 : index
    %get3A_1298 = tpu.vector_load %arg10[%get3A_1297] {strides = array<i32>} : memref<2048xf32, #tpu.memory_space<vmem>>, vector<16xf32>,
    %add3A_1299 = arith.addf %add3A_1296, %get3A_1298 : vector<16xf32>
    %get3A_1300 = arith.constant 1920 : index
    %get3A_1301 = tpu.vector_load %arg10[%get3A_1300] {strides = array<i32>} : memref<2048xf32, #tpu.memory_space<vmem>>, vector<16xf32>,
    %add3A_1302 = arith.addf %add3A_1299, %get3A_1301 : vector<16xf32>
    %mul3A_1303 = arith.constant 1.99298465E-5 : f32
    %mul3A_1304 = vector.broadcast %mul3A_1303 : f32 to vector<16xf32>
    %mul3A_1305 = arith.mulf %add3A_1302, %mul3A_1304 : vector<16xf32>
    %swap3A_1306 = arith.constant 128 : index
    %swap3A_1307 = tpu.vector_load %arg9[%swap3A_1306] {strides = array<i32>} : memref<256xf32, #tpu.memory_space<vmem>>, vector<16xf32>,
    tpu.vector_store %arg9[%swap3A_1306], %mul3A_1305 {strides = array<i32>} : memref<256xf32, #tpu.memory_space<vmem>>, vector<16xf32>,
    %get3A_1308 = arith.constant 144 : index
    %get3A_1309 = tpu.vector_load %arg10[%get3A_1308] {strides = array<i32>} : memref<2048xf32, #tpu.memory_space<vmem>>, vector<16xf32>,
    %get3A_1310 = arith.constant 400 : index
    %get3A_1311 = tpu.vector_load %arg10[%get3A_1310] {strides = array<i32>} : memref<2048xf32, #tpu.memory_space<vmem>>, vector<16xf32>,
    %add3A_1312 = arith.addf %get3A_1309, %get3A_1311 : vector<16xf32>
    %get3A_1313 = arith.constant 656 : index
    %get3A_1314 = tpu.vector_load %arg10[%get3A_1313] {strides = array<i32>} : memref<2048xf32, #tpu.memory_space<vmem>>, vector<16xf32>,
    %add3A_1315 = arith.addf %add3A_1312, %get3A_1314 : vector<16xf32>
    %get3A_1316 = arith.constant 912 : index
    %get3A_1317 = tpu.vector_load %arg10[%get3A_1316] {strides = array<i32>} : memref<2048xf32, #tpu.memory_space<vmem>>, vector<16xf32>,
    %add3A_1318 = arith.addf %add3A_1315, %get3A_1317 : vector<16xf32>
    %get3A_1319 = arith.constant 1168 : index
    %get3A_1320 = tpu.vector_load %arg10[%get3A_1319] {strides = array<i32>} : memref<2048xf32, #tpu.memory_space<vmem>>, vector<16xf32>,
    %add3A_1321 = arith.addf %add3A_1318, %get3A_1320 : vector<16xf32>
    %get3A_1322 = arith.constant 1424 : index
    %get3A_1323 = tpu.vector_load %arg10[%get3A_1322] {strides = array<i32>} : memref<2048xf32, #tpu.memory_space<vmem>>, vector<16xf32>,
    %add3A_1324 = arith.addf %add3A_1321, %get3A_1323 : vector<16xf32>
    %get3A_1325 = arith.constant 1680 : index
    %get3A_1326 = tpu.vector_load %arg10[%get3A_1325] {strides = array<i32>} : memref<2048xf32, #tpu.memory_space<vmem>>, vector<16xf32>,
    %add3A_1327 = arith.addf %add3A_1324, %get3A_1326 : vector<16xf32>
    %get3A_1328 = arith.constant 1936 : index
    %get3A_1329 = tpu.vector_load %arg10[%get3A_1328] {strides = array<i32>} : memref<2048xf32, #tpu.memory_space<vmem>>, vector<16xf32>,
    %add3A_1330 = arith.addf %add3A_1327, %get3A_1329 : vector<16xf32>
    %mul3A_1331 = arith.constant 1.99298465E-5 : f32
    %mul3A_1332 = vector.broadcast %mul3A_1331 : f32 to vector<16xf32>
    %mul3A_1333 = arith.mulf %add3A_1330, %mul3A_1332 : vector<16xf32>
    %swap3A_1334 = arith.constant 144 : index
    %swap3A_1335 = tpu.vector_load %arg9[%swap3A_1334] {strides = array<i32>} : memref<256xf32, #tpu.memory_space<vmem>>, vector<16xf32>,
    tpu.vector_store %arg9[%swap3A_1334], %mul3A_1333 {strides = array<i32>} : memref<256xf32, #tpu.memory_space<vmem>>, vector<16xf32>,
    %get3A_1336 = arith.constant 160 : index
    %get3A_1337 = tpu.vector_load %arg10[%get3A_1336] {strides = array<i32>} : memref<2048xf32, #tpu.memory_space<vmem>>, vector<16xf32>,
    %get3A_1338 = arith.constant 416 : index
    %get3A_1339 = tpu.vector_load %arg10[%get3A_1338] {strides = array<i32>} : memref<2048xf32, #tpu.memory_space<vmem>>, vector<16xf32>,
    %add3A_1340 = arith.addf %get3A_1337, %get3A_1339 : vector<16xf32>
    %get3A_1341 = arith.constant 672 : index
    %get3A_1342 = tpu.vector_load %arg10[%get3A_1341] {strides = array<i32>} : memref<2048xf32, #tpu.memory_space<vmem>>, vector<16xf32>,
    %add3A_1343 = arith.addf %add3A_1340, %get3A_1342 : vector<16xf32>
    %get3A_1344 = arith.constant 928 : index
    %get3A_1345 = tpu.vector_load %arg10[%get3A_1344] {strides = array<i32>} : memref<2048xf32, #tpu.memory_space<vmem>>, vector<16xf32>,
    %add3A_1346 = arith.addf %add3A_1343, %get3A_1345 : vector<16xf32>
    %get3A_1347 = arith.constant 1184 : index
    %get3A_1348 = tpu.vector_load %arg10[%get3A_1347] {strides = array<i32>} : memref<2048xf32, #tpu.memory_space<vmem>>, vector<16xf32>,
    %add3A_1349 = arith.addf %add3A_1346, %get3A_1348 : vector<16xf32>
    %get3A_1350 = arith.constant 1440 : index
    %get3A_1351 = tpu.vector_load %arg10[%get3A_1350] {strides = array<i32>} : memref<2048xf32, #tpu.memory_space<vmem>>, vector<16xf32>,
    %add3A_1352 = arith.addf %add3A_1349, %get3A_1351 : vector<16xf32>
    %get3A_1353 = arith.constant 1696 : index
    %get3A_1354 = tpu.vector_load %arg10[%get3A_1353] {strides = array<i32>} : memref<2048xf32, #tpu.memory_space<vmem>>, vector<16xf32>,
    %add3A_1355 = arith.addf %add3A_1352, %get3A_1354 : vector<16xf32>
    %get3A_1356 = arith.constant 1952 : index
    %get3A_1357 = tpu.vector_load %arg10[%get3A_1356] {strides = array<i32>} : memref<2048xf32, #tpu.memory_space<vmem>>, vector<16xf32>,
    %add3A_1358 = arith.addf %add3A_1355, %get3A_1357 : vector<16xf32>
    %mul3A_1359 = arith.constant 1.99298465E-5 : f32
    %mul3A_1360 = vector.broadcast %mul3A_1359 : f32 to vector<16xf32>
    %mul3A_1361 = arith.mulf %add3A_1358, %mul3A_1360 : vector<16xf32>
    %swap3A_1362 = arith.constant 160 : index
    %swap3A_1363 = tpu.vector_load %arg9[%swap3A_1362] {strides = array<i32>} : memref<256xf32, #tpu.memory_space<vmem>>, vector<16xf32>,
    tpu.vector_store %arg9[%swap3A_1362], %mul3A_1361 {strides = array<i32>} : memref<256xf32, #tpu.memory_space<vmem>>, vector<16xf32>,
    %get3A_1364 = arith.constant 176 : index
    %get3A_1365 = tpu.vector_load %arg10[%get3A_1364] {strides = array<i32>} : memref<2048xf32, #tpu.memory_space<vmem>>, vector<16xf32>,
    %get3A_1366 = arith.constant 432 : index
    %get3A_1367 = tpu.vector_load %arg10[%get3A_1366] {strides = array<i32>} : memref<2048xf32, #tpu.memory_space<vmem>>, vector<16xf32>,
    %add3A_1368 = arith.addf %get3A_1365, %get3A_1367 : vector<16xf32>
    %get3A_1369 = arith.constant 688 : index
    %get3A_1370 = tpu.vector_load %arg10[%get3A_1369] {strides = array<i32>} : memref<2048xf32, #tpu.memory_space<vmem>>, vector<16xf32>,
    %add3A_1371 = arith.addf %add3A_1368, %get3A_1370 : vector<16xf32>
    %get3A_1372 = arith.constant 944 : index
    %get3A_1373 = tpu.vector_load %arg10[%get3A_1372] {strides = array<i32>} : memref<2048xf32, #tpu.memory_space<vmem>>, vector<16xf32>,
    %add3A_1374 = arith.addf %add3A_1371, %get3A_1373 : vector<16xf32>
    %get3A_1375 = arith.constant 1200 : index
    %get3A_1376 = tpu.vector_load %arg10[%get3A_1375] {strides = array<i32>} : memref<2048xf32, #tpu.memory_space<vmem>>, vector<16xf32>,
    %add3A_1377 = arith.addf %add3A_1374, %get3A_1376 : vector<16xf32>
    %get3A_1378 = arith.constant 1456 : index
    %get3A_1379 = tpu.vector_load %arg10[%get3A_1378] {strides = array<i32>} : memref<2048xf32, #tpu.memory_space<vmem>>, vector<16xf32>,
    %add3A_1380 = arith.addf %add3A_1377, %get3A_1379 : vector<16xf32>
    %get3A_1381 = arith.constant 1712 : index
    %get3A_1382 = tpu.vector_load %arg10[%get3A_1381] {strides = array<i32>} : memref<2048xf32, #tpu.memory_space<vmem>>, vector<16xf32>,
    %add3A_1383 = arith.addf %add3A_1380, %get3A_1382 : vector<16xf32>
    %get3A_1384 = arith.constant 1968 : index
    %get3A_1385 = tpu.vector_load %arg10[%get3A_1384] {strides = array<i32>} : memref<2048xf32, #tpu.memory_space<vmem>>, vector<16xf32>,
    %add3A_1386 = arith.addf %add3A_1383, %get3A_1385 : vector<16xf32>
    %mul3A_1387 = arith.constant 1.99298465E-5 : f32
    %mul3A_1388 = vector.broadcast %mul3A_1387 : f32 to vector<16xf32>
    %mul3A_1389 = arith.mulf %add3A_1386, %mul3A_1388 : vector<16xf32>
    %swap3A_1390 = arith.constant 176 : index
    %swap3A_1391 = tpu.vector_load %arg9[%swap3A_1390] {strides = array<i32>} : memref<256xf32, #tpu.memory_space<vmem>>, vector<16xf32>,
    tpu.vector_store %arg9[%swap3A_1390], %mul3A_1389 {strides = array<i32>} : memref<256xf32, #tpu.memory_space<vmem>>, vector<16xf32>,
    %get3A_1392 = arith.constant 192 : index
    %get3A_1393 = tpu.vector_load %arg10[%get3A_1392] {strides = array<i32>} : memref<2048xf32, #tpu.memory_space<vmem>>, vector<16xf32>,
    %get3A_1394 = arith.constant 448 : index
    %get3A_1395 = tpu.vector_load %arg10[%get3A_1394] {strides = array<i32>} : memref<2048xf32, #tpu.memory_space<vmem>>, vector<16xf32>,
    %add3A_1396 = arith.addf %get3A_1393, %get3A_1395 : vector<16xf32>
    %get3A_1397 = arith.constant 704 : index
    %get3A_1398 = tpu.vector_load %arg10[%get3A_1397] {strides = array<i32>} : memref<2048xf32, #tpu.memory_space<vmem>>, vector<16xf32>,
    %add3A_1399 = arith.addf %add3A_1396, %get3A_1398 : vector<16xf32>
    %get3A_1400 = arith.constant 960 : index
    %get3A_1401 = tpu.vector_load %arg10[%get3A_1400] {strides = array<i32>} : memref<2048xf32, #tpu.memory_space<vmem>>, vector<16xf32>,
    %add3A_1402 = arith.addf %add3A_1399, %get3A_1401 : vector<16xf32>
    %get3A_1403 = arith.constant 1216 : index
    %get3A_1404 = tpu.vector_load %arg10[%get3A_1403] {strides = array<i32>} : memref<2048xf32, #tpu.memory_space<vmem>>, vector<16xf32>,
    %add3A_1405 = arith.addf %add3A_1402, %get3A_1404 : vector<16xf32>
    %get3A_1406 = arith.constant 1472 : index
    %get3A_1407 = tpu.vector_load %arg10[%get3A_1406] {strides = array<i32>} : memref<2048xf32, #tpu.memory_space<vmem>>, vector<16xf32>,
    %add3A_1408 = arith.addf %add3A_1405, %get3A_1407 : vector<16xf32>
    %get3A_1409 = arith.constant 1728 : index
    %get3A_1410 = tpu.vector_load %arg10[%get3A_1409] {strides = array<i32>} : memref<2048xf32, #tpu.memory_space<vmem>>, vector<16xf32>,
    %add3A_1411 = arith.addf %add3A_1408, %get3A_1410 : vector<16xf32>
    %get3A_1412 = arith.constant 1984 : index
    %get3A_1413 = tpu.vector_load %arg10[%get3A_1412] {strides = array<i32>} : memref<2048xf32, #tpu.memory_space<vmem>>, vector<16xf32>,
    %add3A_1414 = arith.addf %add3A_1411, %get3A_1413 : vector<16xf32>
    %mul3A_1415 = arith.constant 1.99298465E-5 : f32
    %mul3A_1416 = vector.broadcast %mul3A_1415 : f32 to vector<16xf32>
    %mul3A_1417 = arith.mulf %add3A_1414, %mul3A_1416 : vector<16xf32>
    %swap3A_1418 = arith.constant 192 : index
    %swap3A_1419 = tpu.vector_load %arg9[%swap3A_1418] {strides = array<i32>} : memref<256xf32, #tpu.memory_space<vmem>>, vector<16xf32>,
    tpu.vector_store %arg9[%swap3A_1418], %mul3A_1417 {strides = array<i32>} : memref<256xf32, #tpu.memory_space<vmem>>, vector<16xf32>,
    %get3A_1420 = arith.constant 208 : index
    %get3A_1421 = tpu.vector_load %arg10[%get3A_1420] {strides = array<i32>} : memref<2048xf32, #tpu.memory_space<vmem>>, vector<16xf32>,
    %get3A_1422 = arith.constant 464 : index
    %get3A_1423 = tpu.vector_load %arg10[%get3A_1422] {strides = array<i32>} : memref<2048xf32, #tpu.memory_space<vmem>>, vector<16xf32>,
    %add3A_1424 = arith.addf %get3A_1421, %get3A_1423 : vector<16xf32>
    %get3A_1425 = arith.constant 720 : index
    %get3A_1426 = tpu.vector_load %arg10[%get3A_1425] {strides = array<i32>} : memref<2048xf32, #tpu.memory_space<vmem>>, vector<16xf32>,
    %add3A_1427 = arith.addf %add3A_1424, %get3A_1426 : vector<16xf32>
    %get3A_1428 = arith.constant 976 : index
    %get3A_1429 = tpu.vector_load %arg10[%get3A_1428] {strides = array<i32>} : memref<2048xf32, #tpu.memory_space<vmem>>, vector<16xf32>,
    %add3A_1430 = arith.addf %add3A_1427, %get3A_1429 : vector<16xf32>
    %get3A_1431 = arith.constant 1232 : index
    %get3A_1432 = tpu.vector_load %arg10[%get3A_1431] {strides = array<i32>} : memref<2048xf32, #tpu.memory_space<vmem>>, vector<16xf32>,
    %add3A_1433 = arith.addf %add3A_1430, %get3A_1432 : vector<16xf32>
    %get3A_1434 = arith.constant 1488 : index
    %get3A_1435 = tpu.vector_load %arg10[%get3A_1434] {strides = array<i32>} : memref<2048xf32, #tpu.memory_space<vmem>>, vector<16xf32>,
    %add3A_1436 = arith.addf %add3A_1433, %get3A_1435 : vector<16xf32>
    %get3A_1437 = arith.constant 1744 : index
    %get3A_1438 = tpu.vector_load %arg10[%get3A_1437] {strides = array<i32>} : memref<2048xf32, #tpu.memory_space<vmem>>, vector<16xf32>,
    %add3A_1439 = arith.addf %add3A_1436, %get3A_1438 : vector<16xf32>
    %get3A_1440 = arith.constant 2000 : index
    %get3A_1441 = tpu.vector_load %arg10[%get3A_1440] {strides = array<i32>} : memref<2048xf32, #tpu.memory_space<vmem>>, vector<16xf32>,
    %add3A_1442 = arith.addf %add3A_1439, %get3A_1441 : vector<16xf32>
    %mul3A_1443 = arith.constant 1.99298465E-5 : f32
    %mul3A_1444 = vector.broadcast %mul3A_1443 : f32 to vector<16xf32>
    %mul3A_1445 = arith.mulf %add3A_1442, %mul3A_1444 : vector<16xf32>
    %swap3A_1446 = arith.constant 208 : index
    %swap3A_1447 = tpu.vector_load %arg9[%swap3A_1446] {strides = array<i32>} : memref<256xf32, #tpu.memory_space<vmem>>, vector<16xf32>,
    tpu.vector_store %arg9[%swap3A_1446], %mul3A_1445 {strides = array<i32>} : memref<256xf32, #tpu.memory_space<vmem>>, vector<16xf32>,
    %get3A_1448 = arith.constant 224 : index
    %get3A_1449 = tpu.vector_load %arg10[%get3A_1448] {strides = array<i32>} : memref<2048xf32, #tpu.memory_space<vmem>>, vector<16xf32>,
    %get3A_1450 = arith.constant 480 : index
    %get3A_1451 = tpu.vector_load %arg10[%get3A_1450] {strides = array<i32>} : memref<2048xf32, #tpu.memory_space<vmem>>, vector<16xf32>,
    %add3A_1452 = arith.addf %get3A_1449, %get3A_1451 : vector<16xf32>
    %get3A_1453 = arith.constant 736 : index
    %get3A_1454 = tpu.vector_load %arg10[%get3A_1453] {strides = array<i32>} : memref<2048xf32, #tpu.memory_space<vmem>>, vector<16xf32>,
    %add3A_1455 = arith.addf %add3A_1452, %get3A_1454 : vector<16xf32>
    %get3A_1456 = arith.constant 992 : index
    %get3A_1457 = tpu.vector_load %arg10[%get3A_1456] {strides = array<i32>} : memref<2048xf32, #tpu.memory_space<vmem>>, vector<16xf32>,
    %add3A_1458 = arith.addf %add3A_1455, %get3A_1457 : vector<16xf32>
    %get3A_1459 = arith.constant 1248 : index
    %get3A_1460 = tpu.vector_load %arg10[%get3A_1459] {strides = array<i32>} : memref<2048xf32, #tpu.memory_space<vmem>>, vector<16xf32>,
    %add3A_1461 = arith.addf %add3A_1458, %get3A_1460 : vector<16xf32>
    %get3A_1462 = arith.constant 1504 : index
    %get3A_1463 = tpu.vector_load %arg10[%get3A_1462] {strides = array<i32>} : memref<2048xf32, #tpu.memory_space<vmem>>, vector<16xf32>,
    %add3A_1464 = arith.addf %add3A_1461, %get3A_1463 : vector<16xf32>
    %get3A_1465 = arith.constant 1760 : index
    %get3A_1466 = tpu.vector_load %arg10[%get3A_1465] {strides = array<i32>} : memref<2048xf32, #tpu.memory_space<vmem>>, vector<16xf32>,
    %add3A_1467 = arith.addf %add3A_1464, %get3A_1466 : vector<16xf32>
    %get3A_1468 = arith.constant 2016 : index
    %get3A_1469 = tpu.vector_load %arg10[%get3A_1468] {strides = array<i32>} : memref<2048xf32, #tpu.memory_space<vmem>>, vector<16xf32>,
    %add3A_1470 = arith.addf %add3A_1467, %get3A_1469 : vector<16xf32>
    %mul3A_1471 = arith.constant 1.99298465E-5 : f32
    %mul3A_1472 = vector.broadcast %mul3A_1471 : f32 to vector<16xf32>
    %mul3A_1473 = arith.mulf %add3A_1470, %mul3A_1472 : vector<16xf32>
    %swap3A_1474 = arith.constant 224 : index
    %swap3A_1475 = tpu.vector_load %arg9[%swap3A_1474] {strides = array<i32>} : memref<256xf32, #tpu.memory_space<vmem>>, vector<16xf32>,
    tpu.vector_store %arg9[%swap3A_1474], %mul3A_1473 {strides = array<i32>} : memref<256xf32, #tpu.memory_space<vmem>>, vector<16xf32>,
    %get3A_1476 = arith.constant 240 : index
    %get3A_1477 = tpu.vector_load %arg10[%get3A_1476] {strides = array<i32>} : memref<2048xf32, #tpu.memory_space<vmem>>, vector<16xf32>,
    %get3A_1478 = arith.constant 496 : index
    %get3A_1479 = tpu.vector_load %arg10[%get3A_1478] {strides = array<i32>} : memref<2048xf32, #tpu.memory_space<vmem>>, vector<16xf32>,
    %add3A_1480 = arith.addf %get3A_1477, %get3A_1479 : vector<16xf32>
    %get3A_1481 = arith.constant 752 : index
    %get3A_1482 = tpu.vector_load %arg10[%get3A_1481] {strides = array<i32>} : memref<2048xf32, #tpu.memory_space<vmem>>, vector<16xf32>,
    %add3A_1483 = arith.addf %add3A_1480, %get3A_1482 : vector<16xf32>
    %get3A_1484 = arith.constant 1008 : index
    %get3A_1485 = tpu.vector_load %arg10[%get3A_1484] {strides = array<i32>} : memref<2048xf32, #tpu.memory_space<vmem>>, vector<16xf32>,
    %add3A_1486 = arith.addf %add3A_1483, %get3A_1485 : vector<16xf32>
    %get3A_1487 = arith.constant 1264 : index
    %get3A_1488 = tpu.vector_load %arg10[%get3A_1487] {strides = array<i32>} : memref<2048xf32, #tpu.memory_space<vmem>>, vector<16xf32>,
    %add3A_1489 = arith.addf %add3A_1486, %get3A_1488 : vector<16xf32>
    %get3A_1490 = arith.constant 1520 : index
    %get3A_1491 = tpu.vector_load %arg10[%get3A_1490] {strides = array<i32>} : memref<2048xf32, #tpu.memory_space<vmem>>, vector<16xf32>,
    %add3A_1492 = arith.addf %add3A_1489, %get3A_1491 : vector<16xf32>
    %get3A_1493 = arith.constant 1776 : index
    %get3A_1494 = tpu.vector_load %arg10[%get3A_1493] {strides = array<i32>} : memref<2048xf32, #tpu.memory_space<vmem>>, vector<16xf32>,
    %add3A_1495 = arith.addf %add3A_1492, %get3A_1494 : vector<16xf32>
    %get3A_1496 = arith.constant 2032 : index
    %get3A_1497 = tpu.vector_load %arg10[%get3A_1496] {strides = array<i32>} : memref<2048xf32, #tpu.memory_space<vmem>>, vector<16xf32>,
    %add3A_1498 = arith.addf %add3A_1495, %get3A_1497 : vector<16xf32>
    %mul3A_1499 = arith.constant 1.99298465E-5 : f32
    %mul3A_1500 = vector.broadcast %mul3A_1499 : f32 to vector<16xf32>
    %mul3A_1501 = arith.mulf %add3A_1498, %mul3A_1500 : vector<16xf32>
    %swap3A_1502 = arith.constant 240 : index
    %swap3A_1503 = tpu.vector_load %arg9[%swap3A_1502] {strides = array<i32>} : memref<256xf32, #tpu.memory_space<vmem>>, vector<16xf32>,
    tpu.vector_store %arg9[%swap3A_1502], %mul3A_1501 {strides = array<i32>} : memref<256xf32, #tpu.memory_space<vmem>>, vector<16xf32>,
    %convert_element_type3A = arith.sitofp %iota3A : vector<16xi32> to vector<16xf32>
    %dma_wait3A_1504 = arith.constant 0 : i32
    %dma_wait3A_1505 = tpu.memref_slice %arg3[%select_n3A_28, %dma_wait3A_1504] : memref<8x8192xf32, #tpu.memory_space<hbm>> -> memref<1x8192xf32, #tpu.memory_space<hbm>>
    %dma_wait3A_1506 = tpu.memref_squeeze %dma_wait3A_1505 : memref<1x8192xf32, #tpu.memory_space<hbm>> -> memref<8192xf32, #tpu.memory_space<hbm>>
    %dma_wait3A_1507 = arith.constant 0 : i32
    %dma_wait3A_1508 = tpu.memref_slice %arg3[%select_n3A_28, %dma_wait3A_1507] : memref<8x8192xf32, #tpu.memory_space<hbm>> -> memref<1x8192xf32, #tpu.memory_space<hbm>>
    %dma_wait3A_1509 = tpu.memref_squeeze %dma_wait3A_1508 : memref<1x8192xf32, #tpu.memory_space<hbm>> -> memref<8192xf32, #tpu.memory_space<hbm>>
    tpu.wait_dma2 semaphore(%arg18 : memref<!tpu.dma_semaphore, #tpu.memory_space<semaphore_mem>>) src(%dma_wait3A_1509 : memref<8192xf32, #tpu.memory_space<hbm>>) dst(%arg11 : memref<8192xf32, #tpu.memory_space<vmem>>)
    %dma_wait3A_1510 = tpu.memref_slice %arg4[%multiple_of3A_38] : memref<256xf32, #tpu.memory_space<hbm>> -> memref<32xf32, #tpu.memory_space<hbm>>
    %dma_wait3A_1511 = tpu.memref_slice %arg4[%multiple_of3A_38] : memref<256xf32, #tpu.memory_space<hbm>> -> memref<32xf32, #tpu.memory_space<hbm>>
    tpu.wait_dma2 semaphore(%arg19 : memref<!tpu.dma_semaphore, #tpu.memory_space<semaphore_mem>>) src(%dma_wait3A_1511 : memref<32xf32, #tpu.memory_space<hbm>>) dst(%arg12 : memref<32xf32, #tpu.memory_space<vmem>>)
    %get3A_1512 = arith.constant 0 : index
    %get3A_1513 = tpu.vector_load %arg12[%get3A_1512] {strides = array<i32>} : memref<32xf32, #tpu.memory_space<vmem>>, vector<16xf32>,
    %scan3A = arith.constant 0 : i32
    %scan3A_1514 = arith.constant 16 : i32
    %scan3A_1515 = arith.addi %scan3A, %scan3A_1514 : i32
    %scan3A_1516 = arith.constant 1 : i32
    %scan3A_1517 = scf.for %scan3A_1563 = %scan3A to %scan3A_1515 step %scan3A_1516 iter_args(%scan3A_1564 = %get3A_1513) -> (vector<16xf32>)  : i32 {
      %mul3A_1565 = arith.constant 16 : i32
      %mul3A_1566 = arith.muli %scan3A_1563, %mul3A_1565 : i32
      %get3A_1567 = arith.index_cast %mul3A_1566 : i32 to index
      %get3A_1568 = tpu.vector_load %arg9[%get3A_1567] {strides = array<i32>} : memref<256xf32, #tpu.memory_space<vmem>>, vector<16xf32>,
      %slice3A = vector.extract_strided_slice %get3A_1568 {offsets = [0], sizes = [1], strides = [1]} : vector<16xf32> to vector<1xf32>
      %squeeze3A = vector.extract %slice3A[0] : f32 from vector<1xf32>
      %mul3A_1569 = arith.constant 16 : i32
      %mul3A_1570 = arith.muli %scan3A_1563, %mul3A_1569 : i32
      %add3A_1571 = arith.constant 0 : i32
      %add3A_1572 = arith.addi %mul3A_1570, %add3A_1571 : i32
      %mul3A_1573 = arith.constant 32 : i32
      %mul3A_1574 = arith.muli %add3A_1572, %mul3A_1573 : i32
      %add3A_1575 = arith.constant 0 : i32
      %add3A_1576 = arith.addi %mul3A_1574, %add3A_1575 : i32
      %get3A_1577 = arith.index_cast %add3A_1576 : i32 to index
      %get3A_1578 = tpu.vector_load %arg11[%get3A_1577] {strides = array<i32>} : memref<8192xf32, #tpu.memory_space<vmem>>, vector<16xf32>,
      %mul3A_1579 = vector.broadcast %squeeze3A : f32 to vector<16xf32>
      %mul3A_1580 = arith.mulf %mul3A_1579, %get3A_1578 : vector<16xf32>
      %add3A_1581 = arith.addf %scan3A_1564, %mul3A_1580 : vector<16xf32>
      %slice3A_1582 = vector.extract_strided_slice %get3A_1568 {offsets = [1], sizes = [1], strides = [1]} : vector<16xf32> to vector<1xf32>
      %squeeze3A_1583 = vector.extract %slice3A_1582[0] : f32 from vector<1xf32>
      %mul3A_1584 = arith.constant 16 : i32
      %mul3A_1585 = arith.muli %scan3A_1563, %mul3A_1584 : i32
      %add3A_1586 = arith.constant 1 : i32
      %add3A_1587 = arith.addi %mul3A_1585, %add3A_1586 : i32
      %mul3A_1588 = arith.constant 32 : i32
      %mul3A_1589 = arith.muli %add3A_1587, %mul3A_1588 : i32
      %add3A_1590 = arith.constant 0 : i32
      %add3A_1591 = arith.addi %mul3A_1589, %add3A_1590 : i32
      %get3A_1592 = arith.index_cast %add3A_1591 : i32 to index
      %get3A_1593 = tpu.vector_load %arg11[%get3A_1592] {strides = array<i32>} : memref<8192xf32, #tpu.memory_space<vmem>>, vector<16xf32>,
      %mul3A_1594 = vector.broadcast %squeeze3A_1583 : f32 to vector<16xf32>
      %mul3A_1595 = arith.mulf %mul3A_1594, %get3A_1593 : vector<16xf32>
      %add3A_1596 = arith.addf %add3A_1581, %mul3A_1595 : vector<16xf32>
      %slice3A_1597 = vector.extract_strided_slice %get3A_1568 {offsets = [2], sizes = [1], strides = [1]} : vector<16xf32> to vector<1xf32>
      %squeeze3A_1598 = vector.extract %slice3A_1597[0] : f32 from vector<1xf32>
      %mul3A_1599 = arith.constant 16 : i32
      %mul3A_1600 = arith.muli %scan3A_1563, %mul3A_1599 : i32
      %add3A_1601 = arith.constant 2 : i32
      %add3A_1602 = arith.addi %mul3A_1600, %add3A_1601 : i32
      %mul3A_1603 = arith.constant 32 : i32
      %mul3A_1604 = arith.muli %add3A_1602, %mul3A_1603 : i32
      %add3A_1605 = arith.constant 0 : i32
      %add3A_1606 = arith.addi %mul3A_1604, %add3A_1605 : i32
      %get3A_1607 = arith.index_cast %add3A_1606 : i32 to index
      %get3A_1608 = tpu.vector_load %arg11[%get3A_1607] {strides = array<i32>} : memref<8192xf32, #tpu.memory_space<vmem>>, vector<16xf32>,
      %mul3A_1609 = vector.broadcast %squeeze3A_1598 : f32 to vector<16xf32>
      %mul3A_1610 = arith.mulf %mul3A_1609, %get3A_1608 : vector<16xf32>
      %add3A_1611 = arith.addf %add3A_1596, %mul3A_1610 : vector<16xf32>
      %slice3A_1612 = vector.extract_strided_slice %get3A_1568 {offsets = [3], sizes = [1], strides = [1]} : vector<16xf32> to vector<1xf32>
      %squeeze3A_1613 = vector.extract %slice3A_1612[0] : f32 from vector<1xf32>
      %mul3A_1614 = arith.constant 16 : i32
      %mul3A_1615 = arith.muli %scan3A_1563, %mul3A_1614 : i32
      %add3A_1616 = arith.constant 3 : i32
      %add3A_1617 = arith.addi %mul3A_1615, %add3A_1616 : i32
      %mul3A_1618 = arith.constant 32 : i32
      %mul3A_1619 = arith.muli %add3A_1617, %mul3A_1618 : i32
      %add3A_1620 = arith.constant 0 : i32
      %add3A_1621 = arith.addi %mul3A_1619, %add3A_1620 : i32
      %get3A_1622 = arith.index_cast %add3A_1621 : i32 to index
      %get3A_1623 = tpu.vector_load %arg11[%get3A_1622] {strides = array<i32>} : memref<8192xf32, #tpu.memory_space<vmem>>, vector<16xf32>,
      %mul3A_1624 = vector.broadcast %squeeze3A_1613 : f32 to vector<16xf32>
      %mul3A_1625 = arith.mulf %mul3A_1624, %get3A_1623 : vector<16xf32>
      %add3A_1626 = arith.addf %add3A_1611, %mul3A_1625 : vector<16xf32>
      %slice3A_1627 = vector.extract_strided_slice %get3A_1568 {offsets = [4], sizes = [1], strides = [1]} : vector<16xf32> to vector<1xf32>
      %squeeze3A_1628 = vector.extract %slice3A_1627[0] : f32 from vector<1xf32>
      %mul3A_1629 = arith.constant 16 : i32
      %mul3A_1630 = arith.muli %scan3A_1563, %mul3A_1629 : i32
      %add3A_1631 = arith.constant 4 : i32
      %add3A_1632 = arith.addi %mul3A_1630, %add3A_1631 : i32
      %mul3A_1633 = arith.constant 32 : i32
      %mul3A_1634 = arith.muli %add3A_1632, %mul3A_1633 : i32
      %add3A_1635 = arith.constant 0 : i32
      %add3A_1636 = arith.addi %mul3A_1634, %add3A_1635 : i32
      %get3A_1637 = arith.index_cast %add3A_1636 : i32 to index
      %get3A_1638 = tpu.vector_load %arg11[%get3A_1637] {strides = array<i32>} : memref<8192xf32, #tpu.memory_space<vmem>>, vector<16xf32>,
      %mul3A_1639 = vector.broadcast %squeeze3A_1628 : f32 to vector<16xf32>
      %mul3A_1640 = arith.mulf %mul3A_1639, %get3A_1638 : vector<16xf32>
      %add3A_1641 = arith.addf %add3A_1626, %mul3A_1640 : vector<16xf32>
      %slice3A_1642 = vector.extract_strided_slice %get3A_1568 {offsets = [5], sizes = [1], strides = [1]} : vector<16xf32> to vector<1xf32>
      %squeeze3A_1643 = vector.extract %slice3A_1642[0] : f32 from vector<1xf32>
      %mul3A_1644 = arith.constant 16 : i32
      %mul3A_1645 = arith.muli %scan3A_1563, %mul3A_1644 : i32
      %add3A_1646 = arith.constant 5 : i32
      %add3A_1647 = arith.addi %mul3A_1645, %add3A_1646 : i32
      %mul3A_1648 = arith.constant 32 : i32
      %mul3A_1649 = arith.muli %add3A_1647, %mul3A_1648 : i32
      %add3A_1650 = arith.constant 0 : i32
      %add3A_1651 = arith.addi %mul3A_1649, %add3A_1650 : i32
      %get3A_1652 = arith.index_cast %add3A_1651 : i32 to index
      %get3A_1653 = tpu.vector_load %arg11[%get3A_1652] {strides = array<i32>} : memref<8192xf32, #tpu.memory_space<vmem>>, vector<16xf32>,
      %mul3A_1654 = vector.broadcast %squeeze3A_1643 : f32 to vector<16xf32>
      %mul3A_1655 = arith.mulf %mul3A_1654, %get3A_1653 : vector<16xf32>
      %add3A_1656 = arith.addf %add3A_1641, %mul3A_1655 : vector<16xf32>
      %slice3A_1657 = vector.extract_strided_slice %get3A_1568 {offsets = [6], sizes = [1], strides = [1]} : vector<16xf32> to vector<1xf32>
      %squeeze3A_1658 = vector.extract %slice3A_1657[0] : f32 from vector<1xf32>
      %mul3A_1659 = arith.constant 16 : i32
      %mul3A_1660 = arith.muli %scan3A_1563, %mul3A_1659 : i32
      %add3A_1661 = arith.constant 6 : i32
      %add3A_1662 = arith.addi %mul3A_1660, %add3A_1661 : i32
      %mul3A_1663 = arith.constant 32 : i32
      %mul3A_1664 = arith.muli %add3A_1662, %mul3A_1663 : i32
      %add3A_1665 = arith.constant 0 : i32
      %add3A_1666 = arith.addi %mul3A_1664, %add3A_1665 : i32
      %get3A_1667 = arith.index_cast %add3A_1666 : i32 to index
      %get3A_1668 = tpu.vector_load %arg11[%get3A_1667] {strides = array<i32>} : memref<8192xf32, #tpu.memory_space<vmem>>, vector<16xf32>,
      %mul3A_1669 = vector.broadcast %squeeze3A_1658 : f32 to vector<16xf32>
      %mul3A_1670 = arith.mulf %mul3A_1669, %get3A_1668 : vector<16xf32>
      %add3A_1671 = arith.addf %add3A_1656, %mul3A_1670 : vector<16xf32>
      %slice3A_1672 = vector.extract_strided_slice %get3A_1568 {offsets = [7], sizes = [1], strides = [1]} : vector<16xf32> to vector<1xf32>
      %squeeze3A_1673 = vector.extract %slice3A_1672[0] : f32 from vector<1xf32>
      %mul3A_1674 = arith.constant 16 : i32
      %mul3A_1675 = arith.muli %scan3A_1563, %mul3A_1674 : i32
      %add3A_1676 = arith.constant 7 : i32
      %add3A_1677 = arith.addi %mul3A_1675, %add3A_1676 : i32
      %mul3A_1678 = arith.constant 32 : i32
      %mul3A_1679 = arith.muli %add3A_1677, %mul3A_1678 : i32
      %add3A_1680 = arith.constant 0 : i32
      %add3A_1681 = arith.addi %mul3A_1679, %add3A_1680 : i32
      %get3A_1682 = arith.index_cast %add3A_1681 : i32 to index
      %get3A_1683 = tpu.vector_load %arg11[%get3A_1682] {strides = array<i32>} : memref<8192xf32, #tpu.memory_space<vmem>>, vector<16xf32>,
      %mul3A_1684 = vector.broadcast %squeeze3A_1673 : f32 to vector<16xf32>
      %mul3A_1685 = arith.mulf %mul3A_1684, %get3A_1683 : vector<16xf32>
      %add3A_1686 = arith.addf %add3A_1671, %mul3A_1685 : vector<16xf32>
      %slice3A_1687 = vector.extract_strided_slice %get3A_1568 {offsets = [8], sizes = [1], strides = [1]} : vector<16xf32> to vector<1xf32>
      %squeeze3A_1688 = vector.extract %slice3A_1687[0] : f32 from vector<1xf32>
      %mul3A_1689 = arith.constant 16 : i32
      %mul3A_1690 = arith.muli %scan3A_1563, %mul3A_1689 : i32
      %add3A_1691 = arith.constant 8 : i32
      %add3A_1692 = arith.addi %mul3A_1690, %add3A_1691 : i32
      %mul3A_1693 = arith.constant 32 : i32
      %mul3A_1694 = arith.muli %add3A_1692, %mul3A_1693 : i32
      %add3A_1695 = arith.constant 0 : i32
      %add3A_1696 = arith.addi %mul3A_1694, %add3A_1695 : i32
      %get3A_1697 = arith.index_cast %add3A_1696 : i32 to index
      %get3A_1698 = tpu.vector_load %arg11[%get3A_1697] {strides = array<i32>} : memref<8192xf32, #tpu.memory_space<vmem>>, vector<16xf32>,
      %mul3A_1699 = vector.broadcast %squeeze3A_1688 : f32 to vector<16xf32>
      %mul3A_1700 = arith.mulf %mul3A_1699, %get3A_1698 : vector<16xf32>
      %add3A_1701 = arith.addf %add3A_1686, %mul3A_1700 : vector<16xf32>
      %slice3A_1702 = vector.extract_strided_slice %get3A_1568 {offsets = [9], sizes = [1], strides = [1]} : vector<16xf32> to vector<1xf32>
      %squeeze3A_1703 = vector.extract %slice3A_1702[0] : f32 from vector<1xf32>
      %mul3A_1704 = arith.constant 16 : i32
      %mul3A_1705 = arith.muli %scan3A_1563, %mul3A_1704 : i32
      %add3A_1706 = arith.constant 9 : i32
      %add3A_1707 = arith.addi %mul3A_1705, %add3A_1706 : i32
      %mul3A_1708 = arith.constant 32 : i32
      %mul3A_1709 = arith.muli %add3A_1707, %mul3A_1708 : i32
      %add3A_1710 = arith.constant 0 : i32
      %add3A_1711 = arith.addi %mul3A_1709, %add3A_1710 : i32
      %get3A_1712 = arith.index_cast %add3A_1711 : i32 to index
      %get3A_1713 = tpu.vector_load %arg11[%get3A_1712] {strides = array<i32>} : memref<8192xf32, #tpu.memory_space<vmem>>, vector<16xf32>,
      %mul3A_1714 = vector.broadcast %squeeze3A_1703 : f32 to vector<16xf32>
      %mul3A_1715 = arith.mulf %mul3A_1714, %get3A_1713 : vector<16xf32>
      %add3A_1716 = arith.addf %add3A_1701, %mul3A_1715 : vector<16xf32>
      %slice3A_1717 = vector.extract_strided_slice %get3A_1568 {offsets = [10], sizes = [1], strides = [1]} : vector<16xf32> to vector<1xf32>
      %squeeze3A_1718 = vector.extract %slice3A_1717[0] : f32 from vector<1xf32>
      %mul3A_1719 = arith.constant 16 : i32
      %mul3A_1720 = arith.muli %scan3A_1563, %mul3A_1719 : i32
      %add3A_1721 = arith.constant 10 : i32
      %add3A_1722 = arith.addi %mul3A_1720, %add3A_1721 : i32
      %mul3A_1723 = arith.constant 32 : i32
      %mul3A_1724 = arith.muli %add3A_1722, %mul3A_1723 : i32
      %add3A_1725 = arith.constant 0 : i32
      %add3A_1726 = arith.addi %mul3A_1724, %add3A_1725 : i32
      %get3A_1727 = arith.index_cast %add3A_1726 : i32 to index
      %get3A_1728 = tpu.vector_load %arg11[%get3A_1727] {strides = array<i32>} : memref<8192xf32, #tpu.memory_space<vmem>>, vector<16xf32>,
      %mul3A_1729 = vector.broadcast %squeeze3A_1718 : f32 to vector<16xf32>
      %mul3A_1730 = arith.mulf %mul3A_1729, %get3A_1728 : vector<16xf32>
      %add3A_1731 = arith.addf %add3A_1716, %mul3A_1730 : vector<16xf32>
      %slice3A_1732 = vector.extract_strided_slice %get3A_1568 {offsets = [11], sizes = [1], strides = [1]} : vector<16xf32> to vector<1xf32>
      %squeeze3A_1733 = vector.extract %slice3A_1732[0] : f32 from vector<1xf32>
      %mul3A_1734 = arith.constant 16 : i32
      %mul3A_1735 = arith.muli %scan3A_1563, %mul3A_1734 : i32
      %add3A_1736 = arith.constant 11 : i32
      %add3A_1737 = arith.addi %mul3A_1735, %add3A_1736 : i32
      %mul3A_1738 = arith.constant 32 : i32
      %mul3A_1739 = arith.muli %add3A_1737, %mul3A_1738 : i32
      %add3A_1740 = arith.constant 0 : i32
      %add3A_1741 = arith.addi %mul3A_1739, %add3A_1740 : i32
      %get3A_1742 = arith.index_cast %add3A_1741 : i32 to index
      %get3A_1743 = tpu.vector_load %arg11[%get3A_1742] {strides = array<i32>} : memref<8192xf32, #tpu.memory_space<vmem>>, vector<16xf32>,
      %mul3A_1744 = vector.broadcast %squeeze3A_1733 : f32 to vector<16xf32>
      %mul3A_1745 = arith.mulf %mul3A_1744, %get3A_1743 : vector<16xf32>
      %add3A_1746 = arith.addf %add3A_1731, %mul3A_1745 : vector<16xf32>
      %slice3A_1747 = vector.extract_strided_slice %get3A_1568 {offsets = [12], sizes = [1], strides = [1]} : vector<16xf32> to vector<1xf32>
      %squeeze3A_1748 = vector.extract %slice3A_1747[0] : f32 from vector<1xf32>
      %mul3A_1749 = arith.constant 16 : i32
      %mul3A_1750 = arith.muli %scan3A_1563, %mul3A_1749 : i32
      %add3A_1751 = arith.constant 12 : i32
      %add3A_1752 = arith.addi %mul3A_1750, %add3A_1751 : i32
      %mul3A_1753 = arith.constant 32 : i32
      %mul3A_1754 = arith.muli %add3A_1752, %mul3A_1753 : i32
      %add3A_1755 = arith.constant 0 : i32
      %add3A_1756 = arith.addi %mul3A_1754, %add3A_1755 : i32
      %get3A_1757 = arith.index_cast %add3A_1756 : i32 to index
      %get3A_1758 = tpu.vector_load %arg11[%get3A_1757] {strides = array<i32>} : memref<8192xf32, #tpu.memory_space<vmem>>, vector<16xf32>,
      %mul3A_1759 = vector.broadcast %squeeze3A_1748 : f32 to vector<16xf32>
      %mul3A_1760 = arith.mulf %mul3A_1759, %get3A_1758 : vector<16xf32>
      %add3A_1761 = arith.addf %add3A_1746, %mul3A_1760 : vector<16xf32>
      %slice3A_1762 = vector.extract_strided_slice %get3A_1568 {offsets = [13], sizes = [1], strides = [1]} : vector<16xf32> to vector<1xf32>
      %squeeze3A_1763 = vector.extract %slice3A_1762[0] : f32 from vector<1xf32>
      %mul3A_1764 = arith.constant 16 : i32
      %mul3A_1765 = arith.muli %scan3A_1563, %mul3A_1764 : i32
      %add3A_1766 = arith.constant 13 : i32
      %add3A_1767 = arith.addi %mul3A_1765, %add3A_1766 : i32
      %mul3A_1768 = arith.constant 32 : i32
      %mul3A_1769 = arith.muli %add3A_1767, %mul3A_1768 : i32
      %add3A_1770 = arith.constant 0 : i32
      %add3A_1771 = arith.addi %mul3A_1769, %add3A_1770 : i32
      %get3A_1772 = arith.index_cast %add3A_1771 : i32 to index
      %get3A_1773 = tpu.vector_load %arg11[%get3A_1772] {strides = array<i32>} : memref<8192xf32, #tpu.memory_space<vmem>>, vector<16xf32>,
      %mul3A_1774 = vector.broadcast %squeeze3A_1763 : f32 to vector<16xf32>
      %mul3A_1775 = arith.mulf %mul3A_1774, %get3A_1773 : vector<16xf32>
      %add3A_1776 = arith.addf %add3A_1761, %mul3A_1775 : vector<16xf32>
      %slice3A_1777 = vector.extract_strided_slice %get3A_1568 {offsets = [14], sizes = [1], strides = [1]} : vector<16xf32> to vector<1xf32>
      %squeeze3A_1778 = vector.extract %slice3A_1777[0] : f32 from vector<1xf32>
      %mul3A_1779 = arith.constant 16 : i32
      %mul3A_1780 = arith.muli %scan3A_1563, %mul3A_1779 : i32
      %add3A_1781 = arith.constant 14 : i32
      %add3A_1782 = arith.addi %mul3A_1780, %add3A_1781 : i32
      %mul3A_1783 = arith.constant 32 : i32
      %mul3A_1784 = arith.muli %add3A_1782, %mul3A_1783 : i32
      %add3A_1785 = arith.constant 0 : i32
      %add3A_1786 = arith.addi %mul3A_1784, %add3A_1785 : i32
      %get3A_1787 = arith.index_cast %add3A_1786 : i32 to index
      %get3A_1788 = tpu.vector_load %arg11[%get3A_1787] {strides = array<i32>} : memref<8192xf32, #tpu.memory_space<vmem>>, vector<16xf32>,
      %mul3A_1789 = vector.broadcast %squeeze3A_1778 : f32 to vector<16xf32>
      %mul3A_1790 = arith.mulf %mul3A_1789, %get3A_1788 : vector<16xf32>
      %add3A_1791 = arith.addf %add3A_1776, %mul3A_1790 : vector<16xf32>
      %slice3A_1792 = vector.extract_strided_slice %get3A_1568 {offsets = [15], sizes = [1], strides = [1]} : vector<16xf32> to vector<1xf32>
      %squeeze3A_1793 = vector.extract %slice3A_1792[0] : f32 from vector<1xf32>
      %mul3A_1794 = arith.constant 16 : i32
      %mul3A_1795 = arith.muli %scan3A_1563, %mul3A_1794 : i32
      %add3A_1796 = arith.constant 15 : i32
      %add3A_1797 = arith.addi %mul3A_1795, %add3A_1796 : i32
      %mul3A_1798 = arith.constant 32 : i32
      %mul3A_1799 = arith.muli %add3A_1797, %mul3A_1798 : i32
      %add3A_1800 = arith.constant 0 : i32
      %add3A_1801 = arith.addi %mul3A_1799, %add3A_1800 : i32
      %get3A_1802 = arith.index_cast %add3A_1801 : i32 to index
      %get3A_1803 = tpu.vector_load %arg11[%get3A_1802] {strides = array<i32>} : memref<8192xf32, #tpu.memory_space<vmem>>, vector<16xf32>,
      %mul3A_1804 = vector.broadcast %squeeze3A_1793 : f32 to vector<16xf32>
      %mul3A_1805 = arith.mulf %mul3A_1804, %get3A_1803 : vector<16xf32>
      %add3A_1806 = arith.addf %add3A_1791, %mul3A_1805 : vector<16xf32>
      scf.yield %add3A_1806 : vector<16xf32>
    }
    %scan3A_1518 = arith.constant 16 : i32
    %exp3A = math.exp %scan3A_1517 : vector<16xf32>
    %gt3A = arith.constant 0.000000e+00 : f32
    %gt3A_1519 = vector.broadcast %gt3A : f32 to vector<16xf32>
    %gt3A_1520 = arith.cmpf ogt, %exp3A, %gt3A_1519 : vector<16xf32>
    %add3A_1521 = arith.constant 0 : i32
    %add3A_1522 = arith.addi %multiple_of3A_38, %add3A_1521 : i32
    %convert_element_type3A_1523 = arith.sitofp %add3A_1522 : i32 to f32
    %add3A_1524 = vector.broadcast %convert_element_type3A_1523 : f32 to vector<16xf32>
    %add3A_1525 = arith.addf %add3A_1524, %convert_element_type3A : vector<16xf32>
    %mul3A_1526 = arith.constant 0.00392156886 : f32
    %mul3A_1527 = vector.broadcast %mul3A_1526 : f32 to vector<16xf32>
    %mul3A_1528 = arith.mulf %add3A_1525, %mul3A_1527 : vector<16xf32>
    %jit3A_1529 = arith.constant 0.000000e+00 : f32
    %broadcast_in_dim3A_1530 = vector.broadcast %jit3A_1529 : f32 to vector<16xf32>
    %select_n3A_1531 = arith.select %gt3A_1520, %mul3A_1528, %broadcast_in_dim3A_1530 : vector<16xi1>, vector<16xf32>
    %swap3A_1532 = arith.constant 0 : index
    %swap3A_1533 = tpu.vector_load %arg13[%swap3A_1532] {strides = array<i32>} : memref<32xf32, #tpu.memory_space<vmem>>, vector<16xf32>,
    tpu.vector_store %arg13[%swap3A_1532], %select_n3A_1531 {strides = array<i32>} : memref<32xf32, #tpu.memory_space<vmem>>, vector<16xf32>,
    %get3A_1534 = arith.constant 16 : index
    %get3A_1535 = tpu.vector_load %arg12[%get3A_1534] {strides = array<i32>} : memref<32xf32, #tpu.memory_space<vmem>>, vector<16xf32>,
    %scan3A_1536 = arith.constant 0 : i32
    %scan3A_1537 = arith.constant 16 : i32
    %scan3A_1538 = arith.addi %scan3A_1536, %scan3A_1537 : i32
    %scan3A_1539 = arith.constant 1 : i32
    %scan3A_1540 = scf.for %scan3A_1563 = %scan3A_1536 to %scan3A_1538 step %scan3A_1539 iter_args(%scan3A_1564 = %get3A_1535) -> (vector<16xf32>)  : i32 {
      %mul3A_1565 = arith.constant 16 : i32
      %mul3A_1566 = arith.muli %scan3A_1563, %mul3A_1565 : i32
      %get3A_1567 = arith.index_cast %mul3A_1566 : i32 to index
      %get3A_1568 = tpu.vector_load %arg9[%get3A_1567] {strides = array<i32>} : memref<256xf32, #tpu.memory_space<vmem>>, vector<16xf32>,
      %slice3A = vector.extract_strided_slice %get3A_1568 {offsets = [0], sizes = [1], strides = [1]} : vector<16xf32> to vector<1xf32>
      %squeeze3A = vector.extract %slice3A[0] : f32 from vector<1xf32>
      %mul3A_1569 = arith.constant 16 : i32
      %mul3A_1570 = arith.muli %scan3A_1563, %mul3A_1569 : i32
      %add3A_1571 = arith.constant 0 : i32
      %add3A_1572 = arith.addi %mul3A_1570, %add3A_1571 : i32
      %mul3A_1573 = arith.constant 32 : i32
      %mul3A_1574 = arith.muli %add3A_1572, %mul3A_1573 : i32
      %add3A_1575 = arith.constant 16 : i32
      %add3A_1576 = arith.addi %mul3A_1574, %add3A_1575 : i32
      %get3A_1577 = arith.index_cast %add3A_1576 : i32 to index
      %get3A_1578 = tpu.vector_load %arg11[%get3A_1577] {strides = array<i32>} : memref<8192xf32, #tpu.memory_space<vmem>>, vector<16xf32>,
      %mul3A_1579 = vector.broadcast %squeeze3A : f32 to vector<16xf32>
      %mul3A_1580 = arith.mulf %mul3A_1579, %get3A_1578 : vector<16xf32>
      %add3A_1581 = arith.addf %scan3A_1564, %mul3A_1580 : vector<16xf32>
      %slice3A_1582 = vector.extract_strided_slice %get3A_1568 {offsets = [1], sizes = [1], strides = [1]} : vector<16xf32> to vector<1xf32>
      %squeeze3A_1583 = vector.extract %slice3A_1582[0] : f32 from vector<1xf32>
      %mul3A_1584 = arith.constant 16 : i32
      %mul3A_1585 = arith.muli %scan3A_1563, %mul3A_1584 : i32
      %add3A_1586 = arith.constant 1 : i32
      %add3A_1587 = arith.addi %mul3A_1585, %add3A_1586 : i32
      %mul3A_1588 = arith.constant 32 : i32
      %mul3A_1589 = arith.muli %add3A_1587, %mul3A_1588 : i32
      %add3A_1590 = arith.constant 16 : i32
      %add3A_1591 = arith.addi %mul3A_1589, %add3A_1590 : i32
      %get3A_1592 = arith.index_cast %add3A_1591 : i32 to index
      %get3A_1593 = tpu.vector_load %arg11[%get3A_1592] {strides = array<i32>} : memref<8192xf32, #tpu.memory_space<vmem>>, vector<16xf32>,
      %mul3A_1594 = vector.broadcast %squeeze3A_1583 : f32 to vector<16xf32>
      %mul3A_1595 = arith.mulf %mul3A_1594, %get3A_1593 : vector<16xf32>
      %add3A_1596 = arith.addf %add3A_1581, %mul3A_1595 : vector<16xf32>
      %slice3A_1597 = vector.extract_strided_slice %get3A_1568 {offsets = [2], sizes = [1], strides = [1]} : vector<16xf32> to vector<1xf32>
      %squeeze3A_1598 = vector.extract %slice3A_1597[0] : f32 from vector<1xf32>
      %mul3A_1599 = arith.constant 16 : i32
      %mul3A_1600 = arith.muli %scan3A_1563, %mul3A_1599 : i32
      %add3A_1601 = arith.constant 2 : i32
      %add3A_1602 = arith.addi %mul3A_1600, %add3A_1601 : i32
      %mul3A_1603 = arith.constant 32 : i32
      %mul3A_1604 = arith.muli %add3A_1602, %mul3A_1603 : i32
      %add3A_1605 = arith.constant 16 : i32
      %add3A_1606 = arith.addi %mul3A_1604, %add3A_1605 : i32
      %get3A_1607 = arith.index_cast %add3A_1606 : i32 to index
      %get3A_1608 = tpu.vector_load %arg11[%get3A_1607] {strides = array<i32>} : memref<8192xf32, #tpu.memory_space<vmem>>, vector<16xf32>,
      %mul3A_1609 = vector.broadcast %squeeze3A_1598 : f32 to vector<16xf32>
      %mul3A_1610 = arith.mulf %mul3A_1609, %get3A_1608 : vector<16xf32>
      %add3A_1611 = arith.addf %add3A_1596, %mul3A_1610 : vector<16xf32>
      %slice3A_1612 = vector.extract_strided_slice %get3A_1568 {offsets = [3], sizes = [1], strides = [1]} : vector<16xf32> to vector<1xf32>
      %squeeze3A_1613 = vector.extract %slice3A_1612[0] : f32 from vector<1xf32>
      %mul3A_1614 = arith.constant 16 : i32
      %mul3A_1615 = arith.muli %scan3A_1563, %mul3A_1614 : i32
      %add3A_1616 = arith.constant 3 : i32
      %add3A_1617 = arith.addi %mul3A_1615, %add3A_1616 : i32
      %mul3A_1618 = arith.constant 32 : i32
      %mul3A_1619 = arith.muli %add3A_1617, %mul3A_1618 : i32
      %add3A_1620 = arith.constant 16 : i32
      %add3A_1621 = arith.addi %mul3A_1619, %add3A_1620 : i32
      %get3A_1622 = arith.index_cast %add3A_1621 : i32 to index
      %get3A_1623 = tpu.vector_load %arg11[%get3A_1622] {strides = array<i32>} : memref<8192xf32, #tpu.memory_space<vmem>>, vector<16xf32>,
      %mul3A_1624 = vector.broadcast %squeeze3A_1613 : f32 to vector<16xf32>
      %mul3A_1625 = arith.mulf %mul3A_1624, %get3A_1623 : vector<16xf32>
      %add3A_1626 = arith.addf %add3A_1611, %mul3A_1625 : vector<16xf32>
      %slice3A_1627 = vector.extract_strided_slice %get3A_1568 {offsets = [4], sizes = [1], strides = [1]} : vector<16xf32> to vector<1xf32>
      %squeeze3A_1628 = vector.extract %slice3A_1627[0] : f32 from vector<1xf32>
      %mul3A_1629 = arith.constant 16 : i32
      %mul3A_1630 = arith.muli %scan3A_1563, %mul3A_1629 : i32
      %add3A_1631 = arith.constant 4 : i32
      %add3A_1632 = arith.addi %mul3A_1630, %add3A_1631 : i32
      %mul3A_1633 = arith.constant 32 : i32
      %mul3A_1634 = arith.muli %add3A_1632, %mul3A_1633 : i32
      %add3A_1635 = arith.constant 16 : i32
      %add3A_1636 = arith.addi %mul3A_1634, %add3A_1635 : i32
      %get3A_1637 = arith.index_cast %add3A_1636 : i32 to index
      %get3A_1638 = tpu.vector_load %arg11[%get3A_1637] {strides = array<i32>} : memref<8192xf32, #tpu.memory_space<vmem>>, vector<16xf32>,
      %mul3A_1639 = vector.broadcast %squeeze3A_1628 : f32 to vector<16xf32>
      %mul3A_1640 = arith.mulf %mul3A_1639, %get3A_1638 : vector<16xf32>
      %add3A_1641 = arith.addf %add3A_1626, %mul3A_1640 : vector<16xf32>
      %slice3A_1642 = vector.extract_strided_slice %get3A_1568 {offsets = [5], sizes = [1], strides = [1]} : vector<16xf32> to vector<1xf32>
      %squeeze3A_1643 = vector.extract %slice3A_1642[0] : f32 from vector<1xf32>
      %mul3A_1644 = arith.constant 16 : i32
      %mul3A_1645 = arith.muli %scan3A_1563, %mul3A_1644 : i32
      %add3A_1646 = arith.constant 5 : i32
      %add3A_1647 = arith.addi %mul3A_1645, %add3A_1646 : i32
      %mul3A_1648 = arith.constant 32 : i32
      %mul3A_1649 = arith.muli %add3A_1647, %mul3A_1648 : i32
      %add3A_1650 = arith.constant 16 : i32
      %add3A_1651 = arith.addi %mul3A_1649, %add3A_1650 : i32
      %get3A_1652 = arith.index_cast %add3A_1651 : i32 to index
      %get3A_1653 = tpu.vector_load %arg11[%get3A_1652] {strides = array<i32>} : memref<8192xf32, #tpu.memory_space<vmem>>, vector<16xf32>,
      %mul3A_1654 = vector.broadcast %squeeze3A_1643 : f32 to vector<16xf32>
      %mul3A_1655 = arith.mulf %mul3A_1654, %get3A_1653 : vector<16xf32>
      %add3A_1656 = arith.addf %add3A_1641, %mul3A_1655 : vector<16xf32>
      %slice3A_1657 = vector.extract_strided_slice %get3A_1568 {offsets = [6], sizes = [1], strides = [1]} : vector<16xf32> to vector<1xf32>
      %squeeze3A_1658 = vector.extract %slice3A_1657[0] : f32 from vector<1xf32>
      %mul3A_1659 = arith.constant 16 : i32
      %mul3A_1660 = arith.muli %scan3A_1563, %mul3A_1659 : i32
      %add3A_1661 = arith.constant 6 : i32
      %add3A_1662 = arith.addi %mul3A_1660, %add3A_1661 : i32
      %mul3A_1663 = arith.constant 32 : i32
      %mul3A_1664 = arith.muli %add3A_1662, %mul3A_1663 : i32
      %add3A_1665 = arith.constant 16 : i32
      %add3A_1666 = arith.addi %mul3A_1664, %add3A_1665 : i32
      %get3A_1667 = arith.index_cast %add3A_1666 : i32 to index
      %get3A_1668 = tpu.vector_load %arg11[%get3A_1667] {strides = array<i32>} : memref<8192xf32, #tpu.memory_space<vmem>>, vector<16xf32>,
      %mul3A_1669 = vector.broadcast %squeeze3A_1658 : f32 to vector<16xf32>
      %mul3A_1670 = arith.mulf %mul3A_1669, %get3A_1668 : vector<16xf32>
      %add3A_1671 = arith.addf %add3A_1656, %mul3A_1670 : vector<16xf32>
      %slice3A_1672 = vector.extract_strided_slice %get3A_1568 {offsets = [7], sizes = [1], strides = [1]} : vector<16xf32> to vector<1xf32>
      %squeeze3A_1673 = vector.extract %slice3A_1672[0] : f32 from vector<1xf32>
      %mul3A_1674 = arith.constant 16 : i32
      %mul3A_1675 = arith.muli %scan3A_1563, %mul3A_1674 : i32
      %add3A_1676 = arith.constant 7 : i32
      %add3A_1677 = arith.addi %mul3A_1675, %add3A_1676 : i32
      %mul3A_1678 = arith.constant 32 : i32
      %mul3A_1679 = arith.muli %add3A_1677, %mul3A_1678 : i32
      %add3A_1680 = arith.constant 16 : i32
      %add3A_1681 = arith.addi %mul3A_1679, %add3A_1680 : i32
      %get3A_1682 = arith.index_cast %add3A_1681 : i32 to index
      %get3A_1683 = tpu.vector_load %arg11[%get3A_1682] {strides = array<i32>} : memref<8192xf32, #tpu.memory_space<vmem>>, vector<16xf32>,
      %mul3A_1684 = vector.broadcast %squeeze3A_1673 : f32 to vector<16xf32>
      %mul3A_1685 = arith.mulf %mul3A_1684, %get3A_1683 : vector<16xf32>
      %add3A_1686 = arith.addf %add3A_1671, %mul3A_1685 : vector<16xf32>
      %slice3A_1687 = vector.extract_strided_slice %get3A_1568 {offsets = [8], sizes = [1], strides = [1]} : vector<16xf32> to vector<1xf32>
      %squeeze3A_1688 = vector.extract %slice3A_1687[0] : f32 from vector<1xf32>
      %mul3A_1689 = arith.constant 16 : i32
      %mul3A_1690 = arith.muli %scan3A_1563, %mul3A_1689 : i32
      %add3A_1691 = arith.constant 8 : i32
      %add3A_1692 = arith.addi %mul3A_1690, %add3A_1691 : i32
      %mul3A_1693 = arith.constant 32 : i32
      %mul3A_1694 = arith.muli %add3A_1692, %mul3A_1693 : i32
      %add3A_1695 = arith.constant 16 : i32
      %add3A_1696 = arith.addi %mul3A_1694, %add3A_1695 : i32
      %get3A_1697 = arith.index_cast %add3A_1696 : i32 to index
      %get3A_1698 = tpu.vector_load %arg11[%get3A_1697] {strides = array<i32>} : memref<8192xf32, #tpu.memory_space<vmem>>, vector<16xf32>,
      %mul3A_1699 = vector.broadcast %squeeze3A_1688 : f32 to vector<16xf32>
      %mul3A_1700 = arith.mulf %mul3A_1699, %get3A_1698 : vector<16xf32>
      %add3A_1701 = arith.addf %add3A_1686, %mul3A_1700 : vector<16xf32>
      %slice3A_1702 = vector.extract_strided_slice %get3A_1568 {offsets = [9], sizes = [1], strides = [1]} : vector<16xf32> to vector<1xf32>
      %squeeze3A_1703 = vector.extract %slice3A_1702[0] : f32 from vector<1xf32>
      %mul3A_1704 = arith.constant 16 : i32
      %mul3A_1705 = arith.muli %scan3A_1563, %mul3A_1704 : i32
      %add3A_1706 = arith.constant 9 : i32
      %add3A_1707 = arith.addi %mul3A_1705, %add3A_1706 : i32
      %mul3A_1708 = arith.constant 32 : i32
      %mul3A_1709 = arith.muli %add3A_1707, %mul3A_1708 : i32
      %add3A_1710 = arith.constant 16 : i32
      %add3A_1711 = arith.addi %mul3A_1709, %add3A_1710 : i32
      %get3A_1712 = arith.index_cast %add3A_1711 : i32 to index
      %get3A_1713 = tpu.vector_load %arg11[%get3A_1712] {strides = array<i32>} : memref<8192xf32, #tpu.memory_space<vmem>>, vector<16xf32>,
      %mul3A_1714 = vector.broadcast %squeeze3A_1703 : f32 to vector<16xf32>
      %mul3A_1715 = arith.mulf %mul3A_1714, %get3A_1713 : vector<16xf32>
      %add3A_1716 = arith.addf %add3A_1701, %mul3A_1715 : vector<16xf32>
      %slice3A_1717 = vector.extract_strided_slice %get3A_1568 {offsets = [10], sizes = [1], strides = [1]} : vector<16xf32> to vector<1xf32>
      %squeeze3A_1718 = vector.extract %slice3A_1717[0] : f32 from vector<1xf32>
      %mul3A_1719 = arith.constant 16 : i32
      %mul3A_1720 = arith.muli %scan3A_1563, %mul3A_1719 : i32
      %add3A_1721 = arith.constant 10 : i32
      %add3A_1722 = arith.addi %mul3A_1720, %add3A_1721 : i32
      %mul3A_1723 = arith.constant 32 : i32
      %mul3A_1724 = arith.muli %add3A_1722, %mul3A_1723 : i32
      %add3A_1725 = arith.constant 16 : i32
      %add3A_1726 = arith.addi %mul3A_1724, %add3A_1725 : i32
      %get3A_1727 = arith.index_cast %add3A_1726 : i32 to index
      %get3A_1728 = tpu.vector_load %arg11[%get3A_1727] {strides = array<i32>} : memref<8192xf32, #tpu.memory_space<vmem>>, vector<16xf32>,
      %mul3A_1729 = vector.broadcast %squeeze3A_1718 : f32 to vector<16xf32>
      %mul3A_1730 = arith.mulf %mul3A_1729, %get3A_1728 : vector<16xf32>
      %add3A_1731 = arith.addf %add3A_1716, %mul3A_1730 : vector<16xf32>
      %slice3A_1732 = vector.extract_strided_slice %get3A_1568 {offsets = [11], sizes = [1], strides = [1]} : vector<16xf32> to vector<1xf32>
      %squeeze3A_1733 = vector.extract %slice3A_1732[0] : f32 from vector<1xf32>
      %mul3A_1734 = arith.constant 16 : i32
      %mul3A_1735 = arith.muli %scan3A_1563, %mul3A_1734 : i32
      %add3A_1736 = arith.constant 11 : i32
      %add3A_1737 = arith.addi %mul3A_1735, %add3A_1736 : i32
      %mul3A_1738 = arith.constant 32 : i32
      %mul3A_1739 = arith.muli %add3A_1737, %mul3A_1738 : i32
      %add3A_1740 = arith.constant 16 : i32
      %add3A_1741 = arith.addi %mul3A_1739, %add3A_1740 : i32
      %get3A_1742 = arith.index_cast %add3A_1741 : i32 to index
      %get3A_1743 = tpu.vector_load %arg11[%get3A_1742] {strides = array<i32>} : memref<8192xf32, #tpu.memory_space<vmem>>, vector<16xf32>,
      %mul3A_1744 = vector.broadcast %squeeze3A_1733 : f32 to vector<16xf32>
      %mul3A_1745 = arith.mulf %mul3A_1744, %get3A_1743 : vector<16xf32>
      %add3A_1746 = arith.addf %add3A_1731, %mul3A_1745 : vector<16xf32>
      %slice3A_1747 = vector.extract_strided_slice %get3A_1568 {offsets = [12], sizes = [1], strides = [1]} : vector<16xf32> to vector<1xf32>
      %squeeze3A_1748 = vector.extract %slice3A_1747[0] : f32 from vector<1xf32>
      %mul3A_1749 = arith.constant 16 : i32
      %mul3A_1750 = arith.muli %scan3A_1563, %mul3A_1749 : i32
      %add3A_1751 = arith.constant 12 : i32
      %add3A_1752 = arith.addi %mul3A_1750, %add3A_1751 : i32
      %mul3A_1753 = arith.constant 32 : i32
      %mul3A_1754 = arith.muli %add3A_1752, %mul3A_1753 : i32
      %add3A_1755 = arith.constant 16 : i32
      %add3A_1756 = arith.addi %mul3A_1754, %add3A_1755 : i32
      %get3A_1757 = arith.index_cast %add3A_1756 : i32 to index
      %get3A_1758 = tpu.vector_load %arg11[%get3A_1757] {strides = array<i32>} : memref<8192xf32, #tpu.memory_space<vmem>>, vector<16xf32>,
      %mul3A_1759 = vector.broadcast %squeeze3A_1748 : f32 to vector<16xf32>
      %mul3A_1760 = arith.mulf %mul3A_1759, %get3A_1758 : vector<16xf32>
      %add3A_1761 = arith.addf %add3A_1746, %mul3A_1760 : vector<16xf32>
      %slice3A_1762 = vector.extract_strided_slice %get3A_1568 {offsets = [13], sizes = [1], strides = [1]} : vector<16xf32> to vector<1xf32>
      %squeeze3A_1763 = vector.extract %slice3A_1762[0] : f32 from vector<1xf32>
      %mul3A_1764 = arith.constant 16 : i32
      %mul3A_1765 = arith.muli %scan3A_1563, %mul3A_1764 : i32
      %add3A_1766 = arith.constant 13 : i32
      %add3A_1767 = arith.addi %mul3A_1765, %add3A_1766 : i32
      %mul3A_1768 = arith.constant 32 : i32
      %mul3A_1769 = arith.muli %add3A_1767, %mul3A_1768 : i32
      %add3A_1770 = arith.constant 16 : i32
      %add3A_1771 = arith.addi %mul3A_1769, %add3A_1770 : i32
      %get3A_1772 = arith.index_cast %add3A_1771 : i32 to index
      %get3A_1773 = tpu.vector_load %arg11[%get3A_1772] {strides = array<i32>} : memref<8192xf32, #tpu.memory_space<vmem>>, vector<16xf32>,
      %mul3A_1774 = vector.broadcast %squeeze3A_1763 : f32 to vector<16xf32>
      %mul3A_1775 = arith.mulf %mul3A_1774, %get3A_1773 : vector<16xf32>
      %add3A_1776 = arith.addf %add3A_1761, %mul3A_1775 : vector<16xf32>
      %slice3A_1777 = vector.extract_strided_slice %get3A_1568 {offsets = [14], sizes = [1], strides = [1]} : vector<16xf32> to vector<1xf32>
      %squeeze3A_1778 = vector.extract %slice3A_1777[0] : f32 from vector<1xf32>
      %mul3A_1779 = arith.constant 16 : i32
      %mul3A_1780 = arith.muli %scan3A_1563, %mul3A_1779 : i32
      %add3A_1781 = arith.constant 14 : i32
      %add3A_1782 = arith.addi %mul3A_1780, %add3A_1781 : i32
      %mul3A_1783 = arith.constant 32 : i32
      %mul3A_1784 = arith.muli %add3A_1782, %mul3A_1783 : i32
      %add3A_1785 = arith.constant 16 : i32
      %add3A_1786 = arith.addi %mul3A_1784, %add3A_1785 : i32
      %get3A_1787 = arith.index_cast %add3A_1786 : i32 to index
      %get3A_1788 = tpu.vector_load %arg11[%get3A_1787] {strides = array<i32>} : memref<8192xf32, #tpu.memory_space<vmem>>, vector<16xf32>,
      %mul3A_1789 = vector.broadcast %squeeze3A_1778 : f32 to vector<16xf32>
      %mul3A_1790 = arith.mulf %mul3A_1789, %get3A_1788 : vector<16xf32>
      %add3A_1791 = arith.addf %add3A_1776, %mul3A_1790 : vector<16xf32>
      %slice3A_1792 = vector.extract_strided_slice %get3A_1568 {offsets = [15], sizes = [1], strides = [1]} : vector<16xf32> to vector<1xf32>
      %squeeze3A_1793 = vector.extract %slice3A_1792[0] : f32 from vector<1xf32>
      %mul3A_1794 = arith.constant 16 : i32
      %mul3A_1795 = arith.muli %scan3A_1563, %mul3A_1794 : i32
      %add3A_1796 = arith.constant 15 : i32
      %add3A_1797 = arith.addi %mul3A_1795, %add3A_1796 : i32
      %mul3A_1798 = arith.constant 32 : i32
      %mul3A_1799 = arith.muli %add3A_1797, %mul3A_1798 : i32
      %add3A_1800 = arith.constant 16 : i32
      %add3A_1801 = arith.addi %mul3A_1799, %add3A_1800 : i32
      %get3A_1802 = arith.index_cast %add3A_1801 : i32 to index
      %get3A_1803 = tpu.vector_load %arg11[%get3A_1802] {strides = array<i32>} : memref<8192xf32, #tpu.memory_space<vmem>>, vector<16xf32>,
      %mul3A_1804 = vector.broadcast %squeeze3A_1793 : f32 to vector<16xf32>
      %mul3A_1805 = arith.mulf %mul3A_1804, %get3A_1803 : vector<16xf32>
      %add3A_1806 = arith.addf %add3A_1791, %mul3A_1805 : vector<16xf32>
      scf.yield %add3A_1806 : vector<16xf32>
    }
    %scan3A_1541 = arith.constant 16 : i32
    %exp3A_1542 = math.exp %scan3A_1540 : vector<16xf32>
    %gt3A_1543 = arith.constant 0.000000e+00 : f32
    %gt3A_1544 = vector.broadcast %gt3A_1543 : f32 to vector<16xf32>
    %gt3A_1545 = arith.cmpf ogt, %exp3A_1542, %gt3A_1544 : vector<16xf32>
    %add3A_1546 = arith.constant 16 : i32
    %add3A_1547 = arith.addi %multiple_of3A_38, %add3A_1546 : i32
    %convert_element_type3A_1548 = arith.sitofp %add3A_1547 : i32 to f32
    %add3A_1549 = vector.broadcast %convert_element_type3A_1548 : f32 to vector<16xf32>
    %add3A_1550 = arith.addf %add3A_1549, %convert_element_type3A : vector<16xf32>
    %mul3A_1551 = arith.constant 0.00392156886 : f32
    %mul3A_1552 = vector.broadcast %mul3A_1551 : f32 to vector<16xf32>
    %mul3A_1553 = arith.mulf %add3A_1550, %mul3A_1552 : vector<16xf32>
    %jit3A_1554 = arith.constant 0.000000e+00 : f32
    %broadcast_in_dim3A_1555 = vector.broadcast %jit3A_1554 : f32 to vector<16xf32>
    %select_n3A_1556 = arith.select %gt3A_1545, %mul3A_1553, %broadcast_in_dim3A_1555 : vector<16xi1>, vector<16xf32>
    %swap3A_1557 = arith.constant 16 : index
    %swap3A_1558 = tpu.vector_load %arg13[%swap3A_1557] {strides = array<i32>} : memref<32xf32, #tpu.memory_space<vmem>>, vector<16xf32>,
    tpu.vector_store %arg13[%swap3A_1557], %select_n3A_1556 {strides = array<i32>} : memref<32xf32, #tpu.memory_space<vmem>>, vector<16xf32>,
    "tpu.region"() ({
      %run_scoped3A = tpu.sem_alloc : memref<!tpu.dma_semaphore, #tpu.memory_space<semaphore_mem>>
      %dma_start3A_1563 = tpu.memref_slice %arg21[%select_n3A, %multiple_of3A_38] : memref<2x256xf32, #tpu.memory_space<vmem_shared>> -> memref<1x32xf32, #tpu.memory_space<vmem_shared>>
      %dma_start3A_1564 = tpu.memref_squeeze %dma_start3A_1563 : memref<1x32xf32, #tpu.memory_space<vmem_shared>> -> memref<32xf32, #tpu.memory_space<vmem_shared>>
      %dma_start3A_1565 = tpu.memref_slice %arg21[%select_n3A, %multiple_of3A_38] : memref<2x256xf32, #tpu.memory_space<vmem_shared>> -> memref<1x32xf32, #tpu.memory_space<vmem_shared>>
      %dma_start3A_1566 = tpu.memref_squeeze %dma_start3A_1565 : memref<1x32xf32, #tpu.memory_space<vmem_shared>> -> memref<32xf32, #tpu.memory_space<vmem_shared>>
      tpu.enqueue_dma source(%arg13 : memref<32xf32, #tpu.memory_space<vmem>>) target(%dma_start3A_1566 : memref<32xf32, #tpu.memory_space<vmem_shared>>) target_semaphore(%run_scoped3A : memref<!tpu.dma_semaphore, #tpu.memory_space<semaphore_mem>>)
      %dma_wait3A_1567 = tpu.memref_slice %arg21[%select_n3A, %multiple_of3A_38] : memref<2x256xf32, #tpu.memory_space<vmem_shared>> -> memref<1x32xf32, #tpu.memory_space<vmem_shared>>
      %dma_wait3A_1568 = tpu.memref_squeeze %dma_wait3A_1567 : memref<1x32xf32, #tpu.memory_space<vmem_shared>> -> memref<32xf32, #tpu.memory_space<vmem_shared>>
      %dma_wait3A_1569 = tpu.memref_slice %arg21[%select_n3A, %multiple_of3A_38] : memref<2x256xf32, #tpu.memory_space<vmem_shared>> -> memref<1x32xf32, #tpu.memory_space<vmem_shared>>
      %dma_wait3A_1570 = tpu.memref_squeeze %dma_wait3A_1569 : memref<1x32xf32, #tpu.memory_space<vmem_shared>> -> memref<32xf32, #tpu.memory_space<vmem_shared>>
      tpu.wait_dma2 semaphore(%run_scoped3A : memref<!tpu.dma_semaphore, #tpu.memory_space<semaphore_mem>>) src(%arg13 : memref<32xf32, #tpu.memory_space<vmem>>) dst(%dma_wait3A_1570 : memref<32xf32, #tpu.memory_space<vmem_shared>>)
      tpu.yield
    }) : () -> ()
    %barrier3A_1559 = arith.constant 0 : index
    tpu.barrier barrier_id(%barrier3A_1559)
    "tpu.region"() ({
      %run_scoped3A = tpu.sem_alloc : memref<!tpu.dma_semaphore, #tpu.memory_space<semaphore_mem>>
      %dma_start3A_1563 = arith.constant 0 : i32
      %dma_start3A_1564 = tpu.memref_slice %arg21[%select_n3A, %dma_start3A_1563] : memref<2x256xf32, #tpu.memory_space<vmem_shared>> -> memref<1x256xf32, #tpu.memory_space<vmem_shared>>
      %dma_start3A_1565 = tpu.memref_squeeze %dma_start3A_1564 : memref<1x256xf32, #tpu.memory_space<vmem_shared>> -> memref<256xf32, #tpu.memory_space<vmem_shared>>
      %dma_start3A_1566 = arith.constant 0 : i32
      %dma_start3A_1567 = tpu.memref_slice %arg21[%select_n3A, %dma_start3A_1566] : memref<2x256xf32, #tpu.memory_space<vmem_shared>> -> memref<1x256xf32, #tpu.memory_space<vmem_shared>>
      %dma_start3A_1568 = tpu.memref_squeeze %dma_start3A_1567 : memref<1x256xf32, #tpu.memory_space<vmem_shared>> -> memref<256xf32, #tpu.memory_space<vmem_shared>>
      tpu.enqueue_dma source(%dma_start3A_1568 : memref<256xf32, #tpu.memory_space<vmem_shared>>) target(%arg14 : memref<256xf32, #tpu.memory_space<vmem>>) target_semaphore(%run_scoped3A : memref<!tpu.dma_semaphore, #tpu.memory_space<semaphore_mem>>)
      %dma_wait3A_1569 = arith.constant 0 : i32
      %dma_wait3A_1570 = tpu.memref_slice %arg21[%select_n3A, %dma_wait3A_1569] : memref<2x256xf32, #tpu.memory_space<vmem_shared>> -> memref<1x256xf32, #tpu.memory_space<vmem_shared>>
      %dma_wait3A_1571 = tpu.memref_squeeze %dma_wait3A_1570 : memref<1x256xf32, #tpu.memory_space<vmem_shared>> -> memref<256xf32, #tpu.memory_space<vmem_shared>>
      %dma_wait3A_1572 = arith.constant 0 : i32
      %dma_wait3A_1573 = tpu.memref_slice %arg21[%select_n3A, %dma_wait3A_1572] : memref<2x256xf32, #tpu.memory_space<vmem_shared>> -> memref<1x256xf32, #tpu.memory_space<vmem_shared>>
      %dma_wait3A_1574 = tpu.memref_squeeze %dma_wait3A_1573 : memref<1x256xf32, #tpu.memory_space<vmem_shared>> -> memref<256xf32, #tpu.memory_space<vmem_shared>>
      tpu.wait_dma2 semaphore(%run_scoped3A : memref<!tpu.dma_semaphore, #tpu.memory_space<semaphore_mem>>) src(%dma_wait3A_1574 : memref<256xf32, #tpu.memory_space<vmem_shared>>) dst(%arg14 : memref<256xf32, #tpu.memory_space<vmem>>)
      tpu.yield
    }) : () -> ()
    %parallel_loop3A_1560 = arith.constant 0 : i32
    %parallel_loop3A_1561 = arith.constant 6272 : i32
    %parallel_loop3A_1562 = arith.constant 16 : i32
    scf.for %parallel_loop3A_1563 = %parallel_loop3A_1560 to %parallel_loop3A_1561 step %parallel_loop3A_1562  : i32 {
      %parallel_loop3A_1564 = arith.index_cast %parallel_loop3A_1563 : i32 to index
      %parallel_loop3A_1565 = tpu.vector_load %arg7[%parallel_loop3A_1564] {strides = array<i32>} : memref<6272xi32, #tpu.memory_space<vmem>>, vector<16xi32>,
      %parallel_loop3A_1566 = tpu.vector_load_idx %arg14[%parallel_loop3A_1565] : memref<256xf32, #tpu.memory_space<vmem>>[vector<16xi32>], vector<16xf32>,
      %parallel_loop3A_1567 = arith.index_cast %parallel_loop3A_1563 : i32 to index
      %parallel_loop3A_1568 = tpu.vector_load %arg15[%parallel_loop3A_1567] {strides = array<i32>} : memref<6272xf32, #tpu.memory_space<vmem>>, vector<16xf32>,
      tpu.vector_store %arg15[%parallel_loop3A_1567], %parallel_loop3A_1566 {strides = array<i32>} : memref<6272xf32, #tpu.memory_space<vmem>>, vector<16xf32>,
    } {sc.loop_unroll_factor = 8 : i64, sc.parallel_access}
    "tpu.region"() ({
      %run_scoped3A = tpu.sem_alloc : memref<!tpu.dma_semaphore, #tpu.memory_space<semaphore_mem>>
      %dma_start3A_1563 = tpu.memref_slice %arg5[%multiple_of3A] : memref<200704xf32, #tpu.memory_space<hbm>> -> memref<6272xf32, #tpu.memory_space<hbm>>
      %dma_start3A_1564 = tpu.memref_slice %arg5[%multiple_of3A] : memref<200704xf32, #tpu.memory_space<hbm>> -> memref<6272xf32, #tpu.memory_space<hbm>>
      tpu.enqueue_dma source(%arg15 : memref<6272xf32, #tpu.memory_space<vmem>>) target(%dma_start3A_1564 : memref<6272xf32, #tpu.memory_space<hbm>>) target_semaphore(%run_scoped3A : memref<!tpu.dma_semaphore, #tpu.memory_space<semaphore_mem>>)
      %dma_wait3A_1565 = tpu.memref_slice %arg5[%multiple_of3A] : memref<200704xf32, #tpu.memory_space<hbm>> -> memref<6272xf32, #tpu.memory_space<hbm>>
      %dma_wait3A_1566 = tpu.memref_slice %arg5[%multiple_of3A] : memref<200704xf32, #tpu.memory_space<hbm>> -> memref<6272xf32, #tpu.memory_space<hbm>>
      tpu.wait_dma2 semaphore(%run_scoped3A : memref<!tpu.dma_semaphore, #tpu.memory_space<semaphore_mem>>) src(%arg15 : memref<6272xf32, #tpu.memory_space<vmem>>) dst(%dma_wait3A_1566 : memref<6272xf32, #tpu.memory_space<hbm>>)
      tpu.yield
    }) : () -> ()
    return
  }
}

</mosaic_0001>

<sc_bundles>
// kernel: kernel.3.cloned.1.call-start
scs
__scs_entry_jumppad:
0x0: {  	(pc) =	sbr.rel $0x88, $3  }
0x1: {  	(tag) =	ssettag $0x0;
	lr =	simm.s32 $0x1  }
0x2: {  	[smem:$0x3F9E] =	sst lr;
	_ =	strace $0xD0000000  }
0x3: {  	_ = 	snop  }
0x4: {  	_ = 	snop  }
0x5: {  	_ = 	snop  }
0x6: {  	_ = 	snop  }
0x7: {  	_ = 	snop  }
__scs_overlays_trampoline_lowered:
0x8: {  	[smem:$0x3FAD] =	sst s0  }
0x9: {  	[smem:$0x3FAE] =	sst s1  }
0xa: {  	[smem:$0x3FAF] =	sst s2  }
0xb: {  	[smem:$0x3FB0] =	sst s3  }
0xc: {  	[smem:$0x3FB1] =	sst s4  }
0xd: {  	[smem:$0x3FB2] =	sst s5  }
0xe: {  	[smem:$0x3FB3] =	sst s6  }
0xf: {  	[smem:$0x3FB4] =	sst s7  }
0x10: {  	[smem:$0x3FB5] =	sst s8  }
0x11: {  	[smem:$0x3FB6] =	sst s9;
	s0 =	simm.s32 @!p0 $0x0  }
0x12: {  	s1 =	sld [smem:$0x3F9C];
	s0 =	simm.s32 @p0 $0x1  }
0x13: {  	[smem:$0x3FB7] =	sst s0;
	s0 =	simm.s32 @!p1 $0x0  }
0x14: {  	s2 =	sld [smem:$0x3F9B];
	s0 =	simm.s32 @p1 $0x1  }
0x15: {  	[smem:$0x3FB8] =	sst s0;
	s0 =	simm.s32 @!p2 $0x0  }
0x16: {  	s3 =	sld [smem:$0x3FDB];
	s0 =	simm.s32 @p2 $0x1  }
0x17: {  	s4 =	simm.s32 $0x1BF5;
	[smem:$0x3FBA] =	sst s0  }
0x18: {  	s0 =	sld [smem:$0x3F9D];
	_ =	swait.ge [sflag:s4], $0x0  }
0x19: {  	s7 =	sld [smem:$0x3F9E]  }
0x1a: {  	s8 =	sadd.s32 $0xFFFFE003, lr  }
0x1b: {  	s9 =	sadd.s32 $0xFFFFFEF7, lr;
	s5 =	simm.s32 $0xFFFFFFFF;
	p2 =	slt.u32 s8, $0xFFFFF086  }
0x1c: {  	p1 =	slt.u32 s9, $0xF7A;
	s5 =	simm.s32 @!p2 $0x0  }
0x1d: {  	s5 =	simm.s32 @p1 $0x1;
	p0 =	seq.s32 s7, s2  }
0x1e: {  	s7 =	smul.u32 @!p0 $0xF7A, s2;
	p2 =	seq.s32 @!p0 s5, $0x0  }
0x1f: {  	s9 =	smul.u32 $0xF7A, s1;
	s8 =	simm.s32 @!p0 $0x1BF5;
	p2 =	por !p2, p0  }
0x20: {  	[sflag:s8] =	ssyncset.s32 @!p0 $0xFFFFF086;
	s6 =	sadd.s32 @!p0 s3, s7;
	s7 =	simm.s32 @!p0 $0x108  }
0x21: {  	s3 =	sadd.s32 s3, s9;
	s6 =	sadd.s32 @!p0 $0x88, s6;
	s7 =	simm.s32 @p2 $0x1082  }
0x22: {  	[simem:s7], [sflag:s8] =	dma.local @!p0 [hbm:s6], $0xF7A  }
0x23: {  	s9 =	sor.u32 $0xD0000000, s2;
	s6 =	simm.s32 $0x108;
	_ =	swait.ge @!p0 [sflag:s8], $0x0  }
0x24: {  	s3 =	sadd.s32 $0x88, s3;
	s6 =	simm.s32 @!p1 $0x1082;
	[sflag:s4] =	ssyncset.s32 $0xFFFFF086  }
0x25: {  	[simem:s6], [sflag:s4] =	dma.local [hbm:s3], $0xF7A  }
0x26: {  	[smem:$0x3F9E] =	sst s1;
	(tag) =	ssettag s2;
	_ =	strace s9  }
0x27: {  	s1 =	sld [smem:$0x3FAE]  }
0x28: {  	s2 =	sld [smem:$0x3FAF]  }
0x29: {  	s4 =	sld [smem:$0x3FB1]  }
0x2a: {  	p0 =	seq.s32 s5, $0x0;
	s5 =	sld [smem:$0x3FB2]  }
0x2b: {  	s6 =	sld [smem:$0x3FB3]  }
0x2c: {  	s7 =	sld [smem:$0x3FB4]  }
0x2d: {  	s3 =	simm.s32 $0x108;
	s8 =	sld [smem:$0x3FB5]  }
0x2e: {  	s3 =	simm.s32 @!p0 $0x1082;
	s9 =	sld [smem:$0x3FB6]  }
0x2f: {  	lr =	sadd.s32 s0, s3;
	s0 =	sld [smem:$0x3FAD]  }
0x30: {  	s3 =	sld [smem:$0x3FB0]  }
0x31: {  	[smem:$0x3FB9] =	sst s10  }
0x32: {  	s10 =	sld [smem:$0x3FB7];
	_ =	sdelay $0x3  }
0x33: {  	p0 =	seq.s32 s10, $0x1;
	s10 =	sld [smem:$0x3FB9];
	_ =	sdelay $0x3  }
0x34: {  	[smem:$0x3FB9] =	sst s10  }
0x35: {  	s10 =	sld [smem:$0x3FB8];
	_ =	sdelay $0x3  }
0x36: {  	p1 =	seq.s32 s10, $0x1;
	s10 =	sld [smem:$0x3FB9];
	_ =	sdelay $0x3  }
0x37: {  	[smem:$0x3FB9] =	sst s10  }
0x38: {  	s10 =	sld [smem:$0x3FBA]  }
0x39: {  	_ = 	snop;
	(pc) =	sbr.ind lr, $3  }
0x3a: {  	_ = 	snop  }
0x3b: {  	_ = 	snop  }
0x3c: {  	p2 =	seq.s32 s10, $0x1;
	s10 =	sld [smem:$0x3FB9]  }
0x3d: {  	_ =	shalt  }
0x3e: {  	_ =	shalt  }
0x3f: {  	_ =	shalt  }
0x40: {  	_ =	shalt  }
0x41: {  	_ =	shalt  }
0x42: {  	_ =	shalt  }
0x43: {  	_ =	shalt  }
0x44: {  	_ =	shalt  }
0x45: {  	_ =	shalt  }
0x46: {  	_ =	shalt  }
0x47: {  	_ =	shalt  }
0x48: {  	_ =	shalt  }
0x49: {  	_ =	shalt  }
0x4a: {  	_ =	shalt  }
0x4b: {  	_ =	shalt  }
0x4c: {  	_ =	shalt  }
0x4d: {  	_ =	shalt  }
0x4e: {  	_ =	shalt  }
0x4f: {  	_ =	shalt  }
0x50: {  	_ =	shalt  }
0x51: {  	_ =	shalt  }
0x52: {  	_ =	shalt  }
0x53: {  	_ =	shalt  }
0x54: {  	_ =	shalt  }
0x55: {  	_ =	shalt  }
0x56: {  	_ =	shalt  }
0x57: {  	_ =	shalt  }
0x58: {  	_ =	shalt  }
0x59: {  	_ =	shalt  }
0x5a: {  	_ =	shalt  }
0x5b: {  	_ =	shalt  }
0x5c: {  	_ =	shalt  }
0x5d: {  	_ =	shalt  }
0x5e: {  	_ =	shalt  }
0x5f: {  	_ =	shalt  }
0x60: {  	_ =	shalt  }
0x61: {  	_ =	shalt  }
0x62: {  	_ =	shalt  }
0x63: {  	_ =	shalt  }
0x64: {  	_ =	shalt  }
0x65: {  	_ =	shalt  }
0x66: {  	_ =	shalt  }
0x67: {  	_ =	shalt  }
0x68: {  	_ =	shalt  }
0x69: {  	_ =	shalt  }
0x6a: {  	_ =	shalt  }
0x6b: {  	_ =	shalt  }
0x6c: {  	_ =	shalt  }
0x6d: {  	_ =	shalt  }
0x6e: {  	_ =	shalt  }
0x6f: {  	_ =	shalt  }
0x70: {  	_ =	shalt  }
0x71: {  	_ =	shalt  }
0x72: {  	_ =	shalt  }
0x73: {  	_ =	shalt  }
0x74: {  	_ =	shalt  }
0x75: {  	_ =	shalt  }
0x76: {  	_ =	shalt  }
0x77: {  	_ =	shalt  }
0x78: {  	_ =	shalt  }
0x79: {  	_ =	shalt  }
0x7a: {  	_ =	shalt  }
0x7b: {  	_ =	shalt  }
0x7c: {  	_ =	shalt  }
0x7d: {  	_ =	shalt  }
0x7e: {  	_ =	shalt  }
0x7f: {  	_ =	shalt  }
0x80: {  	_ =	shalt  }
0x81: {  	_ =	shalt  }
0x82: {  	_ =	shalt  }
0x83: {  	_ =	shalt  }
0x84: {  	_ =	shalt  }
0x85: {  	_ =	shalt  }
0x86: {  	_ =	shalt  }
0x87: {  	_ =	shalt  }
.Lfunc_end0:
.L_simem_size_0:
called_computation_lowered:
.L_overlay_start_0:
0x88: {  	s2 =	sld [smem:$0x3FD9]  }
0x89: {  	s3 =	sld [smem:$0x3FFE];
	_ =	sdelay $0x1  }
0x8a: {  	s1 =	srdreg.scid  }
0x8b: {  	s0 =	sand.u32 $0x1, s1  }
0x8c: {  	s17 =	sshll.u32 s0, $0xA;
	s2 =	sadd.s32 s3, s2  }
0x8d: {  	s2 =	sadd.s32 s2, s17  }
0x8e: {  	[smem:$0x3FC5] =	sst s2  }
0x8f: {  	_ = 	snop  }
0x90: {  	s2 =	sld [smem:$0x3FC7]  }
0x91: {  	s18 =	sld [smem:$0x3FD0];
	(tm) =	ssettm $0x1  }
0x92: {  	s4 =	sld [smem:$0x3FFB];
	_ =	sdelay $0x3  }
0x93: {  	_ =	strace s4  }
0x94: {  	s4 =	sld [smem:$0x3FFC];
	_ =	sdelay $0x3  }
0x95: {  	_ =	strace s4  }
0x96: {  	s4 =	sld [smem:$0x3FFD];
	_ =	sdelay $0x3  }
0x97: {  	_ =	strace s4  }
0x98: {  	_ =	strace $0x8FFFFFFF  }
0x99: {  	s19 =	sld [smem:$0x3FDB];
	_ =	sdelay $0x1  }
0x9a: {  	s5 =	simm.s32 $_scs_section_size  }
0x9b: {  	s6 =	simm.s32 $_size__tile_overlayer_lowered;
	s7 =	simm.s32 $_tile_overlayer_lowered  }
0x9c: {  	s22 =	simm.s32 $0x1BFF;
	s21 =	sshll.u32 s7, $0x1;
	s4 =	sadd.s32 s5, s19  }
0x9d: {  	s8 =	simm.s32 $0x0;
	s20 =	sshll.u32 s6, $0x1;
	s6 =	sadd.s32 s21, s4  }
0x9e: {  	[timem:s8], [sflag:s22] =	dma.local [hbm:s6], s20  }
0x9f: {  	_ =	swait.ge [sflag:s22], s20  }
0xa0: {  	s5 =	ssub.s32 $0x0, s20;
	[sflag:s22] =	ssyncset.done $0x0  }
0xa1: {  	[sflag:s22] =	ssyncadd.s32 s5;
	_ =	sdelay $0x1  }
0xa2: {  	s23 =	simm.s32 $0x1B8B  }
0xa3: {  	_ =	swait.ge [sflag:s23], $0x1  }
0xa4: {  	[sflag:s23] =	ssyncset.done $0x0  }
0xa5: {  	s25 =	simm.s32 $0x1B8E;
	s24 =	sld [smem:$0x3FFE];
	[sflag:s23] =	ssyncadd.s32 $0xFFFFFFFF  }
0xa6: {  	s26 =	simm.s32 $execute0_lowered;
	[smem:$0x3FD2] =	sst s25  }
0xa7: {  	s6 =	sshll.u32 s26, $0x1;
	_ =	strace $0x80000046;
	[dreg:$0x1] =	wrdreg $0xFFFFFFFF  }
0xa8: {  	s28 =	simm.s32 $_size_execute0_lowered;
	s4 =	sadd.s32 s4, s6;
	[dreg:$0x0] =	wrdreg $0x0  }
0xa9: {  	s6 =	sshll.u32 s28, $0x1;
	[dreg:$0x2] =	wrdreg s4  }
0xaa: {  	[dreg:$0x3] =	wrdreg s6  }
0xab: {  	[dreg:$0x4] =	wrdreg $0xC0  }
0xac: {  	_ =	task [dreg:s8], $0x5FFFF  }
0xad: {  	[dreg:$0x1] =	wrdreg $0xFFFFFFFF  }
0xae: {  	[dreg:$0x0] =	wrdreg $0x60  }
0xaf: {  	[dreg:$0x2] =	wrdreg s18  }
0xb0: {  	[dreg:$0x3] =	wrdreg s24  }
0xb1: {  	[dreg:$0x4] =	wrdreg s2  }
0xb2: {  	[dreg:$0x5] =	wrdreg $0x84800  }
0xb3: {  	[dreg:$0x6] =	wrdreg $0x85800  }
0xb4: {  	[dreg:$0x7] =	wrdreg $0x9  }
0xb5: {  	_ =	task.clear_ibuf [dreg:s8], $0x8FFFF;
	_ =	strace $0x90000046  }
0xb6: {  	s29 =	simm.s32 $0x9;
	_ =	strace $0x80000048  }
0xb7: {  	_ =	swait.ge [sflag:s29], $0x1  }
0xb8: {  	[sflag:s29] =	ssyncadd.s32 $0xFFFFFFFF  }
0xb9: {  	_ =	strace $0x90000048  }
0xba: {  	_ =	sfence  }
0xbb: {  	s30 =	sld [smem:$0x0];
	_ =	sdelay $0x2  }
0xbc: {  	s31 =	sshll.u32 s1, $0xD;
	s1 =	sshrl.u32 s1, $0x2  }
0xbd: {  	s3 =	sand.u32 $0x4000, s31;
	s1 =	sadd.s32 s1, s30  }
0xbe: {  	s0 =	sor.u32 s3, s0;
	s1 =	sshll.u32 s1, $0x11  }
0xbf: {  	s0 =	sor.u32 s1, s0  }
0xc0: {  	s0 =	sadd.s32 $0x8F2B, s0  }
0xc1: {  	[sflag:s0] =	ssyncadd.remote.s32 $0x1  }
0xc2: {  	_ =	sfence.sel $0xFFFF  }
0xc3: {  	[dreg:$0x0] =	wrdreg $0xFFFFFFFF;
	(pc) =	sbr.abs _section_cstart, $3  }
0xc4: {  	[dreg:$0x1] =	wrdreg $0xFFFFFFFF  }
0xc5: {  	_ =	task.clear_ibuf [dreg:s8], $0x2FFFF;
	_ =	strace $0x9FFFFFFF  }
0xc6: {  	(tm) =	ssettm $0x7FFFFFFF  }
0xc7: {  	_ =	shalt  }
tec
execute0_lowered:
.L_overlay_start_1:
0x0: {  	(tag) =	ssettag $0x1  }
0x1: {  	s3 =	rddreg [dreg:$0x0]  }
0x2: {  	s4 =	rddreg [dreg:$0x1]  }
0x3: {  	s6 =	rddreg [dreg:$0x2]  }
0x4: {  	s0 =	srdreg.scid;
	s7 =	rddreg [dreg:$0x3]  }
0x5: {  	s14 =	stileid.u32;
	s19 =	rddreg [dreg:$0x4]  }
0x6: {  	v0 =	vimm.f32 $1.500000000e+01;
	vm0 =	vcmask $0x300;
	s28 =	simm.s32 $0x2;
	s30 =	simm.s32 $0x5;
	s31 =	simm.s32 $0x0  }
0x7: {  	vm14 =	vcmask $0x704;
	s5 =	sand.u32 $0x1, s0;
	s1 =	sshrl.u32 s14, $0x3;
	s8 =	sand.u32 $0x7, s14;
	v0 =	vsel vm0, $0x0, v0  }
0x8: {  	vm15 =	vcmask $0xB08;
	s22 =	sshll.u32 s14, $0x8;
	s23 =	sshll.u32 s14, $0x7;
	s26 =	sshll.u32 s14, $0x6;
	v0 =	vsel vm14, $0x3F800000, v0  }
0x9: {  	vm4 =	vcmask $0xF0C;
	s0 =	sshll.u32 s5, $0x1;
	s10 =	smul.u32 $0x1880, s8;
	s20 =	sshll.u32 s8, $0x4;
	v0 =	vsel vm15, $0x40000000, v0  }
0xa: {  	vm5 =	vcmask $0x1310;
	s5 =	ssub.s32 $0x2, s5;
	s16 =	sshll.u32 s8, $0x5;
	s8 =	sshll.u32 s8, $0x2;
	v0 =	vsel vm4, $0x40400000, v0  }
0xb: {  	vm6 =	vcmask $0x1714;
	s24 =	sshll.u32 s1, $0xB;
	s2 =	sor.u32 s1, s0;
	s11 =	sshrl.u32 s5, $0x1;
	v0 =	vsel vm5, $0x40800000, v0  }
0xc: {  	vm7 =	vcmask $0x1B18;
	s6 =	sadd.s32 s6, s8;
	s8 =	sadd.s32 s24, s7;
	s29 =	scvt.s32.f32 s16;
	v0 =	vsel vm6, $0x40A00000, v0  }
0xd: {  	vm8 =	vcmask $0x1F1C;
	s17 =	sand.u32 $0x60, s16;
	s16 =	sor.u32 $0x10, s16;
	s1 =	sshll.u32 s1, $0x7;
	v0 =	vsel vm7, $0x40C00000, v0  }
0xe: {  	vm9 =	vcmask $0x2320;
	s0 =	simm.s32 $0x3;
	s9 =	smul.u32 $0xC400, s2;
	s2 =	simm.s32 $0x0;
	v0 =	vsel vm8, $0x40E00000, v0  }
0xf: {  	vm10 =	vcmask $0x2724;
	s5 =	ssub.s32 s5, s11;
	s11 =	sadd.s32 $0x180, s8;
	s12 =	sadd.s32 $0x200, s8;
	v0 =	vsel vm9, $0x41000000, v0  }
0x10: {  	vm11 =	vcmask $0x2B28;
	s13 =	sadd.s32 $0x280, s8;
	s14 =	sadd.s32 $0x300, s8;
	[smem:$0x7FF] =	sst s2;
	v0 =	vsel vm10, $0x41100000, v0  }
0x11: {  	vm12 =	vcmask $0x2F2C;
	s15 =	sadd.s32 $0x380, s8;
	_ =	strace $0x80000047;
	s9 =	sadd.s32 s10, s9;
	v0 =	vsel vm11, $0x41200000, v0  }
0x12: {  	vm13 =	vcmask $0x3330;
	s10 =	sadd.s32 s20, s4;
	[dreg:$0x8] =	wrdreg s6;
	s6 =	sand.u32 $0x100, s26;
	v0 =	vsel vm12, $0x41300000, v0  }
0x13: {  	vm14 =	vcmask $0x3734;
	s20 =	scvt.s32.f32 s16;
	s26 =	simm.s32 $0x3100;
	s9 =	sshrl.u32 s9, $0x3;
	v0 =	vsel vm13, $0x41400000, v0  }
0x14: {  	vm15 =	vcmask $0x3B38;
	s21 =	sadd.s32 $0x600, s10;
	s10 =	sand.u32 $0x380, s23;
	s6 =	sadd.s32 s6, s19;
	v0 =	vsel vm14, $0x41500000, v0  }
0x15: {  	s23 =	simm.s32 $0x400;
	s4 =	sadd.s32 s9, s4;
	s3 =	sadd.s32 s3, s9;
	v0 =	vsel vm15, $0x41600000, v0  }
0x16: {  	[dreg:$0x7] =	wrdreg s21;
	s6 =	sadd.s32 s17, s6;
	s17 =	sadd.s32 s1, s19;
	v1 =	vadd.f32 s29, v0;
	v0 =	vadd.f32 s20, v0  }
0x17: {  	s19 =	smax.u32 s5, $0x1;
	s21 =	simm.s32 $0x1;
	s9 =	sadd.s32 $0x188, s3  }
0x18: {  	s16 =	sadd.s32 s1, s6;
	[dreg:$0x6] =	wrdreg s9;
	s9 =	sand.u32 $0x800, s22;
	v0 =	vmul.f32 $3.921568860e-03, v0  }
0x19: {  	s18 =	sadd.s32 $0x2600, s4;
	s1 =	simm.s32 $0x4;
	s9 =	sadd.s32 s9, s7;
	v1 =	vmul.f32 $3.921568860e-03, v1  }
0x1a: {  	s22 =	simm.s32 $0x80;
	s25 =	sadd.s32 s10, s9;
	s9 =	sadd.s32 $0x80, s8;
	[tilespmem:$0x1FFF0] =	vst v0;
	v0 =	vlaneseq.u32  }
0x1b: {  	v2 =	vimm.f32 $0.0e+00;
	v4 =	vimm.f32 $1.000000000e+00;
	s10 =	sadd.s32 $0x100, s8;
	[dreg:$0x9] =	wrdreg s25;
	s25 =	simm.s32 $0x6B00;
	[tilespmem:$0x1FFE0] =	vst v1;
	v3 =	vmul.u32 $0x100, v0  }
.LBB2_1:
0x1c: {  	[tilespmem:s2], [sflag:$0x1] =	stream.linear.gather [hbm4b:s3+s2], $0xC40, $0x38;
	[tilespmem:$0x85A0] =	vst v63  }
0x1d: {  	s4 =	rddreg [dreg:$0x6];
	s5 =	simm.s32 $0xC40  }
0x1e: {  	[tilespmem:s5], [sflag:$0x2] =	stream.linear.gather [hbm4b:s4+s2], $0xC40, $0x38;
	[tilespmem:$0x85A0] =	vst v63  }
0x1f: {  	s4 =	simm.s32 $0x3140  }
0x20: {  	[tilespmem:s4+$0xFFFFFFC0] =	vst v2  }
0x21: {  	[tilespmem:s4+$0x30] =	vst v2  }
0x22: {  	[tilespmem:s4+$0x20] =	vst v2  }
0x23: {  	[tilespmem:s4+$0x10] =	vst v2  }
0x24: {  	[tilespmem:s4+$0x0] =	vst v2  }
0x25: {  	[tilespmem:s4+$0xFFFFFFF0] =	vst v2  }
0x26: {  	s5 =	simm.s32 $0x0;
	[tilespmem:s4+$0xFFFFFFE0] =	vst v2  }
.LBB2_2:
0x27: {  	s5 =	sadd.s32 $0x80, s5;
	[tilespmem:s4+$0xFFFFFFD0] =	vst v2;
	s4 =	sadd.s32 $0x80, s4  }
0x28: {  	[tilespmem:s4+$0xFFFFFFC0] =	vst v2;
	p0 =	slt.u32 s5, $0xF80  }
0x29: {  	[tilespmem:s4+$0x30] =	vst v2  }
.Ltmp0:
0x2a: {  	[tilespmem:s4+$0x20] =	vst v2;
	(pc) =	sbr.rel @p0 .LBB2_2-.Ltmp0, $4  }
0x2b: {  	[tilespmem:s4+$0x10] =	vst v2  }
0x2c: {  	[tilespmem:s4+$0x0] =	vst v2  }
0x2d: {  	[tilespmem:s4+$0xFFFFFFF0] =	vst v2  }
0x2e: {  	[tilespmem:s4+$0xFFFFFFE0] =	vst v2  }
0x2f: {  	[tilespmem:s4+$0xFFFFFFD0] =	vst v2  }
0x30: {  	_ =	swait.ge [sflag:s21], $0xC40  }
0x31: {  	[sflag:s21] =	ssyncset.done $0x0  }
0x32: {  	s5 =	simm.s32 $0x4A00;
	s24 =	rddreg [dreg:$0x7];
	[sflag:s21] =	ssyncadd.s32 $0xFFFFF3C0  }
0x33: {  	[tilespmem:s5], [sflag:$0x3] =	stream.strided.gather [hbm4b:s24+s22], $0x2000, s23, s22, $0x38;
	[tilespmem:$0x85A0] =	vst v63  }
0x34: {  	s7 =	simm.s32 $0x6A00;
	s20 =	simm.s32 $0x40;
	s6 =	rddreg [dreg:$0x8]  }
0x35: {  	[tilespmem:s7], [sflag:$0x4] =	stream.linear.gather [hbm4b:s6+s2], $0x20, $0x38;
	[tilespmem:$0x85A0] =	vst v63  }
0x36: {  	v0 =	vld [tilespmem:s20+$0x0]  }
0x37: {  	v1 =	vld [tilespmem:s20+$0x30]  }
0x38: {  	v5 =	vld [tilespmem:s20+$0xFFFFFFE0]  }
0x39: {  	v6 =	vld [tilespmem:s20+$0xFFFFFFF0]  }
0x3a: {  	v7 =	vld [tilespmem:s20+$0x20]  }
0x3b: {  	v8 =	vld [tilespmem:s20+$0xFFFFFFC0]  }
0x3c: {  	v9 =	vld [tilespmem:s20+$0xFFFFFFD0]  }
0x3d: {  	s24 =	simm.s32 $0xC0;
	v10 =	vld [tilespmem:s20+$0x10]  }
0x3e: {  	v11 =	vld [tilespmem:s24+$0x0]  }
0x3f: {  	v13 =	vld [tilespmem:s24+$0x30];
	v0 =	vmul.f32 $2.550000000e+02, v0  }
0x40: {  	v1 =	vmul.f32 $2.550000000e+02, v1;
	v5 =	vmul.f32 $2.550000000e+02, v5  }
0x41: {  	v6 =	vmul.f32 $2.550000000e+02, v6;
	v7 =	vmul.f32 $2.550000000e+02, v7  }
0x42: {  	v8 =	vmul.f32 $2.550000000e+02, v8;
	v9 =	vmul.f32 $2.550000000e+02, v9  }
0x43: {  	v10 =	vmul.f32 $2.550000000e+02, v10;
	v11 =	vmul.f32 $2.550000000e+02, v11  }
0x44: {  	v13 =	vmul.f32 $2.550000000e+02, v13;
	v0 =	vtrunc.f32 v0  }
0x45: {  	v1 =	vtrunc.f32 v1;
	v6 =	vtrunc.f32 v6  }
0x46: {  	v7 =	vtrunc.f32 v7;
	v8 =	vtrunc.f32 v8  }
0x47: {  	v9 =	vtrunc.f32 v9;
	v5 =	vtrunc.f32 v5  }
0x48: {  	v10 =	vtrunc.f32 v10;
	v11 =	vtrunc.f32 v11  }
0x49: {  	v0 =	vcvt.f32.s32 v0;
	v1 =	vcvt.f32.s32 v1  }
0x4a: {  	v8 =	vcvt.f32.s32 v8;
	v5 =	vcvt.f32.s32 v5  }
0x4b: {  	v6 =	vcvt.f32.s32 v6;
	v7 =	vcvt.f32.s32 v7  }
0x4c: {  	v10 =	vcvt.f32.s32 v10;
	vm0 =	vgt.s32 v0, $0x0;
	vm9 =	vgt.s32 v1, $0x0  }
0x4d: {  	vm1 =	vgt.s32 v8, $0x0;
	vm10 =	vgt.s32 v5, $0x0;
	vm11 =	vgt.s32 v6, $0x0  }
0x4e: {  	vm12 =	vgt.s32 v7, $0x0;
	vm13 =	vgt.s32 v10, $0x0;
	v0 =	vnsel vm0, $0x0, v0  }
0x4f: {  	s6 =	simm.s32 $0x18C0;
	v12 =	vld [tilespmem:s24+$0xFFFFFFE0];
	v1 =	vnsel vm9, $0x0, v1;
	v8 =	vnsel vm1, $0x0, v8;
	v0 =	vmin.u32 v0, $0xFF  }
0x50: {  	v16 =	vld [tilespmem:s24+$0x20];
	v5 =	vnsel vm10, $0x0, v5;
	v1 =	vmin.u32 v1, $0xFF;
	v8 =	vmin.u32 v8, $0xFF;
	[tilespmem:s6+$0x0] =	vst v0  }
0x51: {  	v14 =	vor.u32 v3, v0;
	v0 =	vmin.u32 v5, $0xFF;
	v5 =	vnsel vm11, $0x0, v6;
	v6 =	vld [tilespmem:s24+$0xFFFFFFF0];
	[tilespmem:s6+$0x30] =	vst v1  }
0x52: {  	v7 =	vnsel vm12, $0x0, v7;
	[tilespmem:s6+$0xFFFFFFC0] =	vst v8;
	v17 =	vor.u32 v3, v8;
	v8 =	vnsel vm13, $0x0, v10;
	v10 =	vld [tilespmem:s24+$0xFFFFFFD0]  }
0x53: {  	v11 =	vcvt.f32.s32 v11;
	v7 =	vmin.u32 v7, $0xFF;
	v15 =	vor.u32 v3, v0;
	[tilespmem:s6+$0xFFFFFFE0] =	vst v0;
	v0 =	vld [tilespmem:s24+$0xFFFFFFC0]  }
0x54: {  	[tilespmem:s6+$0x20] =	vst v7;
	v18 =	vor.u32 v3, v7;
	v7 =	vtrunc.f32 v13;
	v13 =	vmin.u32 v5, $0xFF  }
0x55: {  	v12 =	vmul.f32 $2.550000000e+02, v12;
	v9 =	vcvt.f32.s32 v9;
	v19 =	vmin.u32 v8, $0xFF;
	[tilespmem:s6+$0xFFFFFFF0] =	vst v13  }
0x56: {  	vm14 =	vgt.s32 v11, $0x0;
	v20 =	vor.u32 v3, v19;
	[tilespmem:s6+$0x10] =	vst v19;
	v5 =	vmul.f32 $2.550000000e+02, v6;
	v6 =	vld [tilespmem:s24+$0x10]  }
0x57: {  	[tilespmem:v14+s26+$0x0] =	vst.idx.add.f32.msk $0xffff, v4;
	v14 =	vor.u32 v3, v1;
	v1 =	vcvt.f32.s32 v7;
	v7 =	vmul.f32 $2.550000000e+02, v16  }
0x58: {  	vm15 =	vgt.s32 v9, $0x0;
	[tilespmem:v17+s26+$0x0] =	vst.idx.add.f32.msk $0xffff, v4;
	v10 =	vmul.f32 $2.550000000e+02, v10;
	v0 =	vmul.f32 $2.550000000e+02, v0  }
0x59: {  	[tilespmem:v18+s26+$0x0] =	vst.idx.add.f32.msk $0xffff, v4;
	v8 =	vtrunc.f32 v5;
	v5 =	vnsel vm14, $0x0, v11;
	v7 =	vtrunc.f32 v7  }
0x5a: {  	[tilespmem:v15+s26+$0x0] =	vst.idx.add.f32.msk $0xffff, v4;
	v11 =	vtrunc.f32 v12;
	v5 =	vmin.u32 v5, $0xFF;
	v15 =	vtrunc.f32 v0  }
0x5b: {  	[tilespmem:v20+s26+$0x0] =	vst.idx.add.f32.msk $0xffff, v4;
	v0 =	vtrunc.f32 v10;
	v10 =	vmul.f32 $2.550000000e+02, v6;
	v6 =	vnsel vm15, $0x0, v9  }
0x5c: {  	s4 =	simm.s32 $0x80;
	s29 =	simm.s32 $0x1940;
	s5 =	simm.s32 $0x140;
	v0 =	vcvt.f32.s32 v0;
	v12 =	vcvt.f32.s32 v15;
	[tilespmem:v14+s26+$0x0] =	vst.idx.add.f32.msk $0xffff, v4;
	v63 =	vmin.u32 v6, $0xFF  }
0x5d: {  	s20 =	simm.s32 $0x2480;
	s24 =	simm.s32 $0xC00;
	v6 =	vor.u32 v3, v13;
	v9 =	vtrunc.f32 v10;
	[tilespmem:s6+$0xFFFFFFD0] =	vst v63;
	v10 =	vor.u32 v3, v63;
	s6 =	simm.s32 $0x1940  }
.LBB2_4:
0x5e: {  	v13 =	vld [tilespmem:s5+$0x0];
	s4 =	sadd.s32 $0x80, s4;
	v11 =	vcvt.f32.s32 v11;
	v8 =	vcvt.f32.s32 v8;
	[tilespmem:s29+$0x0] =	vst v5;
	vm0 =	vgt.s32 v1, $0x0;
	s6 =	sadd.s32 $0x80, s6  }
0x5f: {  	v7 =	vcvt.f32.s32 v7;
	s7 =	smov.u32 s29;
	v14 =	vld [tilespmem:s5+$0xFFFFFFE0];
	p0 =	slt.u32 s4, $0xB80;
	vm1 =	vgt.s32 v12, $0x0;
	v1 =	vnsel vm0, $0x0, v1;
	s29 =	smov.u32 s6  }
0x60: {  	v15 =	vld [tilespmem:s5+$0x30];
	v12 =	vnsel vm1, $0x0, v12;
	vm0 =	vgt.s32 v11, $0x0;
	v1 =	vmin.u32 v1, $0xFF  }
0x61: {  	v5 =	vor.u32 v3, v5;
	v9 =	vcvt.f32.s32 v9;
	v16 =	vld [tilespmem:s5+$0xFFFFFFF0];
	v12 =	vmin.u32 v12, $0xFF;
	[tilespmem:s7+$0x30] =	vst v1  }
0x62: {  	vm1 =	vgt.s32 v7, $0x0;
	v11 =	vnsel vm0, $0x0, v11;
	vm0 =	vgt.s32 v8, $0x0;
	[tilespmem:v10+s26+$0x0] =	vst.idx.add.f32.msk $0xffff, v4  }
0x63: {  	v10 =	vmin.u32 v11, $0xFF;
	v8 =	vnsel vm0, $0x0, v8;
	vm0 =	vgt.s32 v9, $0x0;
	[tilespmem:s7+$0xFFFFFFC0] =	vst v12  }
0x64: {  	v7 =	vnsel vm1, $0x0, v7;
	v11 =	vmul.f32 $2.550000000e+02, v13;
	v13 =	vor.u32 v3, v10;
	[tilespmem:v6+s26+$0x0] =	vst.idx.add.f32.msk $0xffff, v4  }
0x65: {  	v9 =	vnsel vm0, $0x0, v9;
	v6 =	vmul.f32 $2.550000000e+02, v14;
	v14 =	vld [tilespmem:s5+$0x20];
	v15 =	vmul.f32 $2.550000000e+02, v15;
	[tilespmem:s7+$0xFFFFFFE0] =	vst v10  }
0x66: {  	v7 =	vmin.u32 v7, $0xFF;
	v12 =	vor.u32 v3, v12;
	v11 =	vtrunc.f32 v11;
	v10 =	vld [tilespmem:s5+$0xFFFFFFC0]  }
0x67: {  	v18 =	vor.u32 v3, v7;
	v9 =	vmin.u32 v9, $0xFF;
	v11 =	vcvt.f32.s32 v11;
	v17 =	vld [tilespmem:s5+$0xFFFFFFD0];
	[tilespmem:s7+$0x20] =	vst v7  }
0x68: {  	v19 =	vor.u32 v3, v1;
	v7 =	vtrunc.f32 v15;
	v15 =	vmin.u32 v8, $0xFF;
	[tilespmem:v5+s26+$0x0] =	vst.idx.add.f32.msk $0xffff, v4  }
0x69: {  	v20 =	vor.u32 v3, v9;
	v5 =	vmul.f32 $2.550000000e+02, v16;
	v1 =	vcvt.f32.s32 v7;
	v16 =	vld [tilespmem:s5+$0x10];
	[tilespmem:s7+$0xFFFFFFF0] =	vst v15  }
0x6a: {  	vm0 =	vgt.s32 v11, $0x0;
	v7 =	vmul.f32 $2.550000000e+02, v14;
	[tilespmem:v13+s26+$0x0] =	vst.idx.add.f32.msk $0xffff, v4  }
0x6b: {  	v8 =	vtrunc.f32 v5;
	v5 =	vnsel vm0, $0x0, v11;
	v10 =	vmul.f32 $2.550000000e+02, v10;
	[tilespmem:v12+s26+$0x0] =	vst.idx.add.f32.msk $0xffff, v4  }
.Ltmp1:
0x6c: {  	v5 =	vmin.u32 v5, $0xFF;
	v12 =	vmul.f32 $2.550000000e+02, v17;
	v7 =	vtrunc.f32 v7;
	[tilespmem:v18+s26+$0x0] =	vst.idx.add.f32.msk $0xffff, v4;
	(pc) =	sbr.rel @p0 .LBB2_4-.Ltmp1, $4  }
0x6d: {  	v11 =	vtrunc.f32 v6;
	vm0 =	vgt.s32 v0, $0x0;
	v10 =	vtrunc.f32 v10;
	[tilespmem:s7+$0x10] =	vst v9  }
0x6e: {  	v6 =	vtrunc.f32 v12;
	v9 =	vmul.f32 $2.550000000e+02, v16;
	v12 =	vnsel vm0, $0x0, v0;
	[tilespmem:v20+s26+$0x0] =	vst.idx.add.f32.msk $0xffff, v4  }
0x6f: {  	v0 =	vcvt.f32.s32 v6;
	v13 =	vmin.u32 v12, $0xFF;
	v6 =	vor.u32 v3, v15;
	[tilespmem:v19+s26+$0x0] =	vst.idx.add.f32.msk $0xffff, v4  }
0x70: {  	s5 =	sadd.s32 $0x80, s5;
	v12 =	vcvt.f32.s32 v10;
	v9 =	vtrunc.f32 v9;
	[tilespmem:s7+$0xFFFFFFD0] =	vst v13;
	v10 =	vor.u32 v3, v13  }
0x71: {  	_ =	sdelay $0x1  }
0x72: {  	v11 =	vcvt.f32.s32 v11  }
0x73: {  	vm0 =	vgt.s32 v1, $0x0;
	v8 =	vcvt.f32.s32 v8;
	[tilespmem:s29+$0x0] =	vst v5;
	v7 =	vcvt.f32.s32 v7  }
0x74: {  	v5 =	vor.u32 v3, v5;
	[tilespmem:v10+s26+$0x0] =	vst.idx.add.f32.msk $0xffff, v4;
	vm15 =	vgt.s32 v0, $0x0;
	v1 =	vnsel vm0, $0x0, v1  }
0x75: {  	[tilespmem:v6+s26+$0x0] =	vst.idx.add.f32.msk $0xffff, v4;
	vm11 =	vgt.s32 v12, $0x0;
	v0 =	vnsel vm15, $0x0, v0;
	v1 =	vmin.u32 v1, $0xFF  }
0x76: {  	v12 =	vnsel vm11, $0x0, v12;
	vm12 =	vgt.s32 v11, $0x0;
	v0 =	vmin.u32 v0, $0xFF;
	[tilespmem:s29+$0x30] =	vst v1  }
0x77: {  	vm13 =	vgt.s32 v7, $0x0;
	v12 =	vmin.u32 v12, $0xFF;
	v11 =	vnsel vm12, $0x0, v11;
	[tilespmem:s29+$0xFFFFFFD0] =	vst v0  }
0x78: {  	v9 =	vcvt.f32.s32 v9;
	v7 =	vnsel vm13, $0x0, v7;
	[tilespmem:s29+$0xFFFFFFC0] =	vst v12;
	v63 =	vmin.u32 v11, $0xFF  }
0x79: {  	vm1 =	vgt.s32 v8, $0x0;
	v6 =	vor.u32 v3, v12;
	v7 =	vmin.u32 v7, $0xFF;
	[tilespmem:s29+$0xFFFFFFE0] =	vst v63  }
0x7a: {  	vm14 =	vgt.s32 v9, $0x0;
	v8 =	vnsel vm1, $0x0, v8;
	[tilespmem:s29+$0x20] =	vst v7;
	v7 =	vor.u32 v3, v7  }
0x7b: {  	v9 =	vnsel vm14, $0x0, v9;
	v1 =	vor.u32 v3, v1;
	v8 =	vmin.u32 v8, $0xFF;
	[tilespmem:v5+s26+$0x0] =	vst.idx.add.f32.msk $0xffff, v4  }
0x7c: {  	v9 =	vmin.u32 v9, $0xFF;
	v11 =	vor.u32 v3, v63;
	[tilespmem:s29+$0xFFFFFFF0] =	vst v8  }
0x7d: {  	v5 =	vor.u32 v3, v9;
	[tilespmem:s29+$0x10] =	vst v9  }
0x7e: {  	[tilespmem:v6+s26+$0x0] =	vst.idx.add.f32.msk $0xffff, v4;
	v6 =	vor.u32 v3, v0  }
0x7f: {  	[tilespmem:v7+s26+$0x0] =	vst.idx.add.f32.msk $0xffff, v4;
	v7 =	vor.u32 v3, v8  }
0x80: {  	[tilespmem:v1+s26+$0x0] =	vst.idx.add.f32.msk $0xffff, v4  }
0x81: {  	[tilespmem:v11+s26+$0x0] =	vst.idx.add.f32.msk $0xffff, v4  }
0x82: {  	[tilespmem:v5+s26+$0x0] =	vst.idx.add.f32.msk $0xffff, v4  }
0x83: {  	[tilespmem:v6+s26+$0x0] =	vst.idx.add.f32.msk $0xffff, v4  }
0x84: {  	s4 =	simm.s32 $0xBF0;
	[tilespmem:v7+s26+$0x0] =	vst.idx.add.f32.msk $0xffff, v4  }
.LBB2_6:
0x85: {  	v0 =	vld [tilespmem:s24+$0x0];
	_ =	sdelay $0x4  }
0x86: {  	v0 =	vmul.f32 $2.550000000e+02, v0;
	_ =	sdelay $0x1  }
0x87: {  	v0 =	vtrunc.f32 v0  }
0x88: {  	v0 =	vcvt.f32.s32 v0;
	_ =	sdelay $0x1  }
0x89: {  	vm0 =	vgt.s32 v0, $0x0  }
0x8a: {  	v0 =	vnsel vm0, $0x0, v0  }
0x8b: {  	s4 =	sadd.s32 $0x10, s4;
	v0 =	vmin.u32 v0, $0xFF  }
0x8c: {  	p0 =	slt.u32 s4, $0xC30;
	v1 =	vor.u32 v3, v0  }
.Ltmp2:
0x8d: {  	_ = 	snop;
	(pc) =	sbr.rel @p0 .LBB2_6-.Ltmp2, $3  }
0x8e: {  	_ =	sdelay $0x1  }
0x8f: {  	[tilespmem:s20+$0x0] =	vst v0  }
0x90: {  	s24 =	sadd.s32 $0x10, s24;
	s20 =	sadd.s32 $0x10, s20;
	[tilespmem:v1+s26+$0x0] =	vst.idx.add.f32.msk $0xffff, v4  }
0x91: {  	_ =	swait.ge [sflag:s28], $0xC40  }
0x92: {  	[sflag:s28] =	ssyncset.done $0x0  }
0x93: {  	s4 =	simm.s32 $0xCB0;
	[sflag:s28] =	ssyncadd.s32 $0xFFFFF3C0  }
0x94: {  	v0 =	vld [tilespmem:s4+$0xFFFFFFD0]  }
0x95: {  	v1 =	vld [tilespmem:s4+$0x0]  }
0x96: {  	v5 =	vld [tilespmem:s4+$0xFFFFFFB0]  }
0x97: {  	v6 =	vld [tilespmem:s4+$0xFFFFFFC0]  }
0x98: {  	v7 =	vld [tilespmem:s4+$0xFFFFFFF0]  }
0x99: {  	v8 =	vld [tilespmem:s4+$0xFFFFFF90]  }
0x9a: {  	v9 =	vld [tilespmem:s4+$0xFFFFFFA0]  }
0x9b: {  	s24 =	simm.s32 $0xD30;
	v10 =	vld [tilespmem:s4+$0xFFFFFFE0]  }
0x9c: {  	v11 =	vld [tilespmem:s24+$0xFFFFFFD0]  }
0x9d: {  	v13 =	vld [tilespmem:s24+$0x0];
	v0 =	vmul.f32 $2.550000000e+02, v0  }
0x9e: {  	v1 =	vmul.f32 $2.550000000e+02, v1;
	v5 =	vmul.f32 $2.550000000e+02, v5  }
0x9f: {  	v6 =	vmul.f32 $2.550000000e+02, v6;
	v7 =	vmul.f32 $2.550000000e+02, v7  }
0xa0: {  	v8 =	vmul.f32 $2.550000000e+02, v8;
	v9 =	vmul.f32 $2.550000000e+02, v9  }
0xa1: {  	v10 =	vmul.f32 $2.550000000e+02, v10;
	v11 =	vmul.f32 $2.550000000e+02, v11  }
0xa2: {  	v13 =	vmul.f32 $2.550000000e+02, v13;
	v0 =	vtrunc.f32 v0  }
0xa3: {  	v1 =	vtrunc.f32 v1;
	v6 =	vtrunc.f32 v6  }
0xa4: {  	v7 =	vtrunc.f32 v7;
	v8 =	vtrunc.f32 v8  }
0xa5: {  	v9 =	vtrunc.f32 v9;
	v5 =	vtrunc.f32 v5  }
0xa6: {  	v10 =	vtrunc.f32 v10;
	v11 =	vtrunc.f32 v11  }
0xa7: {  	v0 =	vcvt.f32.s32 v0;
	v1 =	vcvt.f32.s32 v1  }
0xa8: {  	v8 =	vcvt.f32.s32 v8;
	v5 =	vcvt.f32.s32 v5  }
0xa9: {  	v6 =	vcvt.f32.s32 v6;
	v7 =	vcvt.f32.s32 v7  }
0xaa: {  	v10 =	vcvt.f32.s32 v10;
	vm0 =	vgt.s32 v0, $0x0;
	vm9 =	vgt.s32 v1, $0x0  }
0xab: {  	vm1 =	vgt.s32 v8, $0x0;
	vm10 =	vgt.s32 v5, $0x0;
	vm11 =	vgt.s32 v6, $0x0  }
0xac: {  	vm12 =	vgt.s32 v7, $0x0;
	vm13 =	vgt.s32 v10, $0x0;
	v0 =	vnsel vm0, $0x0, v0  }
0xad: {  	s6 =	simm.s32 $0x2530;
	v12 =	vld [tilespmem:s24+$0xFFFFFFB0];
	v1 =	vnsel vm9, $0x0, v1;
	v8 =	vnsel vm1, $0x0, v8;
	v0 =	vmin.u32 v0, $0xFF  }
0xae: {  	v16 =	vld [tilespmem:s24+$0xFFFFFFF0];
	v5 =	vnsel vm10, $0x0, v5;
	v1 =	vmin.u32 v1, $0xFF;
	v8 =	vmin.u32 v8, $0xFF;
	[tilespmem:s6+$0xFFFFFFD0] =	vst v0  }
0xaf: {  	v14 =	vor.u32 v3, v0;
	v0 =	vmin.u32 v5, $0xFF;
	v5 =	vnsel vm11, $0x0, v6;
	v6 =	vld [tilespmem:s24+$0xFFFFFFC0];
	[tilespmem:s6+$0x0] =	vst v1  }
0xb0: {  	v7 =	vnsel vm12, $0x0, v7;
	[tilespmem:s6+$0xFFFFFF90] =	vst v8;
	v17 =	vor.u32 v3, v8;
	v8 =	vnsel vm13, $0x0, v10;
	v10 =	vld [tilespmem:s24+$0xFFFFFFA0]  }
0xb1: {  	v11 =	vcvt.f32.s32 v11;
	v7 =	vmin.u32 v7, $0xFF;
	v15 =	vor.u32 v3, v0;
	[tilespmem:s6+$0xFFFFFFB0] =	vst v0;
	v0 =	vld [tilespmem:s24+$0xFFFFFF90]  }
0xb2: {  	[tilespmem:s6+$0xFFFFFFF0] =	vst v7;
	v18 =	vor.u32 v3, v7;
	v7 =	vtrunc.f32 v13;
	v13 =	vmin.u32 v5, $0xFF  }
0xb3: {  	v12 =	vmul.f32 $2.550000000e+02, v12;
	v9 =	vcvt.f32.s32 v9;
	v19 =	vmin.u32 v8, $0xFF;
	[tilespmem:s6+$0xFFFFFFC0] =	vst v13  }
0xb4: {  	vm14 =	vgt.s32 v11, $0x0;
	v20 =	vor.u32 v3, v19;
	[tilespmem:s6+$0xFFFFFFE0] =	vst v19;
	v5 =	vmul.f32 $2.550000000e+02, v6;
	v6 =	vld [tilespmem:s24+$0xFFFFFFE0]  }
0xb5: {  	[tilespmem:v14+s26+$0x0] =	vst.idx.add.f32.msk $0xffff, v4;
	v14 =	vor.u32 v3, v1;
	v1 =	vcvt.f32.s32 v7;
	v7 =	vmul.f32 $2.550000000e+02, v16  }
0xb6: {  	vm15 =	vgt.s32 v9, $0x0;
	[tilespmem:v17+s26+$0x0] =	vst.idx.add.f32.msk $0xffff, v4;
	v10 =	vmul.f32 $2.550000000e+02, v10;
	v0 =	vmul.f32 $2.550000000e+02, v0  }
0xb7: {  	[tilespmem:v18+s26+$0x0] =	vst.idx.add.f32.msk $0xffff, v4;
	v8 =	vtrunc.f32 v5;
	v5 =	vnsel vm14, $0x0, v11;
	v7 =	vtrunc.f32 v7  }
0xb8: {  	[tilespmem:v15+s26+$0x0] =	vst.idx.add.f32.msk $0xffff, v4;
	v11 =	vtrunc.f32 v12;
	v5 =	vmin.u32 v5, $0xFF;
	v15 =	vtrunc.f32 v0  }
0xb9: {  	[tilespmem:v20+s26+$0x0] =	vst.idx.add.f32.msk $0xffff, v4;
	v0 =	vtrunc.f32 v10;
	v10 =	vmul.f32 $2.550000000e+02, v6;
	v6 =	vnsel vm15, $0x0, v9  }
0xba: {  	s20 =	simm.s32 $0x30C0;
	s29 =	simm.s32 $0x25B0;
	s5 =	simm.s32 $0xDB0;
	v0 =	vcvt.f32.s32 v0;
	v12 =	vcvt.f32.s32 v15;
	[tilespmem:v14+s26+$0x0] =	vst.idx.add.f32.msk $0xffff, v4;
	v63 =	vmin.u32 v6, $0xFF  }
0xbb: {  	s4 =	simm.s32 $0xCC0;
	s24 =	simm.s32 $0x1840;
	v6 =	vor.u32 v3, v13;
	v9 =	vtrunc.f32 v10;
	[tilespmem:s6+$0xFFFFFFA0] =	vst v63;
	v10 =	vor.u32 v3, v63;
	s6 =	simm.s32 $0x25B0  }
.LBB2_8:
0xbc: {  	v13 =	vld [tilespmem:s5+$0xFFFFFFD0];
	s4 =	sadd.s32 $0x80, s4;
	v11 =	vcvt.f32.s32 v11;
	v8 =	vcvt.f32.s32 v8;
	[tilespmem:s29+$0xFFFFFFD0] =	vst v5;
	vm0 =	vgt.s32 v1, $0x0;
	s6 =	sadd.s32 $0x80, s6  }
0xbd: {  	v7 =	vcvt.f32.s32 v7;
	s7 =	smov.u32 s29;
	v14 =	vld [tilespmem:s5+$0xFFFFFFB0];
	p0 =	slt.u32 s4, $0x17C0;
	vm1 =	vgt.s32 v12, $0x0;
	v1 =	vnsel vm0, $0x0, v1;
	s29 =	smov.u32 s6  }
0xbe: {  	v15 =	vld [tilespmem:s5+$0x0];
	v12 =	vnsel vm1, $0x0, v12;
	vm0 =	vgt.s32 v11, $0x0;
	v1 =	vmin.u32 v1, $0xFF  }
0xbf: {  	v5 =	vor.u32 v3, v5;
	v9 =	vcvt.f32.s32 v9;
	v16 =	vld [tilespmem:s5+$0xFFFFFFC0];
	v12 =	vmin.u32 v12, $0xFF;
	[tilespmem:s7+$0x0] =	vst v1  }
0xc0: {  	vm1 =	vgt.s32 v7, $0x0;
	v11 =	vnsel vm0, $0x0, v11;
	vm0 =	vgt.s32 v8, $0x0;
	[tilespmem:v10+s26+$0x0] =	vst.idx.add.f32.msk $0xffff, v4  }
0xc1: {  	v10 =	vmin.u32 v11, $0xFF;
	v8 =	vnsel vm0, $0x0, v8;
	vm0 =	vgt.s32 v9, $0x0;
	[tilespmem:s7+$0xFFFFFF90] =	vst v12  }
0xc2: {  	v7 =	vnsel vm1, $0x0, v7;
	v11 =	vmul.f32 $2.550000000e+02, v13;
	v13 =	vor.u32 v3, v10;
	[tilespmem:v6+s26+$0x0] =	vst.idx.add.f32.msk $0xffff, v4  }
0xc3: {  	v9 =	vnsel vm0, $0x0, v9;
	v6 =	vmul.f32 $2.550000000e+02, v14;
	v14 =	vld [tilespmem:s5+$0xFFFFFFF0];
	v15 =	vmul.f32 $2.550000000e+02, v15;
	[tilespmem:s7+$0xFFFFFFB0] =	vst v10  }
0xc4: {  	v7 =	vmin.u32 v7, $0xFF;
	v12 =	vor.u32 v3, v12;
	v11 =	vtrunc.f32 v11;
	v10 =	vld [tilespmem:s5+$0xFFFFFF90]  }
0xc5: {  	v18 =	vor.u32 v3, v7;
	v9 =	vmin.u32 v9, $0xFF;
	v11 =	vcvt.f32.s32 v11;
	v17 =	vld [tilespmem:s5+$0xFFFFFFA0];
	[tilespmem:s7+$0xFFFFFFF0] =	vst v7  }
0xc6: {  	v19 =	vor.u32 v3, v1;
	v7 =	vtrunc.f32 v15;
	v15 =	vmin.u32 v8, $0xFF;
	[tilespmem:v5+s26+$0x0] =	vst.idx.add.f32.msk $0xffff, v4  }
0xc7: {  	v20 =	vor.u32 v3, v9;
	v5 =	vmul.f32 $2.550000000e+02, v16;
	v1 =	vcvt.f32.s32 v7;
	v16 =	vld [tilespmem:s5+$0xFFFFFFE0];
	[tilespmem:s7+$0xFFFFFFC0] =	vst v15  }
0xc8: {  	vm0 =	vgt.s32 v11, $0x0;
	v7 =	vmul.f32 $2.550000000e+02, v14;
	[tilespmem:v13+s26+$0x0] =	vst.idx.add.f32.msk $0xffff, v4  }
0xc9: {  	v8 =	vtrunc.f32 v5;
	v5 =	vnsel vm0, $0x0, v11;
	v10 =	vmul.f32 $2.550000000e+02, v10;
	[tilespmem:v12+s26+$0x0] =	vst.idx.add.f32.msk $0xffff, v4  }
.Ltmp3:
0xca: {  	v5 =	vmin.u32 v5, $0xFF;
	v12 =	vmul.f32 $2.550000000e+02, v17;
	v7 =	vtrunc.f32 v7;
	[tilespmem:v18+s26+$0x0] =	vst.idx.add.f32.msk $0xffff, v4;
	(pc) =	sbr.rel @p0 .LBB2_8-.Ltmp3, $4  }
0xcb: {  	v11 =	vtrunc.f32 v6;
	vm0 =	vgt.s32 v0, $0x0;
	v10 =	vtrunc.f32 v10;
	[tilespmem:s7+$0xFFFFFFE0] =	vst v9  }
0xcc: {  	v6 =	vtrunc.f32 v12;
	v9 =	vmul.f32 $2.550000000e+02, v16;
	v12 =	vnsel vm0, $0x0, v0;
	[tilespmem:v20+s26+$0x0] =	vst.idx.add.f32.msk $0xffff, v4  }
0xcd: {  	v0 =	vcvt.f32.s32 v6;
	v13 =	vmin.u32 v12, $0xFF;
	v6 =	vor.u32 v3, v15;
	[tilespmem:v19+s26+$0x0] =	vst.idx.add.f32.msk $0xffff, v4  }
0xce: {  	s5 =	sadd.s32 $0x80, s5;
	v12 =	vcvt.f32.s32 v10;
	v9 =	vtrunc.f32 v9;
	[tilespmem:s7+$0xFFFFFFA0] =	vst v13;
	v10 =	vor.u32 v3, v13  }
0xcf: {  	_ =	sdelay $0x1  }
0xd0: {  	v11 =	vcvt.f32.s32 v11  }
0xd1: {  	vm0 =	vgt.s32 v1, $0x0;
	v8 =	vcvt.f32.s32 v8;
	[tilespmem:s29+$0xFFFFFFD0] =	vst v5;
	v7 =	vcvt.f32.s32 v7  }
0xd2: {  	v5 =	vor.u32 v3, v5;
	[tilespmem:v10+s26+$0x0] =	vst.idx.add.f32.msk $0xffff, v4;
	vm15 =	vgt.s32 v0, $0x0;
	v1 =	vnsel vm0, $0x0, v1  }
0xd3: {  	[tilespmem:v6+s26+$0x0] =	vst.idx.add.f32.msk $0xffff, v4;
	vm11 =	vgt.s32 v12, $0x0;
	v0 =	vnsel vm15, $0x0, v0;
	v1 =	vmin.u32 v1, $0xFF  }
0xd4: {  	v12 =	vnsel vm11, $0x0, v12;
	vm12 =	vgt.s32 v11, $0x0;
	v0 =	vmin.u32 v0, $0xFF;
	[tilespmem:s29+$0x0] =	vst v1  }
0xd5: {  	vm13 =	vgt.s32 v7, $0x0;
	v12 =	vmin.u32 v12, $0xFF;
	v11 =	vnsel vm12, $0x0, v11;
	[tilespmem:s29+$0xFFFFFFA0] =	vst v0  }
0xd6: {  	v9 =	vcvt.f32.s32 v9;
	v7 =	vnsel vm13, $0x0, v7;
	[tilespmem:s29+$0xFFFFFF90] =	vst v12;
	v63 =	vmin.u32 v11, $0xFF  }
0xd7: {  	vm1 =	vgt.s32 v8, $0x0;
	v6 =	vor.u32 v3, v12;
	v7 =	vmin.u32 v7, $0xFF;
	[tilespmem:s29+$0xFFFFFFB0] =	vst v63  }
0xd8: {  	vm14 =	vgt.s32 v9, $0x0;
	v8 =	vnsel vm1, $0x0, v8;
	[tilespmem:s29+$0xFFFFFFF0] =	vst v7;
	v7 =	vor.u32 v3, v7  }
0xd9: {  	v9 =	vnsel vm14, $0x0, v9;
	v1 =	vor.u32 v3, v1;
	v8 =	vmin.u32 v8, $0xFF;
	[tilespmem:v5+s26+$0x0] =	vst.idx.add.f32.msk $0xffff, v4  }
0xda: {  	v9 =	vmin.u32 v9, $0xFF;
	v11 =	vor.u32 v3, v63;
	[tilespmem:s29+$0xFFFFFFC0] =	vst v8  }
0xdb: {  	v5 =	vor.u32 v3, v9;
	[tilespmem:s29+$0xFFFFFFE0] =	vst v9  }
0xdc: {  	[tilespmem:v6+s26+$0x0] =	vst.idx.add.f32.msk $0xffff, v4;
	v6 =	vor.u32 v3, v0  }
0xdd: {  	[tilespmem:v7+s26+$0x0] =	vst.idx.add.f32.msk $0xffff, v4;
	v7 =	vor.u32 v3, v8  }
0xde: {  	[tilespmem:v1+s26+$0x0] =	vst.idx.add.f32.msk $0xffff, v4  }
0xdf: {  	[tilespmem:v11+s26+$0x0] =	vst.idx.add.f32.msk $0xffff, v4  }
0xe0: {  	[tilespmem:v5+s26+$0x0] =	vst.idx.add.f32.msk $0xffff, v4  }
0xe1: {  	[tilespmem:v6+s26+$0x0] =	vst.idx.add.f32.msk $0xffff, v4  }
0xe2: {  	s4 =	simm.s32 $0x1830;
	[tilespmem:v7+s26+$0x0] =	vst.idx.add.f32.msk $0xffff, v4  }
.LBB2_10:
0xe3: {  	v0 =	vld [tilespmem:s24+$0x0];
	_ =	sdelay $0x4  }
0xe4: {  	v0 =	vmul.f32 $2.550000000e+02, v0;
	_ =	sdelay $0x1  }
0xe5: {  	v0 =	vtrunc.f32 v0  }
0xe6: {  	v0 =	vcvt.f32.s32 v0;
	_ =	sdelay $0x1  }
0xe7: {  	vm0 =	vgt.s32 v0, $0x0  }
0xe8: {  	v0 =	vnsel vm0, $0x0, v0  }
0xe9: {  	s4 =	sadd.s32 $0x10, s4;
	v0 =	vmin.u32 v0, $0xFF  }
0xea: {  	p0 =	slt.u32 s4, $0x1870;
	v1 =	vor.u32 v3, v0  }
.Ltmp4:
0xeb: {  	_ = 	snop;
	(pc) =	sbr.rel @p0 .LBB2_10-.Ltmp4, $3  }
0xec: {  	_ =	sdelay $0x1  }
0xed: {  	[tilespmem:s20+$0x0] =	vst v0  }
0xee: {  	s24 =	sadd.s32 $0x10, s24;
	s20 =	sadd.s32 $0x10, s20;
	[tilespmem:v1+s26+$0x0] =	vst.idx.add.f32.msk $0xffff, v4  }
0xef: {  	v32 =	vld [tilespmem:$0x3100]  }
0xf0: {  	v31 =	vld [tilespmem:$0x3200]  }
0xf1: {  	v0 =	vld [tilespmem:$0x3800]  }
0xf2: {  	v34 =	vld [tilespmem:$0x3300]  }
0xf3: {  	v40 =	vld [tilespmem:$0x3400]  }
0xf4: {  	v48 =	vld [tilespmem:$0x3500]  }
0xf5: {  	v55 =	vld [tilespmem:$0x3600]  }
0xf6: {  	[tilespmem:$0x1F970] =	vst v0;
	v0 =	vld [tilespmem:$0x3900]  }
0xf7: {  	v63 =	vld [tilespmem:$0x3700]  }
0xf8: {  	v17 =	vld [tilespmem:$0x3110]  }
0xf9: {  	v14 =	vld [tilespmem:$0x3210]  }
0xfa: {  	v19 =	vld [tilespmem:$0x3310]  }
0xfb: {  	[tilespmem:$0x1F980] =	vst v0;
	v0 =	vld [tilespmem:$0x3A00]  }
0xfc: {  	v23 =	vld [tilespmem:$0x3410]  }
0xfd: {  	v28 =	vld [tilespmem:$0x3510]  }
0xfe: {  	v43 =	vld [tilespmem:$0x3610]  }
0xff: {  	v51 =	vld [tilespmem:$0x3710]  }
0x100: {  	[tilespmem:$0x1F990] =	vst v0;
	v0 =	vld [tilespmem:$0x3B00]  }
0x101: {  	v57 =	vld [tilespmem:$0x3810]  }
0x102: {  	v58 =	vld [tilespmem:$0x3910]  }
0x103: {  	v8 =	vld [tilespmem:$0x3120]  }
0x104: {  	v7 =	vld [tilespmem:$0x3220]  }
0x105: {  	[tilespmem:$0x1F9B0] =	vst v0;
	v0 =	vld [tilespmem:$0x3C00]  }
0x106: {  	v10 =	vld [tilespmem:$0x3320]  }
0x107: {  	v12 =	vld [tilespmem:$0x3420]  }
0x108: {  	v18 =	vld [tilespmem:$0x3520]  }
0x109: {  	v22 =	vld [tilespmem:$0x3620]  }
0x10a: {  	[tilespmem:$0x1F9D0] =	vst v0;
	v0 =	vld [tilespmem:$0x3D00]  }
0x10b: {  	v26 =	vld [tilespmem:$0x3720]  }
0x10c: {  	v35 =	vld [tilespmem:$0x3820]  }
0x10d: {  	v38 =	vld [tilespmem:$0x3920]  }
0x10e: {  	v44 =	vld [tilespmem:$0x3A20]  }
0x10f: {  	[tilespmem:$0x1F9F0] =	vst v0;
	v0 =	vld [tilespmem:$0x3E00]  }
0x110: {  	v54 =	vld [tilespmem:$0x3B20]  }
0x111: {  	v1 =	vld [tilespmem:$0x3130]  }
0x112: {  	v5 =	vld [tilespmem:$0x3330]  }
0x113: {  	v6 =	vld [tilespmem:$0x3430]  }
0x114: {  	[tilespmem:$0x1FA20] =	vst v0;
	v0 =	vld [tilespmem:$0x3F00]  }
0x115: {  	v9 =	vld [tilespmem:$0x3530]  }
0x116: {  	v11 =	vld [tilespmem:$0x3630]  }
0x117: {  	v13 =	vld [tilespmem:$0x3730]  }
0x118: {  	v20 =	vld [tilespmem:$0x3830]  }
0x119: {  	[tilespmem:$0x1FA50] =	vst v0;
	v0 =	vld [tilespmem:$0x4000]  }
0x11a: {  	v24 =	vld [tilespmem:$0x3930]  }
0x11b: {  	v29 =	vld [tilespmem:$0x3A30]  }
0x11c: {  	v37 =	vld [tilespmem:$0x3B30]  }
0x11d: {  	v42 =	vld [tilespmem:$0x3C30]  }
0x11e: {  	[tilespmem:$0x1FA80] =	vst v0;
	v0 =	vld [tilespmem:$0x3A10]  }
0x11f: {  	v50 =	vld [tilespmem:$0x3D30]  }
0x120: {  	v59 =	vld [tilespmem:$0x3E30]  }
0x121: {  	v15 =	vld [tilespmem:$0x3F30]  }
0x122: {  	v62 =	vld [tilespmem:$0x4030]  }
0x123: {  	[tilespmem:$0x1F9A0] =	vst v0;
	v0 =	vld [tilespmem:$0x3B10]  }
0x124: {  	v21 =	vld [tilespmem:$0x3140]  }
0x125: {  	v25 =	vld [tilespmem:$0x3240]  }
0x126: {  	v27 =	vld [tilespmem:$0x3340]  }
0x127: {  	v30 =	vld [tilespmem:$0x3440]  }
0x128: {  	[tilespmem:$0x1F9C0] =	vst v0;
	v0 =	vld [tilespmem:$0x3C10]  }
0x129: {  	v33 =	vld [tilespmem:$0x3540]  }
0x12a: {  	v36 =	vld [tilespmem:$0x3640]  }
0x12b: {  	v39 =	vld [tilespmem:$0x3740]  }
0x12c: {  	v41 =	vld [tilespmem:$0x3840]  }
0x12d: {  	[tilespmem:$0x1F9E0] =	vst v0;
	v0 =	vld [tilespmem:$0x3D10]  }
0x12e: {  	v45 =	vld [tilespmem:$0x3940];
	[tilespmem:$0x1FAB0] =	vst v15  }
0x12f: {  	v46 =	vld [tilespmem:$0x3A40];
	[tilespmem:$0x1FAF0] =	vst v62  }
0x130: {  	v47 =	vld [tilespmem:$0x3B40];
	[tilespmem:$0x1FAD0] =	vst v21  }
0x131: {  	v49 =	vld [tilespmem:$0x3C40];
	[tilespmem:$0x1FAE0] =	vst v25  }
0x132: {  	[tilespmem:$0x1FA10] =	vst v0;
	v0 =	vld [tilespmem:$0x3E10]  }
0x133: {  	v52 =	vld [tilespmem:$0x3D40];
	[tilespmem:$0x1FB00] =	vst v27  }
0x134: {  	v53 =	vld [tilespmem:$0x3E40];
	[tilespmem:$0x1FB10] =	vst v30  }
0x135: {  	v56 =	vld [tilespmem:$0x3F40];
	[tilespmem:$0x1FB20] =	vst v33  }
0x136: {  	v60 =	vld [tilespmem:$0x4040];
	[tilespmem:$0x1FB40] =	vst v36  }
0x137: {  	[tilespmem:$0x1FA40] =	vst v0;
	v0 =	vld [tilespmem:$0x3F10]  }
0x138: {  	v61 =	vld [tilespmem:$0x3550];
	[tilespmem:$0x1FB60] =	vst v39  }
0x139: {  	[tilespmem:$0x1FC10] =	vst v47;
	v47 =	vld [tilespmem:$0x3150]  }
0x13a: {  	[tilespmem:$0x1FBE0] =	vst v46;
	v46 =	vld [tilespmem:$0x3250]  }
0x13b: {  	[tilespmem:$0x1FC90] =	vst v52;
	v52 =	vld [tilespmem:$0x3350]  }
0x13c: {  	[tilespmem:$0x1FA70] =	vst v0;
	v0 =	vld [tilespmem:$0x4010]  }
0x13d: {  	[tilespmem:$0x1FD50] =	vst v60;
	v60 =	vld [tilespmem:$0x3450]  }
0x13e: {  	[tilespmem:$0x1FB80] =	vst v41;
	v62 =	vld [tilespmem:$0x3650]  }
0x13f: {  	[tilespmem:$0x1FBB0] =	vst v45;
	v21 =	vld [tilespmem:$0x3750]  }
0x140: {  	[tilespmem:$0x1FC50] =	vst v49;
	v25 =	vld [tilespmem:$0x3850]  }
0x141: {  	[tilespmem:$0x1FAA0] =	vst v0;
	v0 =	vld [tilespmem:$0x3C20]  }
0x142: {  	[tilespmem:$0x1FCD0] =	vst v53;
	v27 =	vld [tilespmem:$0x3950]  }
0x143: {  	[tilespmem:$0x1FD10] =	vst v56;
	v30 =	vld [tilespmem:$0x3A50]  }
0x144: {  	[tilespmem:$0x1FB30] =	vst v61;
	v33 =	vld [tilespmem:$0x3B50]  }
0x145: {  	v36 =	vld [tilespmem:$0x3C50];
	[tilespmem:$0x1FB50] =	vst v62  }
0x146: {  	[tilespmem:$0x1FA00] =	vst v0;
	v0 =	vld [tilespmem:$0x3D20]  }
0x147: {  	v39 =	vld [tilespmem:$0x3D50];
	[tilespmem:$0x1FB70] =	vst v21  }
0x148: {  	v41 =	vld [tilespmem:$0x3E50];
	[tilespmem:$0x1FBA0] =	vst v25  }
0x149: {  	v45 =	vld [tilespmem:$0x3F50];
	[tilespmem:$0x1FBD0] =	vst v27  }
0x14a: {  	v49 =	vld [tilespmem:$0x4050];
	[tilespmem:$0x1FC00] =	vst v30  }
0x14b: {  	[tilespmem:$0x1FA30] =	vst v0;
	v0 =	vld [tilespmem:$0x3E20]  }
0x14c: {  	v56 =	vld [tilespmem:$0x3660];
	[tilespmem:$0x1FC30] =	vst v33  }
0x14d: {  	v53 =	vld [tilespmem:$0x3760];
	[tilespmem:$0x1FC70] =	vst v36  }
0x14e: {  	v61 =	vld [tilespmem:$0x3860];
	[tilespmem:$0x1FCB0] =	vst v39  }
0x14f: {  	[tilespmem:$0x1FCF0] =	vst v41;
	v30 =	vld [tilespmem:$0x3160]  }
0x150: {  	[tilespmem:$0x1FA60] =	vst v0;
	v0 =	vld [tilespmem:$0x3F20]  }
0x151: {  	[tilespmem:$0x1FD30] =	vst v45;
	v62 =	vld [tilespmem:$0x3960]  }
0x152: {  	[tilespmem:$0x1FD70] =	vst v49;
	v21 =	vld [tilespmem:$0x3A60]  }
0x153: {  	[tilespmem:$0x1FB90] =	vst v53;
	v25 =	vld [tilespmem:$0x3B60]  }
0x154: {  	[tilespmem:$0x1FBC0] =	vst v61;
	v33 =	vld [tilespmem:$0x3C60]  }
0x155: {  	[tilespmem:$0x1FA90] =	vst v0;
	v0 =	vld [tilespmem:$0x4020]  }
0x156: {  	v39 =	vld [tilespmem:$0x3D60];
	[tilespmem:$0x1FBF0] =	vst v62  }
0x157: {  	v45 =	vld [tilespmem:$0x3E60];
	[tilespmem:$0x1FC20] =	vst v21  }
0x158: {  	v53 =	vld [tilespmem:$0x3F60];
	[tilespmem:$0x1FC60] =	vst v25  }
0x159: {  	v61 =	vld [tilespmem:$0x4060];
	[tilespmem:$0x1FCA0] =	vst v33  }
0x15a: {  	[tilespmem:$0x1FAC0] =	vst v0;
	v0 =	vld [tilespmem:$0x3230]  }
0x15b: {  	v27 =	vld [tilespmem:$0x3260];
	[tilespmem:$0x1FCE0] =	vst v39  }
0x15c: {  	v36 =	vld [tilespmem:$0x3360];
	[tilespmem:$0x1FD20] =	vst v45  }
0x15d: {  	v41 =	vld [tilespmem:$0x3460];
	[tilespmem:$0x1FD60] =	vst v53  }
0x15e: {  	v49 =	vld [tilespmem:$0x3560];
	[tilespmem:$0x1FD90] =	vst v61  }
0x15f: {  	v0 =	vadd.f32 v0, v1;
	v1 =	vld [tilespmem:$0x3F80]  }
0x160: {  	v31 =	vadd.f32 v31, v32;
	_ =	sdelay $0x1  }
0x161: {  	v34 =	vadd.f32 v34, v31  }
0x162: {  	v0 =	vadd.f32 v5, v0  }
0x163: {  	[tilespmem:$0x1FED0] =	vst v1;
	v1 =	vadd.f32 v40, v34  }
0x164: {  	v0 =	vadd.f32 v6, v0  }
0x165: {  	v1 =	vadd.f32 v48, v1  }
0x166: {  	v0 =	vadd.f32 v9, v0;
	v9 =	vld [tilespmem:$0x1F970]  }
0x167: {  	v1 =	vadd.f32 v55, v1;
	_ =	sdelay $0x1  }
0x168: {  	v1 =	vadd.f32 v63, v1;
	_ =	sdelay $0x1  }
0x169: {  	v1 =	vadd.f32 v9, v1;
	v9 =	vld [tilespmem:$0x1F980];
	_ =	sdelay $0x4  }
0x16a: {  	v1 =	vadd.f32 v9, v1;
	v9 =	vld [tilespmem:$0x3A90]  }
0x16b: {  	v7 =	vadd.f32 v7, v8;
	v8 =	vld [tilespmem:$0x3E80];
	_ =	sdelay $0x1  }
0x16c: {  	v7 =	vadd.f32 v10, v7;
	v10 =	vld [tilespmem:$0x4080]  }
0x16d: {  	v14 =	vadd.f32 v14, v17  }
0x16e: {  	[tilespmem:$0x1FE50] =	vst v9;
	v9 =	vld [tilespmem:$0x1F990]  }
0x16f: {  	[tilespmem:$0x1FEB0] =	vst v8;
	v8 =	vadd.f32 v19, v14;
	_ =	sdelay $0x1  }
0x170: {  	[tilespmem:$0x1FEE0] =	vst v10;
	v10 =	vadd.f32 v23, v8;
	_ =	sdelay $0x1  }
0x171: {  	v48 =	vadd.f32 v28, v10;
	v1 =	vadd.f32 v9, v1;
	v9 =	vld [tilespmem:$0x3C90];
	_ =	sdelay $0x1  }
0x172: {  	v6 =	vadd.f32 v43, v48;
	_ =	sdelay $0x1  }
0x173: {  	v6 =	vadd.f32 v51, v6  }
0x174: {  	[tilespmem:$0x1FE80] =	vst v9;
	v9 =	vld [tilespmem:$0x1F9A0]  }
0x175: {  	v6 =	vadd.f32 v57, v6;
	_ =	sdelay $0x1  }
0x176: {  	v6 =	vadd.f32 v58, v6;
	_ =	sdelay $0x1  }
0x177: {  	v6 =	vadd.f32 v9, v6;
	v9 =	vld [tilespmem:$0x3D90];
	_ =	sdelay $0x4  }
0x178: {  	[tilespmem:$0x1FEA0] =	vst v9;
	v9 =	vld [tilespmem:$0x1F9B0];
	_ =	sdelay $0x4  }
0x179: {  	v1 =	vadd.f32 v9, v1;
	v9 =	vld [tilespmem:$0x3E90];
	_ =	sdelay $0x4  }
0x17a: {  	[tilespmem:$0x1FEC0] =	vst v9;
	v9 =	vld [tilespmem:$0x1F9C0];
	_ =	sdelay $0x4  }
0x17b: {  	v6 =	vadd.f32 v9, v6;
	v9 =	vld [tilespmem:$0x1F9D0];
	_ =	sdelay $0x3  }
0x17c: {  	v5 =	vadd.f32 v12, v7  }
0x17d: {  	v1 =	vadd.f32 v9, v1;
	v9 =	vld [tilespmem:$0x1F9E0]  }
0x17e: {  	v5 =	vadd.f32 v18, v5;
	_ =	sdelay $0x1  }
0x17f: {  	v5 =	vadd.f32 v22, v5;
	_ =	sdelay $0x1  }
0x180: {  	v5 =	vadd.f32 v26, v5;
	v6 =	vadd.f32 v9, v6;
	v9 =	vld [tilespmem:$0x1F9F0];
	_ =	sdelay $0x1  }
0x181: {  	v5 =	vadd.f32 v35, v5;
	_ =	sdelay $0x1  }
0x182: {  	v5 =	vadd.f32 v38, v5  }
0x183: {  	v1 =	vadd.f32 v9, v1;
	v9 =	vld [tilespmem:$0x1FA00]  }
0x184: {  	v5 =	vadd.f32 v44, v5;
	_ =	sdelay $0x1  }
0x185: {  	v5 =	vadd.f32 v54, v5;
	_ =	sdelay $0x1  }
0x186: {  	v5 =	vadd.f32 v9, v5;
	v9 =	vld [tilespmem:$0x1FA10];
	_ =	sdelay $0x4  }
0x187: {  	v6 =	vadd.f32 v9, v6;
	v9 =	vld [tilespmem:$0x1FA20];
	_ =	sdelay $0x4  }
0x188: {  	v1 =	vadd.f32 v9, v1;
	v9 =	vld [tilespmem:$0x1FA30];
	_ =	sdelay $0x4  }
0x189: {  	v5 =	vadd.f32 v9, v5;
	v9 =	vld [tilespmem:$0x1FA40];
	_ =	sdelay $0x4  }
0x18a: {  	v6 =	vadd.f32 v9, v6;
	v9 =	vld [tilespmem:$0x1FA50];
	_ =	sdelay $0x4  }
0x18b: {  	v1 =	vadd.f32 v9, v1;
	v9 =	vld [tilespmem:$0x1FA60];
	_ =	sdelay $0x4  }
0x18c: {  	v5 =	vadd.f32 v9, v5;
	v9 =	vld [tilespmem:$0x1FA70];
	_ =	sdelay $0x4  }
0x18d: {  	v6 =	vadd.f32 v9, v6;
	v9 =	vld [tilespmem:$0x1FA80];
	_ =	sdelay $0x1  }
0x18e: {  	v0 =	vadd.f32 v11, v0;
	_ =	sdelay $0x1  }
0x18f: {  	v0 =	vadd.f32 v13, v0  }
0x190: {  	v23 =	vadd.f32 v9, v1;
	v1 =	vld [tilespmem:$0x1FA90]  }
0x191: {  	v0 =	vadd.f32 v20, v0;
	_ =	sdelay $0x1  }
0x192: {  	v0 =	vadd.f32 v24, v0;
	_ =	sdelay $0x1  }
0x193: {  	v0 =	vadd.f32 v29, v0;
	v1 =	vadd.f32 v1, v5;
	v5 =	vld [tilespmem:$0x1FAA0];
	_ =	sdelay $0x1  }
0x194: {  	v0 =	vadd.f32 v37, v0;
	_ =	sdelay $0x1  }
0x195: {  	v0 =	vadd.f32 v42, v0  }
0x196: {  	v20 =	vadd.f32 v5, v6;
	v5 =	vld [tilespmem:$0x1FAB0]  }
0x197: {  	v0 =	vadd.f32 v50, v0;
	_ =	sdelay $0x1  }
0x198: {  	v0 =	vadd.f32 v59, v0;
	_ =	sdelay $0x1  }
0x199: {  	v0 =	vadd.f32 v5, v0;
	v5 =	vld [tilespmem:$0x1FAC0];
	_ =	sdelay $0x4  }
0x19a: {  	v17 =	vadd.f32 v5, v1;
	v1 =	vld [tilespmem:$0x1FAD0]  }
0x19b: {  	v5 =	vld [tilespmem:$0x1FAE0];
	_ =	sdelay $0x4  }
0x19c: {  	v1 =	vadd.f32 v5, v1;
	v5 =	vld [tilespmem:$0x1FAF0];
	_ =	sdelay $0x4  }
0x19d: {  	v0 =	vadd.f32 v5, v0;
	v5 =	vld [tilespmem:$0x1FB00];
	_ =	sdelay $0x1  }
0x19e: {  	v9 =	vld [tilespmem:$0x1FB10];
	_ =	sdelay $0x2  }
0x19f: {  	v1 =	vadd.f32 v5, v1;
	_ =	sdelay $0x1  }
0x1a0: {  	v1 =	vadd.f32 v9, v1;
	v9 =	vld [tilespmem:$0x1FB20];
	_ =	sdelay $0x3  }
0x1a1: {  	[tilespmem:$0x1FEF0] =	vst v0;
	v0 =	vadd.f32 v46, v47  }
0x1a2: {  	v1 =	vadd.f32 v9, v1;
	v9 =	vld [tilespmem:$0x1FB30]  }
0x1a3: {  	v0 =	vadd.f32 v52, v0;
	_ =	sdelay $0x1  }
0x1a4: {  	v0 =	vadd.f32 v60, v0;
	_ =	sdelay $0x1  }
0x1a5: {  	v0 =	vadd.f32 v9, v0;
	v9 =	vld [tilespmem:$0x1FB40];
	_ =	sdelay $0x4  }
0x1a6: {  	v1 =	vadd.f32 v9, v1;
	v9 =	vld [tilespmem:$0x1FB50];
	_ =	sdelay $0x4  }
0x1a7: {  	v0 =	vadd.f32 v9, v0;
	v9 =	vld [tilespmem:$0x1FB60];
	_ =	sdelay $0x4  }
0x1a8: {  	v1 =	vadd.f32 v9, v1;
	v9 =	vld [tilespmem:$0x1FB70];
	_ =	sdelay $0x4  }
0x1a9: {  	v5 =	vadd.f32 v27, v30;
	v0 =	vadd.f32 v9, v0;
	v9 =	vld [tilespmem:$0x1FB80];
	_ =	sdelay $0x1  }
0x1aa: {  	v5 =	vadd.f32 v36, v5;
	_ =	sdelay $0x1  }
0x1ab: {  	v5 =	vadd.f32 v41, v5  }
0x1ac: {  	v1 =	vadd.f32 v9, v1;
	v9 =	vld [tilespmem:$0x1FB90]  }
0x1ad: {  	v5 =	vadd.f32 v49, v5;
	_ =	sdelay $0x1  }
0x1ae: {  	v5 =	vadd.f32 v56, v5;
	_ =	sdelay $0x1  }
0x1af: {  	v5 =	vadd.f32 v9, v5;
	v9 =	vld [tilespmem:$0x1FBA0];
	_ =	sdelay $0x4  }
0x1b0: {  	v0 =	vadd.f32 v9, v0;
	v9 =	vld [tilespmem:$0x1FBB0];
	_ =	sdelay $0x4  }
0x1b1: {  	v1 =	vadd.f32 v9, v1;
	v9 =	vld [tilespmem:$0x1FBC0];
	_ =	sdelay $0x4  }
0x1b2: {  	v5 =	vadd.f32 v9, v5;
	v9 =	vld [tilespmem:$0x1FBD0];
	_ =	sdelay $0x4  }
0x1b3: {  	v0 =	vadd.f32 v9, v0;
	v9 =	vld [tilespmem:$0x1FBE0];
	_ =	sdelay $0x4  }
0x1b4: {  	v1 =	vadd.f32 v9, v1;
	v9 =	vld [tilespmem:$0x1FBF0];
	_ =	sdelay $0x4  }
0x1b5: {  	v5 =	vadd.f32 v9, v5;
	v9 =	vld [tilespmem:$0x1FC00];
	_ =	sdelay $0x1  }
0x1b6: {  	v16 =	vld [tilespmem:$0x3170]  }
0x1b7: {  	v15 =	vld [tilespmem:$0x3270]  }
0x1b8: {  	v21 =	vld [tilespmem:$0x3370]  }
0x1b9: {  	v0 =	vadd.f32 v9, v0;
	v9 =	vld [tilespmem:$0x1FC10]  }
0x1ba: {  	v62 =	vld [tilespmem:$0x3A70];
	_ =	sdelay $0x1  }
0x1bb: {  	v25 =	vld [tilespmem:$0x3470]  }
0x1bc: {  	v33 =	vld [tilespmem:$0x3570];
	v6 =	vadd.f32 v15, v16  }
0x1bd: {  	v1 =	vadd.f32 v9, v1;
	v9 =	vld [tilespmem:$0x1FC20]  }
0x1be: {  	[tilespmem:$0x1FC40] =	vst v62;
	v62 =	vld [tilespmem:$0x3B70];
	v6 =	vadd.f32 v21, v6  }
0x1bf: {  	v39 =	vld [tilespmem:$0x3670]  }
0x1c0: {  	v45 =	vld [tilespmem:$0x3770];
	v6 =	vadd.f32 v25, v6  }
0x1c1: {  	v53 =	vld [tilespmem:$0x3870]  }
0x1c2: {  	v6 =	vadd.f32 v33, v6;
	v5 =	vadd.f32 v9, v5;
	v9 =	vld [tilespmem:$0x1FC30]  }
0x1c3: {  	[tilespmem:$0x1FC80] =	vst v62;
	v62 =	vld [tilespmem:$0x3C70]  }
0x1c4: {  	v6 =	vadd.f32 v39, v6  }
0x1c5: {  	v61 =	vld [tilespmem:$0x3970]  }
0x1c6: {  	v32 =	vld [tilespmem:$0x3D80];
	v6 =	vadd.f32 v45, v6  }
0x1c7: {  	v0 =	vadd.f32 v9, v0;
	v9 =	vld [tilespmem:$0x1FC40]  }
0x1c8: {  	[tilespmem:$0x1FCC0] =	vst v62;
	v62 =	vld [tilespmem:$0x3D70];
	v6 =	vadd.f32 v53, v6;
	_ =	sdelay $0x1  }
0x1c9: {  	v31 =	vld [tilespmem:$0x3AA0];
	v6 =	vadd.f32 v61, v6  }
0x1ca: {  	[tilespmem:$0x1FE90] =	vst v32;
	v32 =	vld [tilespmem:$0x3B90]  }
0x1cb: {  	v6 =	vadd.f32 v9, v6;
	v9 =	vld [tilespmem:$0x1FC50]  }
0x1cc: {  	[tilespmem:$0x1FD00] =	vst v62;
	v62 =	vld [tilespmem:$0x3E70]  }
0x1cd: {  	v14 =	vld [tilespmem:$0x32A0]  }
0x1ce: {  	v19 =	vld [tilespmem:$0x3EA0]  }
0x1cf: {  	v7 =	vld [tilespmem:$0x3390]  }
0x1d0: {  	v1 =	vadd.f32 v9, v1;
	v9 =	vld [tilespmem:$0x1FC60]  }
0x1d1: {  	[tilespmem:$0x1FD40] =	vst v62;
	v62 =	vld [tilespmem:$0x3F70]  }
0x1d2: {  	v12 =	vld [tilespmem:$0x40A0]  }
0x1d3: {  	v8 =	vld [tilespmem:$0x3290]  }
0x1d4: {  	v18 =	vld [tilespmem:$0x3CA0]  }
0x1d5: {  	v5 =	vadd.f32 v9, v5;
	v9 =	vld [tilespmem:$0x1FC70]  }
0x1d6: {  	[tilespmem:$0x1FD80] =	vst v62;
	v62 =	vld [tilespmem:$0x4070]  }
0x1d7: {  	v34 =	vld [tilespmem:$0x3190]  }
0x1d8: {  	v40 =	vld [tilespmem:$0x3690]  }
0x1d9: {  	v10 =	vld [tilespmem:$0x3490]  }
0x1da: {  	v0 =	vadd.f32 v9, v0;
	v9 =	vld [tilespmem:$0x1FC80]  }
0x1db: {  	[tilespmem:$0x1FDC0] =	vst v62;
	v62 =	vld [tilespmem:$0x3180]  }
0x1dc: {  	v28 =	vld [tilespmem:$0x38A0]  }
0x1dd: {  	v26 =	vld [tilespmem:$0x3890]  }
0x1de: {  	v11 =	vld [tilespmem:$0x31A0]  }
0x1df: {  	v6 =	vadd.f32 v9, v6;
	v9 =	vld [tilespmem:$0x1FC90]  }
0x1e0: {  	[tilespmem:$0x1FDA0] =	vst v62;
	v62 =	vld [tilespmem:$0x3280]  }
0x1e1: {  	v43 =	vld [tilespmem:$0x3590]  }
0x1e2: {  	v48 =	vld [tilespmem:$0x3DB0]  }
0x1e3: {  	v55 =	vld [tilespmem:$0x33C0]  }
0x1e4: {  	v1 =	vadd.f32 v9, v1;
	v9 =	vld [tilespmem:$0x1FCA0]  }
0x1e5: {  	[tilespmem:$0x1FDB0] =	vst v62;
	v62 =	vld [tilespmem:$0x3380]  }
0x1e6: {  	v35 =	vld [tilespmem:$0x33A0]  }
0x1e7: {  	v13 =	vld [tilespmem:$0x3FA0]  }
0x1e8: {  	v8 =	vadd.f32 v8, v34;
	v34 =	vld [tilespmem:$0x39C0]  }
0x1e9: {  	v5 =	vadd.f32 v9, v5;
	v9 =	vld [tilespmem:$0x1FCB0]  }
0x1ea: {  	[tilespmem:$0x1FDD0] =	vst v62;
	v62 =	vld [tilespmem:$0x3480]  }
0x1eb: {  	v51 =	vld [tilespmem:$0x3790]  }
0x1ec: {  	v63 =	vld [tilespmem:$0x3F90]  }
0x1ed: {  	v38 =	vld [tilespmem:$0x36A0]  }
0x1ee: {  	v0 =	vadd.f32 v9, v0;
	v9 =	vld [tilespmem:$0x1FCC0]  }
0x1ef: {  	[tilespmem:$0x1FDE0] =	vst v62;
	v62 =	vld [tilespmem:$0x3580]  }
0x1f0: {  	v57 =	vld [tilespmem:$0x3990]  }
0x1f1: {  	v11 =	vadd.f32 v14, v11;
	v14 =	vld [tilespmem:$0x3AC0]  }
0x1f2: {  	v44 =	vld [tilespmem:$0x37A0]  }
0x1f3: {  	v6 =	vadd.f32 v9, v6;
	v9 =	vld [tilespmem:$0x1FCD0]  }
0x1f4: {  	[tilespmem:$0x1FDF0] =	vst v62;
	v62 =	vld [tilespmem:$0x3680]  }
0x1f5: {  	v24 =	vld [tilespmem:$0x39A0]  }
0x1f6: {  	v58 =	vld [tilespmem:$0x35C0]  }
0x1f7: {  	v35 =	vadd.f32 v35, v11;
	v11 =	vld [tilespmem:$0x3DC0]  }
0x1f8: {  	v1 =	vadd.f32 v9, v1;
	v9 =	vld [tilespmem:$0x1FCE0]  }
0x1f9: {  	[tilespmem:$0x1FE00] =	vst v62;
	v62 =	vld [tilespmem:$0x3780]  }
0x1fa: {  	v29 =	vld [tilespmem:$0x3BA0]  }
0x1fb: {  	v7 =	vadd.f32 v7, v8;
	v37 =	vld [tilespmem:$0x34A0]  }
0x1fc: {  	v42 =	vld [tilespmem:$0x35A0]  }
0x1fd: {  	v7 =	vadd.f32 v10, v7;
	v5 =	vadd.f32 v9, v5;
	v9 =	vld [tilespmem:$0x1FCF0]  }
0x1fe: {  	[tilespmem:$0x1FE10] =	vst v62;
	v62 =	vld [tilespmem:$0x3880]  }
0x1ff: {  	v54 =	vld [tilespmem:$0x32C0];
	v43 =	vadd.f32 v43, v7  }
0x200: {  	v50 =	vld [tilespmem:$0x3FB0]  }
0x201: {  	v43 =	vadd.f32 v40, v43;
	v35 =	vadd.f32 v37, v35;
	v37 =	vld [tilespmem:$0x32D0]  }
0x202: {  	v0 =	vadd.f32 v9, v0;
	v9 =	vld [tilespmem:$0x1FD00]  }
0x203: {  	v42 =	vadd.f32 v42, v35;
	v35 =	vadd.f32 v51, v43;
	[tilespmem:$0x1FE20] =	vst v62;
	v62 =	vld [tilespmem:$0x3980]  }
0x204: {  	v51 =	vld [tilespmem:$0x1FE50]  }
0x205: {  	v59 =	vld [tilespmem:$0x36C0];
	v26 =	vadd.f32 v26, v35  }
0x206: {  	v35 =	vld [tilespmem:$0x35D0]  }
0x207: {  	v26 =	vadd.f32 v57, v26;
	v6 =	vadd.f32 v9, v6;
	v9 =	vld [tilespmem:$0x1FD10]  }
0x208: {  	[tilespmem:$0x1FE30] =	vst v62;
	v62 =	vld [tilespmem:$0x3A80]  }
0x209: {  	v26 =	vadd.f32 v51, v26;
	v51 =	vld [tilespmem:$0x1FED0]  }
0x20a: {  	v22 =	vld [tilespmem:$0x1FDC0]  }
0x20b: {  	v26 =	vadd.f32 v32, v26;
	v32 =	vld [tilespmem:$0x3BD0]  }
0x20c: {  	v1 =	vadd.f32 v9, v1;
	v9 =	vld [tilespmem:$0x1FD20]  }
0x20d: {  	[tilespmem:$0x1FE40] =	vst v62;
	v62 =	vld [tilespmem:$0x3B80]  }
0x20e: {  	v8 =	vld [tilespmem:$0x1FDE0]  }
0x20f: {  	v10 =	vld [tilespmem:$0x1FDF0]  }
0x210: {  	v7 =	vld [tilespmem:$0x1FE00]  }
0x211: {  	v9 =	vadd.f32 v9, v5;
	v5 =	vld [tilespmem:$0x1FD30]  }
0x212: {  	[tilespmem:$0x1FE60] =	vst v62;
	v62 =	vld [tilespmem:$0x3C80]  }
0x213: {  	v40 =	vld [tilespmem:$0x1FE10]  }
0x214: {  	v43 =	vld [tilespmem:$0x1FE30]  }
0x215: {  	v57 =	vld [tilespmem:$0x1FE60]  }
0x216: {  	v0 =	vadd.f32 v5, v0;
	v5 =	vld [tilespmem:$0x1FD40]  }
0x217: {  	[tilespmem:$0x1FE70] =	vst v62;
	v62 =	vld [tilespmem:$0x4090]  }
0x218: {  	v15 =	vld [tilespmem:$0x31B0]  }
0x219: {  	v21 =	vld [tilespmem:$0x32B0]  }
0x21a: {  	v16 =	vld [tilespmem:$0x3DA0]  }
0x21b: {  	v6 =	vadd.f32 v5, v6;
	v5 =	vld [tilespmem:$0x1FD50]  }
0x21c: {  	v25 =	vld [tilespmem:$0x33B0]  }
0x21d: {  	v33 =	vld [tilespmem:$0x36B0]  }
0x21e: {  	v21 =	vadd.f32 v21, v15;
	v15 =	vld [tilespmem:$0x3BC0]  }
0x21f: {  	v39 =	vld [tilespmem:$0x38B0]  }
0x220: {  	v5 =	vadd.f32 v5, v1;
	v1 =	vld [tilespmem:$0x1FD60]  }
0x221: {  	v45 =	vld [tilespmem:$0x3AB0]  }
0x222: {  	v53 =	vld [tilespmem:$0x31C0]  }
0x223: {  	v61 =	vld [tilespmem:$0x1FDB0]  }
0x224: {  	v46 =	vld [tilespmem:$0x3BB0]  }
0x225: {  	v9 =	vadd.f32 v1, v9;
	v1 =	vld [tilespmem:$0x1FD70]  }
0x226: {  	v47 =	vld [tilespmem:$0x3CB0]  }
0x227: {  	v52 =	vld [tilespmem:$0x40B0]  }
0x228: {  	v27 =	vld [tilespmem:$0x34B0]  }
0x229: {  	v30 =	vld [tilespmem:$0x35B0]  }
0x22a: {  	v1 =	vadd.f32 v1, v0;
	v0 =	vld [tilespmem:$0x1FD80]  }
0x22b: {  	v60 =	vld [tilespmem:$0x37C0]  }
0x22c: {  	v21 =	vadd.f32 v25, v21;
	v36 =	vld [tilespmem:$0x37B0]  }
0x22d: {  	v41 =	vld [tilespmem:$0x39B0]  }
0x22e: {  	v21 =	vadd.f32 v27, v21;
	v27 =	vadd.f32 v38, v42;
	v42 =	vld [tilespmem:$0x1FE20]  }
0x22f: {  	v0 =	vadd.f32 v0, v6;
	v6 =	vld [tilespmem:$0x1FD90]  }
0x230: {  	v38 =	vld [tilespmem:$0x34D0]  }
0x231: {  	v49 =	vld [tilespmem:$0x3EB0]  }
0x232: {  	v21 =	vadd.f32 v30, v21;
	v30 =	vld [tilespmem:$0x31D0]  }
0x233: {  	v27 =	vadd.f32 v44, v27;
	v44 =	vld [tilespmem:$0x1FE40]  }
0x234: {  	v21 =	vadd.f32 v33, v21;
	v9 =	vadd.f32 v6, v9;
	v6 =	vld [tilespmem:$0x1FDA0]  }
0x235: {  	v56 =	vld [tilespmem:$0x34C0]  }
0x236: {  	v21 =	vadd.f32 v36, v21;
	v0 =	vadd.f32 v22, v0;
	v22 =	vld [tilespmem:$0x1FDD0]  }
0x237: {  	v33 =	vld [tilespmem:$0x33D0];
	v27 =	vadd.f32 v28, v27  }
0x238: {  	v28 =	vld [tilespmem:$0x36D0];
	v21 =	vadd.f32 v39, v21  }
0x239: {  	v36 =	vld [tilespmem:$0x37D0];
	v24 =	vadd.f32 v24, v27;
	v6 =	vadd.f32 v61, v6  }
0x23a: {  	v27 =	vld [tilespmem:$0x38D0];
	v21 =	vadd.f32 v41, v21  }
0x23b: {  	v39 =	vld [tilespmem:$0x39D0];
	v24 =	vadd.f32 v31, v24;
	v6 =	vadd.f32 v22, v6  }
0x23c: {  	v31 =	vld [tilespmem:$0x3AD0];
	v21 =	vadd.f32 v45, v21  }
0x23d: {  	v24 =	vadd.f32 v29, v24;
	v29 =	vld [tilespmem:$0x3CD0];
	v6 =	vadd.f32 v8, v6  }
0x23e: {  	v41 =	vld [tilespmem:$0x3FD0];
	v21 =	vadd.f32 v46, v21  }
0x23f: {  	v18 =	vadd.f32 v18, v24;
	v24 =	vld [tilespmem:$0x3ED0];
	v25 =	vadd.f32 v10, v6  }
0x240: {  	v45 =	vld [tilespmem:$0x1FEA0];
	v21 =	vadd.f32 v47, v21  }
0x241: {  	v46 =	vld [tilespmem:$0x1FEB0];
	v25 =	vadd.f32 v7, v25  }
0x242: {  	v16 =	vadd.f32 v16, v18;
	v18 =	vld [tilespmem:$0x40D0];
	v21 =	vadd.f32 v48, v21  }
0x243: {  	v47 =	vld [tilespmem:$0x1FEC0];
	v25 =	vadd.f32 v40, v25  }
0x244: {  	v48 =	vld [tilespmem:$0x1FEE0];
	v21 =	vadd.f32 v49, v21  }
0x245: {  	v49 =	vld [tilespmem:$0x32F0];
	v25 =	vadd.f32 v42, v25  }
0x246: {  	v21 =	vadd.f32 v50, v21;
	v50 =	vld [tilespmem:$0x33E0]  }
0x247: {  	v25 =	vadd.f32 v43, v25;
	v43 =	vld [tilespmem:$0x1FE80]  }
0x248: {  	v21 =	vadd.f32 v52, v21;
	v52 =	vld [tilespmem:$0x3BE0]  }
0x249: {  	v22 =	vld [tilespmem:$0x1FE70]  }
0x24a: {  	[tilespmem:$0x4160] =	vst v9;
	v9 =	vld [tilespmem:$0x3FF0];
	v25 =	vadd.f32 v44, v25  }
0x24b: {  	v44 =	vld [tilespmem:$0x1FE90]  }
0x24c: {  	v61 =	vld [tilespmem:$0x38C0];
	v25 =	vadd.f32 v57, v25;
	v26 =	vadd.f32 v43, v26  }
0x24d: {  	v8 =	vld [tilespmem:$0x3CC0]  }
0x24e: {  	v10 =	vld [tilespmem:$0x3EC0];
	v25 =	vadd.f32 v22, v25;
	v26 =	vadd.f32 v45, v26  }
0x24f: {  	v30 =	vadd.f32 v37, v30;
	v42 =	vld [tilespmem:$0x31E0]  }
0x250: {  	v57 =	vld [tilespmem:$0x32E0];
	v25 =	vadd.f32 v44, v25;
	v26 =	vadd.f32 v47, v26  }
0x251: {  	v30 =	vadd.f32 v33, v30;
	v16 =	vadd.f32 v19, v16;
	v6 =	vld [tilespmem:$0x3FC0]  }
0x252: {  	v25 =	vadd.f32 v46, v25;
	v26 =	vadd.f32 v63, v26;
	v63 =	vld [tilespmem:$0x31F0]  }
0x253: {  	v30 =	vadd.f32 v38, v30;
	v13 =	vadd.f32 v13, v16;
	v7 =	vld [tilespmem:$0x40C0]  }
0x254: {  	v25 =	vadd.f32 v51, v25;
	v51 =	vadd.f32 v54, v53;
	v53 =	vld [tilespmem:$0x33F0]  }
0x255: {  	v30 =	vadd.f32 v35, v30;
	v19 =	vadd.f32 v57, v42;
	v54 =	vld [tilespmem:$0x34E0]  }
0x256: {  	v12 =	vadd.f32 v12, v13;
	v13 =	vadd.f32 v55, v51;
	v55 =	vld [tilespmem:$0x34F0]  }
0x257: {  	v57 =	vld [tilespmem:$0x35E0];
	v19 =	vadd.f32 v50, v19;
	v16 =	vadd.f32 v49, v63  }
0x258: {  	v26 =	vadd.f32 v62, v26;
	v62 =	vld [tilespmem:$0x35F0];
	v13 =	vadd.f32 v56, v13  }
0x259: {  	v28 =	vadd.f32 v28, v30;
	v63 =	vld [tilespmem:$0x36E0];
	v16 =	vadd.f32 v53, v16  }
0x25a: {  	v22 =	vld [tilespmem:$0x36F0];
	v19 =	vadd.f32 v54, v19;
	v13 =	vadd.f32 v58, v13  }
0x25b: {  	v28 =	vadd.f32 v36, v28;
	v44 =	vld [tilespmem:$0x37E0];
	v16 =	vadd.f32 v55, v16  }
0x25c: {  	v45 =	vld [tilespmem:$0x37F0];
	v19 =	vadd.f32 v57, v19;
	v13 =	vadd.f32 v59, v13  }
0x25d: {  	v27 =	vadd.f32 v27, v28;
	v46 =	vld [tilespmem:$0x38E0];
	v16 =	vadd.f32 v62, v16  }
0x25e: {  	v47 =	vld [tilespmem:$0x38F0];
	v19 =	vadd.f32 v63, v19;
	v13 =	vadd.f32 v60, v13  }
0x25f: {  	v25 =	vadd.f32 v48, v25;
	v48 =	vld [tilespmem:$0x39E0];
	v16 =	vadd.f32 v22, v16  }
0x260: {  	v49 =	vld [tilespmem:$0x39F0];
	v19 =	vadd.f32 v44, v19;
	v13 =	vadd.f32 v61, v13  }
0x261: {  	v27 =	vadd.f32 v39, v27;
	v50 =	vld [tilespmem:$0x3AE0];
	v16 =	vadd.f32 v45, v16  }
0x262: {  	v51 =	vld [tilespmem:$0x3AF0];
	v19 =	vadd.f32 v46, v19;
	v13 =	vadd.f32 v34, v13  }
0x263: {  	v27 =	vadd.f32 v31, v27;
	v40 =	vld [tilespmem:$0x3DD0];
	v16 =	vadd.f32 v47, v16  }
0x264: {  	v54 =	vld [tilespmem:$0x3BF0];
	v53 =	vadd.f32 v48, v19;
	v13 =	vadd.f32 v14, v13  }
0x265: {  	v57 =	vadd.f32 v32, v27;
	v55 =	vld [tilespmem:$0x3CE0];
	v16 =	vadd.f32 v49, v16  }
0x266: {  	v56 =	vld [tilespmem:$0x3CF0];
	v14 =	vadd.f32 v50, v53;
	v13 =	vadd.f32 v15, v13  }
0x267: {  	[tilespmem:$0x4100] =	vst v23;
	v58 =	vld [tilespmem:$0x3DE0];
	v62 =	vadd.f32 v29, v57;
	v16 =	vadd.f32 v51, v16  }
0x268: {  	[tilespmem:$0x4110] =	vst v20;
	v60 =	vld [tilespmem:$0x3DF0];
	v59 =	vadd.f32 v52, v14;
	v8 =	vadd.f32 v8, v13  }
0x269: {  	[tilespmem:$0x4150] =	vst v1;
	v63 =	vld [tilespmem:$0x3EE0];
	v1 =	vadd.f32 v40, v62;
	v16 =	vadd.f32 v54, v16  }
0x26a: {  	[tilespmem:$0x4140] =	vst v5;
	v5 =	vadd.f32 v11, v8;
	v8 =	vadd.f32 v55, v59;
	v11 =	vld [tilespmem:$0x3EF0]  }
0x26b: {  	[tilespmem:$0x4170] =	vst v0;
	v27 =	vld [tilespmem:$0x3FE0];
	v0 =	vadd.f32 v24, v1;
	v15 =	vadd.f32 v56, v16  }
0x26c: {  	[tilespmem:$0x4120] =	vst v17;
	v61 =	vld [tilespmem:$0x1FEF0];
	v5 =	vadd.f32 v10, v5;
	v8 =	vadd.f32 v58, v8  }
0x26d: {  	[tilespmem:$0x41A0] =	vst v12;
	v1 =	vld [tilespmem:$0x40E0];
	v0 =	vadd.f32 v41, v0;
	v10 =	vadd.f32 v60, v15  }
0x26e: {  	[tilespmem:$0x41B0] =	vst v21;
	v5 =	vadd.f32 v6, v5;
	v6 =	vadd.f32 v63, v8;
	v8 =	vld [tilespmem:$0x40F0]  }
0x26f: {  	[tilespmem:$0x4190] =	vst v26;
	v10 =	vadd.f32 v11, v10  }
0x270: {  	[tilespmem:$0x4180] =	vst v25;
	v0 =	vadd.f32 v18, v0;
	v6 =	vadd.f32 v27, v6  }
0x271: {  	[tilespmem:$0x4130] =	vst v61;
	v5 =	vadd.f32 v7, v5;
	v7 =	vadd.f32 v9, v10  }
0x272: {  	[tilespmem:$0x41D0] =	vst v0;
	v1 =	vadd.f32 v1, v6  }
0x273: {  	[tilespmem:$0x41C0] =	vst v5;
	v0 =	vadd.f32 v8, v7  }
0x274: {  	[tilespmem:$0x41E0] =	vst v1  }
0x275: {  	s5 =	simm.s32 $0x4100;
	s4 =	rddreg [dreg:$0x9];
	[tilespmem:$0x41F0] =	vst v0  }
0x276: {  	[spmem:s4] =	stream.strided.scatter [tilespmem:s5], [sflag:$0x5], $0x100, s23, s22, $0x38;
	[tilespmem:$0x85A0] =	vst v63  }
0x277: {  	_ =	swait.ge [sflag:s30], $0x100  }
0x278: {  	[sflag:s30] =	ssyncset.done $0x0  }
0x279: {  	[sflag:s30] =	ssyncadd.s32 $0xFFFFFF00  }
0x27a: {  	s20 =	simm.s32 $0x4200;
	[bflag:$0x0] =	sbarrier.arrive $0xFFFF  }
0x27b: {  	[tilespmem:s20], [sflag:$0x4] =	stream.strided.gather [spmem:s8], $0x100, s23, s22, $0x38;
	[tilespmem:$0x85A0] =	vst v63  }
0x27c: {  	s24 =	simm.s32 $0x4300  }
0x27d: {  	[tilespmem:s24], [sflag:$0x4] =	stream.strided.gather [spmem:s9], $0x100, s23, s22, $0x38;
	[tilespmem:$0x85A0] =	vst v63  }
0x27e: {  	s29 =	simm.s32 $0x4400  }
0x27f: {  	[tilespmem:s29], [sflag:$0x4] =	stream.strided.gather [spmem:s10], $0x100, s23, s22, $0x38;
	[tilespmem:$0x85A0] =	vst v63  }
0x280: {  	s5 =	simm.s32 $0x4500  }
0x281: {  	[tilespmem:s5], [sflag:$0x4] =	stream.strided.gather [spmem:s11], $0x100, s23, s22, $0x38;
	[tilespmem:$0x85A0] =	vst v63  }
0x282: {  	s6 =	simm.s32 $0x4600  }
0x283: {  	[tilespmem:s6], [sflag:$0x4] =	stream.strided.gather [spmem:s12], $0x100, s23, s22, $0x38;
	[tilespmem:$0x85A0] =	vst v63  }
0x284: {  	s7 =	simm.s32 $0x4700  }
0x285: {  	[tilespmem:s7], [sflag:$0x4] =	stream.strided.gather [spmem:s13], $0x100, s23, s22, $0x38;
	[tilespmem:$0x85A0] =	vst v63  }
0x286: {  	s20 =	simm.s32 $0x4800  }
0x287: {  	[tilespmem:s20], [sflag:$0x4] =	stream.strided.gather [spmem:s14], $0x100, s23, s22, $0x38;
	[tilespmem:$0x85A0] =	vst v63  }
0x288: {  	s24 =	simm.s32 $0x4900  }
0x289: {  	[tilespmem:s24], [sflag:$0x4] =	stream.strided.gather [spmem:s15], $0x100, s23, s22, $0x38;
	[tilespmem:$0x85A0] =	vst v63  }
0x28a: {  	_ =	swait.ge [sflag:s1], $0x100  }
0x28b: {  	[sflag:s1] =	ssyncset.done $0x0  }
0x28c: {  	[sflag:s1] =	ssyncadd.s32 $0xFFFFFF00  }
0x28d: {  	_ =	swait.ge [sflag:s1], $0x100  }
0x28e: {  	[sflag:s1] =	ssyncset.done $0x0  }
0x28f: {  	[sflag:s1] =	ssyncadd.s32 $0xFFFFFF00  }
0x290: {  	_ =	swait.ge [sflag:s1], $0x100  }
0x291: {  	[sflag:s1] =	ssyncset.done $0x0  }
0x292: {  	[sflag:s1] =	ssyncadd.s32 $0xFFFFFF00  }
0x293: {  	_ =	swait.ge [sflag:s1], $0x100  }
0x294: {  	[sflag:s1] =	ssyncset.done $0x0  }
0x295: {  	[sflag:s1] =	ssyncadd.s32 $0xFFFFFF00  }
0x296: {  	_ =	swait.ge [sflag:s1], $0x100  }
0x297: {  	[sflag:s1] =	ssyncset.done $0x0  }
0x298: {  	[sflag:s1] =	ssyncadd.s32 $0xFFFFFF00  }
0x299: {  	_ =	swait.ge [sflag:s1], $0x100  }
0x29a: {  	[sflag:s1] =	ssyncset.done $0x0  }
0x29b: {  	[sflag:s1] =	ssyncadd.s32 $0xFFFFFF00  }
0x29c: {  	_ =	swait.ge [sflag:s1], $0x100  }
0x29d: {  	[sflag:s1] =	ssyncset.done $0x0  }
0x29e: {  	[sflag:s1] =	ssyncadd.s32 $0xFFFFFF00  }
0x29f: {  	_ =	swait.ge [sflag:s1], $0x100  }
0x2a0: {  	[sflag:s1] =	ssyncset.done $0x0  }
0x2a1: {  	[sflag:s1] =	ssyncadd.s32 $0xFFFFFF00  }
0x2a2: {  	v0 =	vld [tilespmem:$0x4200]  }
0x2a3: {  	v1 =	vld [tilespmem:$0x4300]  }
0x2a4: {  	v5 =	vld [tilespmem:$0x4400]  }
0x2a5: {  	v6 =	vld [tilespmem:$0x4500]  }
0x2a6: {  	v7 =	vld [tilespmem:$0x4600]  }
0x2a7: {  	v18 =	vld [tilespmem:$0x4700]  }
0x2a8: {  	v57 =	vld [tilespmem:$0x4800]  }
0x2a9: {  	v8 =	vld [tilespmem:$0x4900]  }
0x2aa: {  	v11 =	vld [tilespmem:$0x4210]  }
0x2ab: {  	v12 =	vld [tilespmem:$0x4310]  }
0x2ac: {  	v13 =	vld [tilespmem:$0x4410]  }
0x2ad: {  	v14 =	vld [tilespmem:$0x4510]  }
0x2ae: {  	v15 =	vld [tilespmem:$0x4610]  }
0x2af: {  	v16 =	vld [tilespmem:$0x4710]  }
0x2b0: {  	v17 =	vld [tilespmem:$0x4810]  }
0x2b1: {  	v19 =	vld [tilespmem:$0x4220]  }
0x2b2: {  	v20 =	vld [tilespmem:$0x4320]  }
0x2b3: {  	v21 =	vld [tilespmem:$0x4420]  }
0x2b4: {  	v22 =	vld [tilespmem:$0x4520]  }
0x2b5: {  	v23 =	vld [tilespmem:$0x4620]  }
0x2b6: {  	v24 =	vld [tilespmem:$0x4720]  }
0x2b7: {  	v25 =	vld [tilespmem:$0x4820]  }
0x2b8: {  	v26 =	vld [tilespmem:$0x4920]  }
0x2b9: {  	v27 =	vld [tilespmem:$0x4230]  }
0x2ba: {  	v28 =	vld [tilespmem:$0x4330]  }
0x2bb: {  	v29 =	vld [tilespmem:$0x4430]  }
0x2bc: {  	v30 =	vld [tilespmem:$0x4530]  }
0x2bd: {  	v31 =	vld [tilespmem:$0x4630]  }
0x2be: {  	v32 =	vld [tilespmem:$0x4730]  }
0x2bf: {  	v33 =	vld [tilespmem:$0x4830]  }
0x2c0: {  	v34 =	vld [tilespmem:$0x4930]  }
0x2c1: {  	v35 =	vld [tilespmem:$0x4240]  }
0x2c2: {  	v36 =	vld [tilespmem:$0x4340]  }
0x2c3: {  	v37 =	vld [tilespmem:$0x4440]  }
0x2c4: {  	v38 =	vld [tilespmem:$0x4540]  }
0x2c5: {  	v49 =	vld [tilespmem:$0x4640]  }
0x2c6: {  	v43 =	vld [tilespmem:$0x4250]  }
0x2c7: {  	v44 =	vld [tilespmem:$0x4350]  }
0x2c8: {  	v45 =	vld [tilespmem:$0x4450]  }
0x2c9: {  	v46 =	vld [tilespmem:$0x4550]  }
0x2ca: {  	v47 =	vld [tilespmem:$0x4650]  }
0x2cb: {  	v48 =	vld [tilespmem:$0x4750]  }
0x2cc: {  	v51 =	vld [tilespmem:$0x4260]  }
0x2cd: {  	v52 =	vld [tilespmem:$0x4360]  }
0x2ce: {  	v53 =	vld [tilespmem:$0x4460]  }
0x2cf: {  	v54 =	vld [tilespmem:$0x4560]  }
0x2d0: {  	v55 =	vld [tilespmem:$0x4660]  }
0x2d1: {  	v56 =	vld [tilespmem:$0x4760]  }
0x2d2: {  	v59 =	vld [tilespmem:$0x4270]  }
0x2d3: {  	v60 =	vld [tilespmem:$0x4370]  }
0x2d4: {  	v61 =	vld [tilespmem:$0x4470]  }
0x2d5: {  	v62 =	vld [tilespmem:$0x4570]  }
0x2d6: {  	v63 =	vld [tilespmem:$0x4670]  }
0x2d7: {  	v41 =	vld [tilespmem:$0x4870]  }
0x2d8: {  	v58 =	vld [tilespmem:$0x4970]  }
0x2d9: {  	v42 =	vld [tilespmem:$0x4280]  }
0x2da: {  	v40 =	vld [tilespmem:$0x4380]  }
0x2db: {  	v9 =	vld [tilespmem:$0x4580]  }
0x2dc: {  	v50 =	vld [tilespmem:$0x4480]  }
0x2dd: {  	v10 =	vld [tilespmem:$0x4290]  }
0x2de: {  	v39 =	vld [tilespmem:$0x4490]  }
0x2df: {  	[tilespmem:$0x1FF00] =	vst v8;
	v8 =	vld [tilespmem:$0x4910]  }
0x2e0: {  	[tilespmem:$0x1FF90] =	vst v9;
	v9 =	vld [tilespmem:$0x4680]  }
0x2e1: {  	v0 =	vadd.f32 v1, v0;
	v1 =	vld [tilespmem:$0x4590]  }
0x2e2: {  	v11 =	vadd.f32 v12, v11;
	v12 =	vld [tilespmem:$0x4690]  }
0x2e3: {  	v28 =	vadd.f32 v28, v27;
	v27 =	vld [tilespmem:$0x44B0]  }
0x2e4: {  	v36 =	vadd.f32 v36, v35;
	v35 =	vld [tilespmem:$0x42C0]  }
0x2e5: {  	v40 =	vadd.f32 v40, v42;
	v42 =	vld [tilespmem:$0x49C0]  }
0x2e6: {  	v0 =	vadd.f32 v5, v0;
	v5 =	vadd.f32 v20, v19;
	v19 =	vld [tilespmem:$0x4790]  }
0x2e7: {  	v43 =	vadd.f32 v44, v43;
	v44 =	vadd.f32 v52, v51;
	v20 =	vld [tilespmem:$0x4890]  }
0x2e8: {  	v11 =	vadd.f32 v13, v11;
	v13 =	vadd.f32 v29, v28;
	v29 =	vld [tilespmem:$0x45B0]  }
0x2e9: {  	v28 =	vadd.f32 v53, v44;
	v44 =	vld [tilespmem:$0x49D0]  }
0x2ea: {  	v40 =	vadd.f32 v50, v40;
	v50 =	vld [tilespmem:$0x43F0]  }
0x2eb: {  	v0 =	vadd.f32 v6, v0;
	v6 =	vld [tilespmem:$0x4990]  }
0x2ec: {  	v11 =	vadd.f32 v14, v11;
	v14 =	vld [tilespmem:$0x42A0]  }
0x2ed: {  	v5 =	vadd.f32 v21, v5;
	v21 =	vld [tilespmem:$0x47A0]  }
0x2ee: {  	[tilespmem:$0x1FF10] =	vst v8;
	v8 =	vld [tilespmem:$0x4740]  }
0x2ef: {  	[tilespmem:$0x1FFA0] =	vst v9;
	v9 =	vld [tilespmem:$0x4780]  }
0x2f0: {  	v13 =	vadd.f32 v30, v13;
	v0 =	vadd.f32 v7, v0;
	v7 =	vld [tilespmem:$0x43A0]  }
0x2f1: {  	v11 =	vadd.f32 v15, v11;
	v15 =	vld [tilespmem:$0x44A0]  }
0x2f2: {  	v13 =	vadd.f32 v31, v13;
	v31 =	vld [tilespmem:$0x1FF00]  }
0x2f3: {  	v5 =	vadd.f32 v22, v5;
	v22 =	vld [tilespmem:$0x49A0]  }
0x2f4: {  	v0 =	vadd.f32 v18, v0;
	v18 =	vld [tilespmem:$0x45A0]  }
0x2f5: {  	v11 =	vadd.f32 v16, v11;
	v16 =	vld [tilespmem:$0x46A0]  }
0x2f6: {  	v13 =	vadd.f32 v32, v13;
	v32 =	vld [tilespmem:$0x1FF10]  }
0x2f7: {  	v5 =	vadd.f32 v23, v5;
	v23 =	vld [tilespmem:$0x42B0]  }
0x2f8: {  	[tilespmem:$0x1FF20] =	vst v8;
	v8 =	vld [tilespmem:$0x4840]  }
0x2f9: {  	[tilespmem:$0x1FFB0] =	vst v9;
	v9 =	vld [tilespmem:$0x4880]  }
0x2fa: {  	v11 =	vadd.f32 v17, v11;
	v17 =	vld [tilespmem:$0x48A0]  }
0x2fb: {  	v13 =	vadd.f32 v33, v13;
	v33 =	vld [tilespmem:$0x48B0]  }
0x2fc: {  	v5 =	vadd.f32 v24, v5;
	v24 =	vadd.f32 v37, v36;
	v36 =	vld [tilespmem:$0x43C0]  }
0x2fd: {  	v37 =	vld [tilespmem:$0x44C0]  }
0x2fe: {  	v0 =	vadd.f32 v57, v0;
	v57 =	vld [tilespmem:$0x43D0]  }
0x2ff: {  	v5 =	vadd.f32 v25, v5;
	v25 =	vld [tilespmem:$0x43B0]  }
0x300: {  	v0 =	vadd.f32 v31, v0;
	v31 =	vld [tilespmem:$0x46B0]  }
0x301: {  	[tilespmem:$0x1FF30] =	vst v8;
	v8 =	vld [tilespmem:$0x4940]  }
0x302: {  	v13 =	vadd.f32 v34, v13;
	v34 =	vld [tilespmem:$0x49B0]  }
0x303: {  	v24 =	vadd.f32 v38, v24;
	v38 =	vld [tilespmem:$0x45C0]  }
0x304: {  	v11 =	vadd.f32 v32, v11;
	v32 =	vld [tilespmem:$0x47B0]  }
0x305: {  	v24 =	vadd.f32 v49, v24;
	v49 =	vld [tilespmem:$0x1FF20]  }
0x306: {  	[tilespmem:$0x1FF50] =	vst v8;
	v8 =	vld [tilespmem:$0x4850]  }
0x307: {  	v5 =	vadd.f32 v26, v5;
	v26 =	vadd.f32 v45, v43;
	v43 =	vld [tilespmem:$0x47C0]  }
0x308: {  	v45 =	vadd.f32 v60, v59;
	v59 =	vld [tilespmem:$0x1FF90]  }
0x309: {  	v60 =	vld [tilespmem:$0x45D0]  }
0x30a: {  	[tilespmem:$0x1FFC0] =	vst v9;
	v9 =	vld [tilespmem:$0x4980]  }
0x30b: {  	[tilespmem:$0x1FF40] =	vst v8;
	v8 =	vld [tilespmem:$0x4950]  }
0x30c: {  	v51 =	vld [tilespmem:$0x1FF30]  }
0x30d: {  	v7 =	vadd.f32 v7, v14;
	v30 =	vadd.f32 v61, v45;
	v61 =	vld [tilespmem:$0x46D0]  }
0x30e: {  	v45 =	vld [tilespmem:$0x42E0]  }
0x30f: {  	v7 =	vadd.f32 v15, v7;
	v26 =	vadd.f32 v46, v26;
	v46 =	vld [tilespmem:$0x1FFC0]  }
0x310: {  	[tilespmem:$0x1FF70] =	vst v8;
	v8 =	vld [tilespmem:$0x4860]  }
0x311: {  	v7 =	vadd.f32 v18, v7;
	v30 =	vadd.f32 v62, v30;
	v62 =	vld [tilespmem:$0x1FFA0]  }
0x312: {  	v28 =	vadd.f32 v54, v28;
	v26 =	vadd.f32 v47, v26;
	v47 =	vld [tilespmem:$0x43E0]  }
0x313: {  	v7 =	vadd.f32 v16, v7;
	[tilespmem:$0x1FFD0] =	vst v9;
	v9 =	vld [tilespmem:$0x4390]  }
0x314: {  	v28 =	vadd.f32 v55, v28;
	v26 =	vadd.f32 v48, v26;
	v48 =	vld [tilespmem:$0x42F0]  }
0x315: {  	v24 =	vadd.f32 v49, v24;
	v7 =	vadd.f32 v21, v7;
	[tilespmem:$0x1FF60] =	vst v8;
	v8 =	vld [tilespmem:$0x4960]  }
0x316: {  	v28 =	vadd.f32 v56, v28;
	v30 =	vadd.f32 v63, v30;
	v53 =	vld [tilespmem:$0x1FF50]  }
0x317: {  	v63 =	vld [tilespmem:$0x47D0];
	v24 =	vadd.f32 v51, v24;
	v7 =	vadd.f32 v17, v7  }
0x318: {  	v49 =	vld [tilespmem:$0x1FFD0];
	v51 =	vadd.f32 v36, v35;
	v9 =	vadd.f32 v9, v10  }
0x319: {  	v23 =	vadd.f32 v25, v23;
	v7 =	vadd.f32 v22, v7;
	v52 =	vld [tilespmem:$0x1FF40]  }
0x31a: {  	v22 =	vadd.f32 v37, v51;
	v9 =	vadd.f32 v39, v9;
	[tilespmem:$0x1FF80] =	vst v8;
	v8 =	vld [tilespmem:$0x4770]  }
0x31b: {  	v0 =	vmul.f32 $1.992984650e-05, v0;
	v10 =	vld [tilespmem:$0x42D0];
	v17 =	vadd.f32 v50, v48;
	v24 =	vadd.f32 v53, v24  }
0x31c: {  	v53 =	vld [tilespmem:$0x45E0];
	v1 =	vadd.f32 v1, v9;
	v9 =	vadd.f32 v27, v23  }
0x31d: {  	[tilespmem:$0x4100] =	vst v0;
	v0 =	vadd.f32 v38, v22;
	v39 =	vadd.f32 v59, v40;
	v40 =	vld [tilespmem:$0x1FFB0]  }
0x31e: {  	v59 =	vld [tilespmem:$0x47F0];
	v1 =	vadd.f32 v12, v1;
	v9 =	vadd.f32 v29, v9  }
0x31f: {  	v26 =	vadd.f32 v52, v26;
	v55 =	vld [tilespmem:$0x1FF70];
	v8 =	vadd.f32 v8, v30  }
0x320: {  	v52 =	vld [tilespmem:$0x44F0];
	v1 =	vadd.f32 v19, v1;
	v9 =	vadd.f32 v31, v9  }
0x321: {  	v27 =	vadd.f32 v62, v39;
	v54 =	vld [tilespmem:$0x1FF60];
	v8 =	vadd.f32 v41, v8  }
0x322: {  	v1 =	vadd.f32 v20, v1;
	v9 =	vadd.f32 v32, v9;
	v56 =	vld [tilespmem:$0x1FF80]  }
0x323: {  	v27 =	vadd.f32 v40, v27;
	v8 =	vadd.f32 v58, v8;
	v58 =	vld [tilespmem:$0x44D0]  }
0x324: {  	v1 =	vadd.f32 v6, v1;
	v6 =	vadd.f32 v33, v9;
	v9 =	vld [tilespmem:$0x44E0]  }
0x325: {  	v27 =	vadd.f32 v46, v27;
	v26 =	vadd.f32 v55, v26;
	v55 =	vld [tilespmem:$0x46E0]  }
0x326: {  	v10 =	vadd.f32 v57, v10;
	v28 =	vadd.f32 v54, v28;
	v30 =	vld [tilespmem:$0x46C0]  }
0x327: {  	v19 =	vadd.f32 v47, v45;
	v27 =	vadd.f32 v49, v27;
	v54 =	vld [tilespmem:$0x45F0]  }
0x328: {  	v11 =	vmul.f32 $1.992984650e-05, v11;
	v28 =	vadd.f32 v56, v28;
	v56 =	vld [tilespmem:$0x46F0];
	v10 =	vadd.f32 v58, v10  }
0x329: {  	v5 =	vmul.f32 $1.992984650e-05, v5;
	v57 =	vadd.f32 v52, v17;
	v9 =	vadd.f32 v9, v19;
	v41 =	vld [tilespmem:$0x48C0]  }
0x32a: {  	[tilespmem:$0x4110] =	vst v11;
	v11 =	vmul.f32 $1.992984650e-05, v13;
	v6 =	vadd.f32 v34, v6;
	v58 =	vld [tilespmem:$0x47E0];
	v10 =	vadd.f32 v60, v10  }
0x32b: {  	[tilespmem:$0x4120] =	vst v5;
	v5 =	vmul.f32 $1.992984650e-05, v24;
	v39 =	vld [tilespmem:$0x48D0];
	v9 =	vadd.f32 v53, v9;
	v0 =	vadd.f32 v30, v0  }
0x32c: {  	[tilespmem:$0x4130] =	vst v11;
	v11 =	vmul.f32 $1.992984650e-05, v26;
	v13 =	vadd.f32 v54, v57;
	v60 =	vld [tilespmem:$0x48E0];
	v10 =	vadd.f32 v61, v10  }
0x32d: {  	[tilespmem:$0x4140] =	vst v5;
	v9 =	vadd.f32 v55, v9;
	v5 =	vmul.f32 $1.992984650e-05, v28;
	v0 =	vadd.f32 v43, v0;
	v61 =	vld [tilespmem:$0x48F0]  }
0x32e: {  	v62 =	vld [tilespmem:$0x49E0];
	[tilespmem:$0x4150] =	vst v11;
	v8 =	vmul.f32 $1.992984650e-05, v8;
	v11 =	vadd.f32 v56, v13;
	v10 =	vadd.f32 v63, v10  }
0x32f: {  	[tilespmem:$0x4160] =	vst v5;
	v5 =	vmul.f32 $1.992984650e-05, v27;
	v0 =	vadd.f32 v41, v0;
	v9 =	vadd.f32 v58, v9;
	v63 =	vld [tilespmem:$0x49F0]  }
0x330: {  	v1 =	vmul.f32 $1.992984650e-05, v1;
	[tilespmem:$0x4170] =	vst v8;
	v8 =	vadd.f32 v39, v10;
	v10 =	vadd.f32 v59, v11  }
0x331: {  	v7 =	vmul.f32 $1.992984650e-05, v7;
	[tilespmem:$0x4180] =	vst v5;
	v0 =	vadd.f32 v42, v0;
	v5 =	vadd.f32 v60, v9  }
0x332: {  	[tilespmem:$0x4190] =	vst v1;
	v6 =	vmul.f32 $1.992984650e-05, v6;
	v1 =	vadd.f32 v44, v8;
	v8 =	vadd.f32 v61, v10  }
0x333: {  	[tilespmem:$0x41A0] =	vst v7;
	v0 =	vmul.f32 $1.992984650e-05, v0;
	v5 =	vadd.f32 v62, v5  }
0x334: {  	[tilespmem:$0x41B0] =	vst v6;
	v1 =	vmul.f32 $1.992984650e-05, v1;
	v6 =	vadd.f32 v63, v8  }
0x335: {  	[tilespmem:$0x41C0] =	vst v0;
	v0 =	vmul.f32 $1.992984650e-05, v5  }
0x336: {  	[tilespmem:$0x41D0] =	vst v1;
	v1 =	vmul.f32 $1.992984650e-05, v6  }
0x337: {  	[tilespmem:$0x41E0] =	vst v0  }
0x338: {  	[tilespmem:$0x41F0] =	vst v1  }
0x339: {  	_ =	swait.ge [sflag:s0], $0x2000  }
0x33a: {  	[sflag:s0] =	ssyncset.done $0x0  }
0x33b: {  	[sflag:s0] =	ssyncadd.s32 $0xFFFFE000  }
0x33c: {  	_ =	swait.ge [sflag:s1], $0x20  }
0x33d: {  	[sflag:s1] =	ssyncset.done $0x0  }
0x33e: {  	s29 =	simm.s32 $0x0;
	[sflag:s1] =	ssyncadd.s32 $0xFFFFFFE0  }
0x33f: {  	v0 =	vld [tilespmem:s29+$0x4100]  }
0x340: {  	s20 =	simm.s32 $0x4B00  }
0x341: {  	v1 =	vld [tilespmem:s20+$0xFFFFFF00]  }
0x342: {  	v5 =	vld [tilespmem:$0x6A00]  }
0x343: {  	v6 =	vld [tilespmem:s20+$0xFFFFFF20]  }
0x344: {  	v7 =	vbroadcast v0, $0x0  }
0x345: {  	v8 =	vld [tilespmem:s20+$0xFFFFFF40]  }
0x346: {  	v1 =	vmul.f32 v1, v7;
	v7 =	vbroadcast v0, $0x1  }
0x347: {  	v9 =	vld [tilespmem:s20+$0xFFFFFF60]  }
0x348: {  	v1 =	vadd.f32 v1, v5;
	v5 =	vmul.f32 v6, v7;
	v6 =	vbroadcast v0, $0x2  }
0x349: {  	v7 =	vld [tilespmem:s20+$0xFFFFFF80]  }
0x34a: {  	v1 =	vadd.f32 v5, v1;
	v5 =	vmul.f32 v8, v6;
	v6 =	vbroadcast v0, $0x3  }
0x34b: {  	v8 =	vld [tilespmem:s20+$0xFFFFFFA0]  }
0x34c: {  	v1 =	vadd.f32 v5, v1;
	v5 =	vmul.f32 v9, v6;
	v6 =	vbroadcast v0, $0x4  }
0x34d: {  	v9 =	vld [tilespmem:s20+$0xFFFFFFC0]  }
0x34e: {  	v1 =	vadd.f32 v5, v1;
	v5 =	vmul.f32 v7, v6;
	v6 =	vbroadcast v0, $0x5  }
0x34f: {  	v7 =	vld [tilespmem:s20+$0xFFFFFFE0]  }
0x350: {  	v1 =	vadd.f32 v5, v1;
	v5 =	vmul.f32 v8, v6;
	v6 =	vbroadcast v0, $0x6  }
0x351: {  	v8 =	vld [tilespmem:s20+$0x0]  }
0x352: {  	v1 =	vadd.f32 v5, v1;
	v5 =	vmul.f32 v9, v6;
	v6 =	vbroadcast v0, $0x7  }
0x353: {  	v9 =	vld [tilespmem:s20+$0x20]  }
0x354: {  	v1 =	vadd.f32 v5, v1;
	v5 =	vmul.f32 v7, v6;
	v6 =	vbroadcast v0, $0x8  }
0x355: {  	v7 =	vld [tilespmem:s20+$0x40]  }
0x356: {  	v1 =	vadd.f32 v5, v1;
	v5 =	vmul.f32 v8, v6;
	v6 =	vbroadcast v0, $0x9  }
0x357: {  	v8 =	vld [tilespmem:s20+$0x60]  }
0x358: {  	v1 =	vadd.f32 v5, v1;
	v5 =	vmul.f32 v9, v6;
	v6 =	vbroadcast v0, $0xA  }
0x359: {  	v9 =	vld [tilespmem:s20+$0x80]  }
0x35a: {  	v1 =	vadd.f32 v5, v1;
	v5 =	vmul.f32 v7, v6;
	v7 =	vbroadcast v0, $0xB  }
0x35b: {  	v6 =	vld [tilespmem:s20+$0xA0]  }
0x35c: {  	v5 =	vadd.f32 v5, v1;
	v7 =	vmul.f32 v8, v7;
	v8 =	vbroadcast v0, $0xC  }
0x35d: {  	v1 =	vld [tilespmem:s20+$0xC0]  }
0x35e: {  	s4 =	simm.s32 $0x80;
	s5 =	simm.s32 $0x10;
	v7 =	vadd.f32 v7, v5;
	v8 =	vmul.f32 v9, v8;
	v9 =	vbroadcast v0, $0xD;
	v5 =	vld [tilespmem:s20+$0xE0]  }
.LBB2_12:
0x35f: {  	p0 =	sne.s32 s4, $0x3C0;
	v10 =	vld [tilespmem:s5+$0x4100]  }
0x360: {  	s20 =	sadd.s32 $0x200, s20;
	v7 =	vadd.f32 v8, v7;
	v6 =	vmul.f32 v6, v9;
	v8 =	vbroadcast v0, $0xE  }
0x361: {  	v9 =	vld [tilespmem:s20+$0xFFFFFF00]  }
0x362: {  	v11 =	vbroadcast v0, $0xF;
	v6 =	vadd.f32 v6, v7;
	v1 =	vmul.f32 v1, v8  }
0x363: {  	v7 =	vld [tilespmem:s20+$0xFFFFFF20]  }
0x364: {  	v5 =	vmul.f32 v5, v11;
	v8 =	vbroadcast v10, $0x0;
	v1 =	vadd.f32 v1, v6;
	v0 =	vmovc v10  }
0x365: {  	v6 =	vld [tilespmem:s20+$0xFFFFFF40]  }
0x366: {  	v8 =	vmul.f32 v9, v8;
	v9 =	vbroadcast v0, $0x1;
	v1 =	vadd.f32 v5, v1  }
0x367: {  	v5 =	vld [tilespmem:s20+$0xFFFFFF60]  }
0x368: {  	v1 =	vadd.f32 v8, v1;
	v7 =	vmul.f32 v7, v9;
	v8 =	vbroadcast v0, $0x2  }
0x369: {  	v9 =	vld [tilespmem:s20+$0xFFFFFF80]  }
0x36a: {  	v1 =	vadd.f32 v7, v1;
	v6 =	vmul.f32 v6, v8;
	v7 =	vbroadcast v0, $0x3  }
0x36b: {  	v8 =	vld [tilespmem:s20+$0xFFFFFFA0]  }
0x36c: {  	v1 =	vadd.f32 v6, v1;
	v5 =	vmul.f32 v5, v7;
	v6 =	vbroadcast v0, $0x4  }
0x36d: {  	v7 =	vld [tilespmem:s20+$0xFFFFFFC0]  }
0x36e: {  	v1 =	vadd.f32 v5, v1;
	v5 =	vmul.f32 v9, v6;
	v6 =	vbroadcast v0, $0x5  }
0x36f: {  	v9 =	vld [tilespmem:s20+$0xFFFFFFE0]  }
0x370: {  	v1 =	vadd.f32 v5, v1;
	v5 =	vmul.f32 v8, v6;
	v6 =	vbroadcast v0, $0x6  }
0x371: {  	v8 =	vld [tilespmem:s20+$0x0]  }
0x372: {  	v1 =	vadd.f32 v5, v1;
	v5 =	vmul.f32 v7, v6;
	v6 =	vbroadcast v0, $0x7  }
0x373: {  	v7 =	vld [tilespmem:s20+$0x20]  }
0x374: {  	v1 =	vadd.f32 v5, v1;
	v5 =	vmul.f32 v9, v6;
	v6 =	vbroadcast v0, $0x8  }
0x375: {  	v9 =	vld [tilespmem:s20+$0x40]  }
0x376: {  	v1 =	vadd.f32 v5, v1;
	v5 =	vmul.f32 v8, v6;
	v6 =	vbroadcast v0, $0x9  }
0x377: {  	v8 =	vld [tilespmem:s20+$0x60]  }
0x378: {  	v1 =	vadd.f32 v5, v1;
	v5 =	vmul.f32 v7, v6;
	v6 =	vbroadcast v0, $0xA  }
0x379: {  	v10 =	vld [tilespmem:s20+$0x80]  }
.Ltmp5:
0x37a: {  	v7 =	vbroadcast v0, $0xB;
	v1 =	vadd.f32 v5, v1;
	v5 =	vmul.f32 v9, v6;
	(pc) =	sbr.rel @p0 .LBB2_12-.Ltmp5, $4  }
0x37b: {  	v6 =	vld [tilespmem:s20+$0xA0]  }
0x37c: {  	v5 =	vadd.f32 v5, v1;
	v7 =	vmul.f32 v8, v7;
	v8 =	vbroadcast v0, $0xC  }
0x37d: {  	v1 =	vld [tilespmem:s20+$0xC0]  }
0x37e: {  	s5 =	sshra.s32 s4, $0x2;
	s4 =	sadd.s32 $0x40, s4;
	v9 =	vbroadcast v0, $0xD;
	v7 =	vadd.f32 v7, v5;
	v8 =	vmul.f32 v10, v8;
	v5 =	vld [tilespmem:s20+$0xE0]  }
0x37f: {  	v10 =	vld [tilespmem:s5+$0x4100]  }
0x380: {  	s4 =	sadd.s32 $0x200, s20;
	v7 =	vadd.f32 v8, v7;
	v6 =	vmul.f32 v6, v9;
	v8 =	vbroadcast v0, $0xE  }
0x381: {  	v9 =	vld [tilespmem:s4+$0xFFFFFF00]  }
0x382: {  	v0 =	vbroadcast v0, $0xF;
	v6 =	vadd.f32 v6, v7;
	v1 =	vmul.f32 v1, v8  }
0x383: {  	v7 =	vld [tilespmem:s4+$0xFFFFFF20]  }
0x384: {  	v0 =	vmul.f32 v5, v0;
	v8 =	vbroadcast v10, $0x0;
	v1 =	vadd.f32 v1, v6  }
0x385: {  	v5 =	vld [tilespmem:s4+$0xFFFFFF40]  }
0x386: {  	v6 =	vmul.f32 v9, v8;
	v8 =	vbroadcast v10, $0x1;
	v0 =	vadd.f32 v0, v1  }
0x387: {  	v1 =	vld [tilespmem:s4+$0xFFFFFF60]  }
0x388: {  	v0 =	vadd.f32 v6, v0;
	v6 =	vmul.f32 v7, v8;
	v7 =	vbroadcast v10, $0x2  }
0x389: {  	v8 =	vld [tilespmem:s4+$0xFFFFFF80]  }
0x38a: {  	v0 =	vadd.f32 v6, v0;
	v5 =	vmul.f32 v5, v7;
	v6 =	vbroadcast v10, $0x3  }
0x38b: {  	v7 =	vld [tilespmem:s4+$0xFFFFFFA0]  }
0x38c: {  	v0 =	vadd.f32 v5, v0;
	v1 =	vmul.f32 v1, v6;
	v5 =	vbroadcast v10, $0x4  }
0x38d: {  	v6 =	vld [tilespmem:s4+$0xFFFFFFC0]  }
0x38e: {  	v0 =	vadd.f32 v1, v0;
	v1 =	vmul.f32 v8, v5;
	v5 =	vbroadcast v10, $0x5  }
0x38f: {  	v8 =	vld [tilespmem:s4+$0xFFFFFFE0]  }
0x390: {  	v0 =	vadd.f32 v1, v0;
	v1 =	vmul.f32 v7, v5;
	v5 =	vbroadcast v10, $0x6  }
0x391: {  	v7 =	vld [tilespmem:s4+$0x0]  }
0x392: {  	v0 =	vadd.f32 v1, v0;
	v1 =	vmul.f32 v6, v5;
	v5 =	vbroadcast v10, $0x7  }
0x393: {  	v6 =	vld [tilespmem:s4+$0x20]  }
0x394: {  	v0 =	vadd.f32 v1, v0;
	v1 =	vmul.f32 v8, v5;
	v5 =	vbroadcast v10, $0x8  }
0x395: {  	v8 =	vld [tilespmem:s4+$0x40]  }
0x396: {  	v0 =	vadd.f32 v1, v0;
	v1 =	vmul.f32 v7, v5;
	v5 =	vbroadcast v10, $0x9  }
0x397: {  	v7 =	vld [tilespmem:s4+$0x60]  }
0x398: {  	v0 =	vadd.f32 v1, v0;
	v1 =	vmul.f32 v6, v5;
	v5 =	vbroadcast v10, $0xA  }
0x399: {  	v6 =	vld [tilespmem:s4+$0x80]  }
0x39a: {  	v0 =	vadd.f32 v1, v0;
	v1 =	vmul.f32 v8, v5;
	v5 =	vbroadcast v10, $0xB  }
0x39b: {  	v8 =	vld [tilespmem:s4+$0xA0]  }
0x39c: {  	v0 =	vadd.f32 v1, v0;
	v1 =	vmul.f32 v7, v5;
	v5 =	vbroadcast v10, $0xC  }
0x39d: {  	v7 =	vld [tilespmem:s4+$0xC0]  }
0x39e: {  	v0 =	vadd.f32 v1, v0;
	v1 =	vmul.f32 v6, v5;
	v5 =	vbroadcast v10, $0xD  }
0x39f: {  	v6 =	vld [tilespmem:s4+$0xE0]  }
0x3a0: {  	v0 =	vadd.f32 v1, v0;
	v1 =	vmul.f32 v8, v5;
	v5 =	vbroadcast v10, $0xE;
	_ =	sdelay $0x1  }
0x3a1: {  	v0 =	vadd.f32 v1, v0;
	v1 =	vmul.f32 v7, v5;
	v5 =	vbroadcast v10, $0xF;
	_ =	sdelay $0x1  }
0x3a2: {  	v0 =	vadd.f32 v1, v0;
	v1 =	vmul.f32 v6, v5;
	_ =	sdelay $0x1  }
0x3a3: {  	v0 =	vadd.f32 v1, v0;
	_ =	sdelay $0x1  }
0x3a4: {  	v0 =	vmul.f32 $1.442695020e+00, v0;
	_ =	sdelay $0x1  }
0x3a5: {  	(erf) = vpow2.f32 v0;
	_ =	sdelay $0x8  }
0x3a6: {  	v0 =	vpop (erf)  }
0x3a7: {  	vm0 =	vgt.f32 v0, $0.0e+00;
	v0 =	vld [tilespmem:$0x1FFE0];
	_ =	sdelay $0x4  }
0x3a8: {  	v0 =	vnsel vm0, $0x0, v0  }
0x3a9: {  	s29 =	simm.s32 $0x0;
	[tilespmem:$0x6A80] =	vst v0  }
0x3aa: {  	v0 =	vld [tilespmem:s29+$0x4100]  }
0x3ab: {  	s20 =	simm.s32 $0x4B10  }
0x3ac: {  	v1 =	vld [tilespmem:s20+$0xFFFFFF00]  }
0x3ad: {  	v5 =	vld [tilespmem:$0x6A10]  }
0x3ae: {  	v6 =	vld [tilespmem:s20+$0xFFFFFF20]  }
0x3af: {  	v7 =	vbroadcast v0, $0x0  }
0x3b0: {  	v8 =	vld [tilespmem:s20+$0xFFFFFF40]  }
0x3b1: {  	v1 =	vmul.f32 v1, v7;
	v7 =	vbroadcast v0, $0x1  }
0x3b2: {  	v9 =	vld [tilespmem:s20+$0xFFFFFF60]  }
0x3b3: {  	v1 =	vadd.f32 v1, v5;
	v5 =	vmul.f32 v6, v7;
	v6 =	vbroadcast v0, $0x2  }
0x3b4: {  	v7 =	vld [tilespmem:s20+$0xFFFFFF80]  }
0x3b5: {  	v1 =	vadd.f32 v5, v1;
	v5 =	vmul.f32 v8, v6;
	v6 =	vbroadcast v0, $0x3  }
0x3b6: {  	v8 =	vld [tilespmem:s20+$0xFFFFFFA0]  }
0x3b7: {  	v1 =	vadd.f32 v5, v1;
	v5 =	vmul.f32 v9, v6;
	v6 =	vbroadcast v0, $0x4  }
0x3b8: {  	v9 =	vld [tilespmem:s20+$0xFFFFFFC0]  }
0x3b9: {  	v1 =	vadd.f32 v5, v1;
	v5 =	vmul.f32 v7, v6;
	v6 =	vbroadcast v0, $0x5  }
0x3ba: {  	v7 =	vld [tilespmem:s20+$0xFFFFFFE0]  }
0x3bb: {  	v1 =	vadd.f32 v5, v1;
	v5 =	vmul.f32 v8, v6;
	v6 =	vbroadcast v0, $0x6  }
0x3bc: {  	v8 =	vld [tilespmem:s20+$0x0]  }
0x3bd: {  	v1 =	vadd.f32 v5, v1;
	v5 =	vmul.f32 v9, v6;
	v6 =	vbroadcast v0, $0x7  }
0x3be: {  	v9 =	vld [tilespmem:s20+$0x20]  }
0x3bf: {  	v1 =	vadd.f32 v5, v1;
	v5 =	vmul.f32 v7, v6;
	v6 =	vbroadcast v0, $0x8  }
0x3c0: {  	v7 =	vld [tilespmem:s20+$0x40]  }
0x3c1: {  	v1 =	vadd.f32 v5, v1;
	v5 =	vmul.f32 v8, v6;
	v6 =	vbroadcast v0, $0x9  }
0x3c2: {  	v8 =	vld [tilespmem:s20+$0x60]  }
0x3c3: {  	v1 =	vadd.f32 v5, v1;
	v5 =	vmul.f32 v9, v6;
	v6 =	vbroadcast v0, $0xA  }
0x3c4: {  	v9 =	vld [tilespmem:s20+$0x80]  }
0x3c5: {  	v1 =	vadd.f32 v5, v1;
	v5 =	vmul.f32 v7, v6;
	v7 =	vbroadcast v0, $0xB  }
0x3c6: {  	v6 =	vld [tilespmem:s20+$0xA0]  }
0x3c7: {  	v5 =	vadd.f32 v5, v1;
	v7 =	vmul.f32 v8, v7;
	v8 =	vbroadcast v0, $0xC  }
0x3c8: {  	v1 =	vld [tilespmem:s20+$0xC0]  }
0x3c9: {  	s5 =	simm.s32 $0x10;
	s4 =	simm.s32 $0x80;
	v7 =	vadd.f32 v7, v5;
	v8 =	vmul.f32 v9, v8;
	v9 =	vbroadcast v0, $0xD;
	v5 =	vld [tilespmem:s20+$0xE0]  }
.LBB2_14:
0x3ca: {  	p0 =	sne.s32 s4, $0x3C0;
	v10 =	vld [tilespmem:s5+$0x4100]  }
0x3cb: {  	s20 =	sadd.s32 $0x200, s20;
	v7 =	vadd.f32 v8, v7;
	v6 =	vmul.f32 v6, v9;
	v8 =	vbroadcast v0, $0xE  }
0x3cc: {  	v9 =	vld [tilespmem:s20+$0xFFFFFF00]  }
0x3cd: {  	v11 =	vbroadcast v0, $0xF;
	v6 =	vadd.f32 v6, v7;
	v1 =	vmul.f32 v1, v8  }
0x3ce: {  	v7 =	vld [tilespmem:s20+$0xFFFFFF20]  }
0x3cf: {  	v5 =	vmul.f32 v5, v11;
	v8 =	vbroadcast v10, $0x0;
	v1 =	vadd.f32 v1, v6;
	v0 =	vmovc v10  }
0x3d0: {  	v6 =	vld [tilespmem:s20+$0xFFFFFF40]  }
0x3d1: {  	v8 =	vmul.f32 v9, v8;
	v9 =	vbroadcast v0, $0x1;
	v1 =	vadd.f32 v5, v1  }
0x3d2: {  	v5 =	vld [tilespmem:s20+$0xFFFFFF60]  }
0x3d3: {  	v1 =	vadd.f32 v8, v1;
	v7 =	vmul.f32 v7, v9;
	v8 =	vbroadcast v0, $0x2  }
0x3d4: {  	v9 =	vld [tilespmem:s20+$0xFFFFFF80]  }
0x3d5: {  	v1 =	vadd.f32 v7, v1;
	v6 =	vmul.f32 v6, v8;
	v7 =	vbroadcast v0, $0x3  }
0x3d6: {  	v8 =	vld [tilespmem:s20+$0xFFFFFFA0]  }
0x3d7: {  	v1 =	vadd.f32 v6, v1;
	v5 =	vmul.f32 v5, v7;
	v6 =	vbroadcast v0, $0x4  }
0x3d8: {  	v7 =	vld [tilespmem:s20+$0xFFFFFFC0]  }
0x3d9: {  	v1 =	vadd.f32 v5, v1;
	v5 =	vmul.f32 v9, v6;
	v6 =	vbroadcast v0, $0x5  }
0x3da: {  	v9 =	vld [tilespmem:s20+$0xFFFFFFE0]  }
0x3db: {  	v1 =	vadd.f32 v5, v1;
	v5 =	vmul.f32 v8, v6;
	v6 =	vbroadcast v0, $0x6  }
0x3dc: {  	v8 =	vld [tilespmem:s20+$0x0]  }
0x3dd: {  	v1 =	vadd.f32 v5, v1;
	v5 =	vmul.f32 v7, v6;
	v6 =	vbroadcast v0, $0x7  }
0x3de: {  	v7 =	vld [tilespmem:s20+$0x20]  }
0x3df: {  	v1 =	vadd.f32 v5, v1;
	v5 =	vmul.f32 v9, v6;
	v6 =	vbroadcast v0, $0x8  }
0x3e0: {  	v9 =	vld [tilespmem:s20+$0x40]  }
0x3e1: {  	v1 =	vadd.f32 v5, v1;
	v5 =	vmul.f32 v8, v6;
	v6 =	vbroadcast v0, $0x9  }
0x3e2: {  	v8 =	vld [tilespmem:s20+$0x60]  }
0x3e3: {  	v1 =	vadd.f32 v5, v1;
	v5 =	vmul.f32 v7, v6;
	v6 =	vbroadcast v0, $0xA  }
0x3e4: {  	v10 =	vld [tilespmem:s20+$0x80]  }
.Ltmp6:
0x3e5: {  	v7 =	vbroadcast v0, $0xB;
	v1 =	vadd.f32 v5, v1;
	v5 =	vmul.f32 v9, v6;
	(pc) =	sbr.rel @p0 .LBB2_14-.Ltmp6, $4  }
0x3e6: {  	v6 =	vld [tilespmem:s20+$0xA0]  }
0x3e7: {  	v5 =	vadd.f32 v5, v1;
	v7 =	vmul.f32 v8, v7;
	v8 =	vbroadcast v0, $0xC  }
0x3e8: {  	v1 =	vld [tilespmem:s20+$0xC0]  }
0x3e9: {  	s5 =	sshra.s32 s4, $0x2;
	s4 =	sadd.s32 $0x40, s4;
	v9 =	vbroadcast v0, $0xD;
	v7 =	vadd.f32 v7, v5;
	v8 =	vmul.f32 v10, v8;
	v5 =	vld [tilespmem:s20+$0xE0]  }
0x3ea: {  	v10 =	vld [tilespmem:s5+$0x4100]  }
0x3eb: {  	s4 =	sadd.s32 $0x200, s20;
	v7 =	vadd.f32 v8, v7;
	v6 =	vmul.f32 v6, v9;
	v8 =	vbroadcast v0, $0xE  }
0x3ec: {  	v9 =	vld [tilespmem:s4+$0xFFFFFF00]  }
0x3ed: {  	v0 =	vbroadcast v0, $0xF;
	v6 =	vadd.f32 v6, v7;
	v1 =	vmul.f32 v1, v8  }
0x3ee: {  	v7 =	vld [tilespmem:s4+$0xFFFFFF20]  }
0x3ef: {  	v0 =	vmul.f32 v5, v0;
	v8 =	vbroadcast v10, $0x0;
	v1 =	vadd.f32 v1, v6  }
0x3f0: {  	v5 =	vld [tilespmem:s4+$0xFFFFFF40]  }
0x3f1: {  	v6 =	vmul.f32 v9, v8;
	v8 =	vbroadcast v10, $0x1;
	v0 =	vadd.f32 v0, v1  }
0x3f2: {  	v1 =	vld [tilespmem:s4+$0xFFFFFF60]  }
0x3f3: {  	v0 =	vadd.f32 v6, v0;
	v6 =	vmul.f32 v7, v8;
	v7 =	vbroadcast v10, $0x2  }
0x3f4: {  	v8 =	vld [tilespmem:s4+$0xFFFFFF80]  }
0x3f5: {  	v0 =	vadd.f32 v6, v0;
	v5 =	vmul.f32 v5, v7;
	v6 =	vbroadcast v10, $0x3  }
0x3f6: {  	v7 =	vld [tilespmem:s4+$0xFFFFFFA0]  }
0x3f7: {  	v0 =	vadd.f32 v5, v0;
	v1 =	vmul.f32 v1, v6;
	v5 =	vbroadcast v10, $0x4  }
0x3f8: {  	v6 =	vld [tilespmem:s4+$0xFFFFFFC0]  }
0x3f9: {  	v0 =	vadd.f32 v1, v0;
	v1 =	vmul.f32 v8, v5;
	v5 =	vbroadcast v10, $0x5  }
0x3fa: {  	v8 =	vld [tilespmem:s4+$0xFFFFFFE0]  }
0x3fb: {  	v0 =	vadd.f32 v1, v0;
	v1 =	vmul.f32 v7, v5;
	v5 =	vbroadcast v10, $0x6  }
0x3fc: {  	v7 =	vld [tilespmem:s4+$0x0]  }
0x3fd: {  	v0 =	vadd.f32 v1, v0;
	v1 =	vmul.f32 v6, v5;
	v5 =	vbroadcast v10, $0x7  }
0x3fe: {  	v6 =	vld [tilespmem:s4+$0x20]  }
0x3ff: {  	v0 =	vadd.f32 v1, v0;
	v1 =	vmul.f32 v8, v5;
	v5 =	vbroadcast v10, $0x8  }
0x400: {  	v8 =	vld [tilespmem:s4+$0x40]  }
0x401: {  	v0 =	vadd.f32 v1, v0;
	v1 =	vmul.f32 v7, v5;
	v5 =	vbroadcast v10, $0x9  }
0x402: {  	v7 =	vld [tilespmem:s4+$0x60]  }
0x403: {  	v0 =	vadd.f32 v1, v0;
	v1 =	vmul.f32 v6, v5;
	v5 =	vbroadcast v10, $0xA  }
0x404: {  	v6 =	vld [tilespmem:s4+$0x80]  }
0x405: {  	v0 =	vadd.f32 v1, v0;
	v1 =	vmul.f32 v8, v5;
	v5 =	vbroadcast v10, $0xB  }
0x406: {  	v8 =	vld [tilespmem:s4+$0xA0]  }
0x407: {  	v0 =	vadd.f32 v1, v0;
	v1 =	vmul.f32 v7, v5;
	v5 =	vbroadcast v10, $0xC  }
0x408: {  	v7 =	vld [tilespmem:s4+$0xC0]  }
0x409: {  	v0 =	vadd.f32 v1, v0;
	v1 =	vmul.f32 v6, v5;
	v5 =	vbroadcast v10, $0xD  }
0x40a: {  	v6 =	vld [tilespmem:s4+$0xE0]  }
0x40b: {  	v0 =	vadd.f32 v1, v0;
	v1 =	vmul.f32 v8, v5;
	v5 =	vbroadcast v10, $0xE;
	_ =	sdelay $0x1  }
0x40c: {  	v0 =	vadd.f32 v1, v0;
	v1 =	vmul.f32 v7, v5;
	v5 =	vbroadcast v10, $0xF;
	_ =	sdelay $0x1  }
0x40d: {  	v0 =	vadd.f32 v1, v0;
	v1 =	vmul.f32 v6, v5;
	_ =	sdelay $0x1  }
0x40e: {  	v0 =	vadd.f32 v1, v0;
	_ =	sdelay $0x1  }
0x40f: {  	v0 =	vmul.f32 $1.442695020e+00, v0;
	_ =	sdelay $0x1  }
0x410: {  	(erf) = vpow2.f32 v0;
	_ =	sdelay $0x8  }
0x411: {  	v0 =	vpop (erf)  }
0x412: {  	vm0 =	vgt.f32 v0, $0.0e+00;
	v0 =	vld [tilespmem:$0x1FFF0];
	_ =	sdelay $0x4  }
0x413: {  	v0 =	vnsel vm0, $0x0, v0  }
0x414: {  	s20 =	simm.s32 $0x6A80;
	[tilespmem:$0x6A90] =	vst v0  }
0x415: {  	[spmem:s16] =	stream.linear.scatter [tilespmem:s20], [sflag:$0x5], $0x20, $0x38;
	[tilespmem:$0x85A0] =	vst v63  }
0x416: {  	_ =	swait.ge [sflag:s30], $0x20  }
0x417: {  	[sflag:s30] =	ssyncset.done $0x0  }
0x418: {  	[sflag:s30] =	ssyncadd.s32 $0xFFFFFFE0  }
0x419: {  	s24 =	simm.s32 $0x100;
	[bflag:$0x0] =	sbarrier.arrive $0xFFFF  }
0x41a: {  	[tilespmem:s25], [sflag:$0x5] =	stream.strided.gather [spmem:s17], $0x100, s24, s22, $0x38;
	[tilespmem:$0x85A0] =	vst v63  }
0x41b: {  	_ =	swait.ge [sflag:s30], $0x100  }
0x41c: {  	[sflag:s30] =	ssyncset.done $0x0  }
0x41d: {  	s29 =	simm.s32 $0x18C0;
	[sflag:s30] =	ssyncadd.s32 $0xFFFFFF00  }
0x41e: {  	v0 =	vld [tilespmem:s29+$0x30]  }
0x41f: {  	v1 =	vld [tilespmem:s29+$0xFFFFFFD0]  }
0x420: {  	v5 =	vld [tilespmem:s29+$0xFFFFFFE0]  }
0x421: {  	v6 =	vld [tilespmem:s29+$0xFFFFFFF0]  }
0x422: {  	v7 =	vld [tilespmem:s29+$0x0]  }
0x423: {  	v9 =	vld [tilespmem:s29+$0x10]  }
0x424: {  	v10 =	vld [tilespmem:s29+$0x20]  }
0x425: {  	v11 =	vld [tilespmem:s29+$0xFFFFFFC0]  }
0x426: {  	v12 =	vld.idx.msk [tilespmem:v0+s25+$0x0], $0xffff  }
0x427: {  	v13 =	vld.idx.msk [tilespmem:v1+s25+$0x0], $0xffff  }
0x428: {  	v8 =	vld.idx.msk [tilespmem:v5+s25+$0x0], $0xffff  }
0x429: {  	v6 =	vld.idx.msk [tilespmem:v6+s25+$0x0], $0xffff  }
0x42a: {  	v0 =	vld.idx.msk [tilespmem:v7+s25+$0x0], $0xffff  }
0x42b: {  	s4 =	simm.s32 $0x6C40;
	v1 =	vld.idx.msk [tilespmem:v9+s25+$0x0], $0xffff  }
0x42c: {  	v5 =	vld.idx.msk [tilespmem:v10+s25+$0x0], $0xffff;
	[tilespmem:s4+$0x30] =	vst v12  }
0x42d: {  	s5 =	simm.s32 $0x0;
	s6 =	simm.s32 $0x1940;
	v7 =	vld.idx.msk [tilespmem:v11+s25+$0x0], $0xffff;
	[tilespmem:s4+$0xFFFFFFD0] =	vst v13  }
.LBB2_16:
0x42e: {  	v9 =	vld [tilespmem:s6+$0x30];
	s5 =	sadd.s32 $0x80, s5;
	[tilespmem:s4+$0xFFFFFFE0] =	vst v8  }
0x42f: {  	v8 =	vld [tilespmem:s6+$0xFFFFFFD0];
	p0 =	slt.u32 s5, $0x1800;
	[tilespmem:s4+$0xFFFFFFF0] =	vst v6  }
0x430: {  	v6 =	vld [tilespmem:s6+$0xFFFFFFE0];
	[tilespmem:s4+$0x0] =	vst v0  }
0x431: {  	v0 =	vld [tilespmem:s6+$0xFFFFFFF0];
	[tilespmem:s4+$0x10] =	vst v1  }
0x432: {  	v1 =	vld [tilespmem:s6+$0x0];
	[tilespmem:s4+$0x20] =	vst v5  }
0x433: {  	v5 =	vld [tilespmem:s6+$0x10];
	[tilespmem:s4+$0xFFFFFFC0] =	vst v7  }
0x434: {  	v7 =	vld [tilespmem:s6+$0x20]  }
0x435: {  	v10 =	vld [tilespmem:s6+$0xFFFFFFC0]  }
0x436: {  	v9 =	vld.idx.msk [tilespmem:v9+s25+$0x0], $0xffff  }
0x437: {  	v11 =	vld.idx.msk [tilespmem:v8+s25+$0x0], $0xffff  }
0x438: {  	v8 =	vld.idx.msk [tilespmem:v6+s25+$0x0], $0xffff  }
.Ltmp7:
0x439: {  	v6 =	vld.idx.msk [tilespmem:v0+s25+$0x0], $0xffff;
	(pc) =	sbr.rel @p0 .LBB2_16-.Ltmp7, $4  }
0x43a: {  	v0 =	vld.idx.msk [tilespmem:v1+s25+$0x0], $0xffff  }
0x43b: {  	s4 =	sadd.s32 $0x80, s4;
	v1 =	vld.idx.msk [tilespmem:v5+s25+$0x0], $0xffff  }
0x43c: {  	v5 =	vld.idx.msk [tilespmem:v7+s25+$0x0], $0xffff;
	[tilespmem:s4+$0x30] =	vst v9  }
0x43d: {  	s6 =	sadd.s32 $0x80, s6;
	v7 =	vld.idx.msk [tilespmem:v10+s25+$0x0], $0xffff;
	[tilespmem:s4+$0xFFFFFFD0] =	vst v11  }
0x43e: {  	[tilespmem:s4+$0xFFFFFFE0] =	vst v8  }
0x43f: {  	[tilespmem:s4+$0xFFFFFFF0] =	vst v6  }
0x440: {  	[tilespmem:s4+$0x0] =	vst v0  }
0x441: {  	s31 =	sadd.s32 $0x1, s31;
	[tilespmem:s4+$0x10] =	vst v1  }
0x442: {  	p0 =	sne.s32 s31, s19;
	[tilespmem:s4+$0x20] =	vst v5  }
.Ltmp8:
0x443: {  	s29 =	simm.s32 $0x6C00;
	[tilespmem:s4+$0xFFFFFFC0] =	vst v7;
	(pc) =	sbr.rel @p0 .LBB2_1-.Ltmp8, $4  }
0x444: {  	[hbm4b:s18+s2] =	stream.linear.scatter [tilespmem:s29], [sflag:$0x5], $0x1880, $0x38;
	[tilespmem:$0x85A0] =	vst v63  }
0x445: {  	_ =	swait.ge [sflag:s30], $0x1880  }
0x446: {  	[sflag:s30] =	ssyncset.done $0x0  }
0x447: {  	[sflag:s30] =	ssyncadd.s32 $0xFFFFE780  }
0x448: {  	_ =	sfence.sel $0x180000  }
0x449: {  	[bflag:$0x0] =	sbarrier.arrive $0xFFFF  }
0x44a: {  	_ =	strace $0x90000047  }
0x44b: {  	s0 =	stileid.u32;
	[bflag:$0x2] =	sbarrier.arrive $0xFFFF  }
0x44c: {  	p0 =	sne.s32 s0, $0x0;
	s0 =	rddreg [dreg:$0x5]  }
0x44d: {  	s0 =	sadd.s32 @!p0 $0x100000, s0  }
0x44e: {  	[sflag:s0] =	ssyncadd.tile.s32 @!p0 $0x1;
	_ =	shalt  }
.Lfunc_end2:
_tile_overlayer_lowered:
.L_overlay_start_2:
0x44f: {  	(tag) =	ssettag $0x2  }
0x450: {  	s0 =	rddreg [dreg:$0x0];
	s2 =	stileid.u32  }
0x451: {  	s1 =	rddreg [dreg:$0x1];
	p0 =	sne.s32 s2, $0x0  }
0x452: {  	s3 =	rddreg [dreg:$0x2];
	[bflag:$0x3] =	sbarrier.arrive $0xFFFF;
	s2 =	simm.s32 @!p0 $0x1C05  }
0x453: {  	[timem:s3], [sflag:s2] =	dma.local @!p0 [hbm:s0], s1  }
0x454: {  	s0 =	simm.s32 @!p0 $0x5  }
0x455: {  	_ =	swait.ge @!p0 [sflag:s0], s1  }
0x456: {  	s1 =	ssub.s32 @!p0 $0x0, s1;
	[sflag:s0] =	ssyncset.done @!p0 $0x0  }
0x457: {  	[sflag:s0] =	ssyncadd.s32 @!p0 s1  }
0x458: {  	[bflag:$0x3] =	sbarrier.arrive $0xFFFF  }
0x459: {  	_ =	shalt  }

</sc_bundles>
